<compile_context>
chip_gen: v7x
topology: tpu7x:2x2x1
jax: 0.10.2.dev20260603
libtpu: 0.0.44.dev20260713+nightly
codegen_flags: <defaults>
</compile_context>

<pallas_src>
import functools

import jax
import jax.numpy as jnp
from jax import lax
from jax.experimental import pallas as pl
from jax.experimental.pallas import tpu as pltpu
from jax.experimental.pallas import tpu_sc as plsc

N = 10000
E = 320000
D = 128
H = 128
C = 6

R = 10000
NG = N // R

NW = 32
BB = 128
NB = 80
EP = NW * NB * BB
NPAD = 10240
RPT = NPAD // 16
DUMMY = NPAD - 1



@functools.cache
def _build_sc_scatter():
    mesh = plsc.VectorSubcoreMesh(core_axis_name="c", subcore_axis_name="s")

    @functools.partial(
        pl.kernel,
        mesh=mesh,
        out_type=jax.ShapeDtypeStruct((2, NPAD, D), jnp.float32),
        scratch_types=[
            pltpu.VMEM((NB, BB), jnp.int32),
            pltpu.VMEM((16, BB), jnp.int32),
            pltpu.VMEM((2 * BB, D), jnp.float32),
            pltpu.VMEM_SHARED((NPAD, D), jnp.float32),
            pltpu.SemaphoreType.DMA((2,)),
        ],
    )
    def sc_scatter(m_hbm, idx_hbm, zero_hbm, out_hbm,
                   idx_v, upk_v, rows_v, acc_s, sems):
        cid = lax.axis_index("c")
        sid = lax.axis_index("s")
        wid = sid * 2 + cid
        pltpu.sync_copy(zero_hbm.at[pl.ds(sid * RPT, RPT)],
                        acc_s.at[pl.ds(sid * RPT, RPT)])
        pltpu.sync_copy(idx_hbm.at[wid], idx_v)
        plsc.subcore_barrier()

        rows0 = rows_v.at[pl.ds(0, BB)]
        rows1 = rows_v.at[pl.ds(BB, BB)]
        sem0 = sems.at[0]
        sem1 = sems.at[1]

        def unpack(j, slot):
            for k in range(BB // 16):
                v = idx_v[j, pl.ds(k * 16, 16)]
                upk_v[2 * slot, pl.ds(k * 16, 16)] = v & 0xFFFF
                upk_v[2 * slot + 1, pl.ds(k * 16, 16)] = (
                    lax.shift_right_logical(v, 16))

        def gather(slot, rows, sem):
            pltpu.async_copy(m_hbm.at[upk_v.at[2 * slot]], rows, sem)

        def gwait(slot, rows, sem):
            pltpu.make_async_copy(m_hbm.at[upk_v.at[2 * slot]], rows,
                                  sem).wait()

        def scat(slot, rows):
            pltpu.sync_copy(rows, acc_s.at[upk_v.at[2 * slot + 1]], add=True)

        unpack(0, 0)
        gather(0, rows0, sem0)

        def body(i, carry):
            j0 = 2 * i
            unpack(j0 + 1, 1)
            gather(1, rows1, sem1)
            gwait(0, rows0, sem0)
            scat(0, rows0)
            unpack(j0 + 2, 0)
            gather(0, rows0, sem0)
            gwait(1, rows1, sem1)
            scat(1, rows1)
            return carry

        lax.fori_loop(0, NB // 2 - 1, body, 0)
        unpack(NB - 1, 1)
        gather(1, rows1, sem1)
        gwait(0, rows0, sem0)
        scat(0, rows0)
        gwait(1, rows1, sem1)
        scat(1, rows1)
        plsc.subcore_barrier()
        pltpu.sync_copy(acc_s.at[pl.ds(sid * RPT, RPT)],
                        out_hbm.at[cid, pl.ds(sid * RPT, RPT)])

    return sc_scatter


def _sc_scatter(m, idx, zeros_nd):
    return _build_sc_scatter()(m, idx, zeros_nd)



def _tc1_body(x_ref, w1_ref, b1_ref, wg1_ref, h0_ref, m1_ref):
    h0 = jnp.dot(x_ref[...], w1_ref[...],
                 preferred_element_type=jnp.float32) + b1_ref[...]
    h0_ref[...] = h0
    m1_ref[...] = jnp.dot(h0, wg1_ref[...], preferred_element_type=jnp.float32)


def _gru(p_ref, h_ref, wih_t, whh_t, bih, bhh):
    agg = p_ref[0] + p_ref[1]
    h = h_ref[...]
    gi = jnp.dot(agg, wih_t[...], preferred_element_type=jnp.float32) + bih[...]
    gh = jnp.dot(h, whh_t[...], preferred_element_type=jnp.float32) + bhh[...]
    r = jax.nn.sigmoid(gi[:, :H] + gh[:, :H])
    z = jax.nn.sigmoid(gi[:, H:2 * H] + gh[:, H:2 * H])
    n = jnp.tanh(gi[:, 2 * H:] + r * gh[:, 2 * H:])
    return (1.0 - z) * n + z * h


def _tc2_body(p_ref, h0_ref, wih_t, whh_t, bih, bhh, wg2_ref,
              h1e_ref, m2_ref):
    h1 = _gru(p_ref, h0_ref, wih_t, whh_t, bih, bhh)
    h1e = jnp.where(h1 > 0, h1, jnp.exp(jnp.minimum(h1, 0.0)) - 1.0)
    h1e_ref[...] = h1e
    m2_ref[...] = jnp.dot(h1e, wg2_ref[...], preferred_element_type=jnp.float32)


def _tc3_body(p_ref, h1e_ref, wih_t, whh_t, bih, bhh, wc_ref, bc_ref, y_ref,
              feat_ref, out_ref, loss_ref):
    feat = _gru(p_ref, h1e_ref, wih_t, whh_t, bih, bhh)
    feat_ref[...] = feat
    outp = jnp.dot(feat, wc_ref[...],
                   preferred_element_type=jnp.float32) + bc_ref[...]
    out_ref[...] = outp
    col = lax.broadcasted_iota(jnp.int32, (R, D), 1)
    valid = col < C
    masked = jnp.where(valid, outp, -jnp.inf)
    mx = jnp.max(masked, axis=1, keepdims=True)
    s = jnp.sum(jnp.where(valid, jnp.exp(masked - mx), 0.0),
                axis=1, keepdims=True)
    lse = jnp.log(s) + mx
    y_blk = y_ref[0, 0, :]
    picked = jnp.sum(jnp.where(col == y_blk[:, None], outp, 0.0),
                     axis=1, keepdims=True)
    part = jnp.sum(lse - picked).reshape(1, 1)
    i = pl.program_id(0)
    prev = jnp.where(i == 0, jnp.zeros((1, 1), jnp.float32), loss_ref[...])
    tot = prev + part
    loss_ref[...] = jnp.where(i == NG - 1, tot / N, tot)


def _row_spec(shape):
    return pl.BlockSpec(shape, lambda i: (i,) + (0,) * (len(shape) - 1))


def _full_spec(shape):
    return pl.BlockSpec(shape, lambda i: (0,) * len(shape))


def kernel(x, edge_index, edge_attr, y, W1, b1, Wg1, Wih1, Whh1, bih1, bhh1,
           Wg2, Wih2, Whh2, bih2, bhh2, Wc, bc):
    f32 = jnp.float32
    ept = E // NW
    pad = NB * BB - ept
    src_pad = (jnp.arange(pad, dtype=jnp.int32)[None, :] * 37 +
               977 * jnp.arange(NW, dtype=jnp.int32)[:, None]) % N
    src_p = jnp.concatenate(
        [edge_index[0].astype(jnp.int32).reshape(NW, ept), src_pad], axis=1)
    spare = NPAD - N
    dst_pad = N + (jnp.arange(pad, dtype=jnp.int32)[None, :] +
                   (spare // NW) * jnp.arange(NW, dtype=jnp.int32)[:, None]
                   ) % spare
    dst_p = jnp.concatenate(
        [edge_index[1].astype(jnp.int32).reshape(NW, ept), dst_pad], axis=1)
    idx = (src_p | (dst_p << 16)).reshape(NW, NB, BB)
    zeros_nd = jnp.zeros((NPAD, D), f32)

    b1r = b1.reshape(1, H)
    bih1r = bih1.reshape(1, 3 * H)
    bhh1r = bhh1.reshape(1, 3 * H)
    bih2r = bih2.reshape(1, 3 * H)
    bhh2r = bhh2.reshape(1, 3 * H)
    wih1_t = Wih1.T
    whh1_t = Whh1.T
    wih2_t = Wih2.T
    whh2_t = Whh2.T
    wc_pad = jnp.pad(Wc, ((0, 0), (0, D - C)))
    bc_pad = jnp.pad(bc, (0, D - C)).reshape(1, D)
    y3 = y.astype(jnp.int32).reshape(NG, 1, R)

    h0, m1 = pl.pallas_call(
        _tc1_body,
        grid=(NG,),
        in_specs=[_row_spec((R, D)), _full_spec((D, H)), _full_spec((1, H)),
                  _full_spec((H, H))],
        out_specs=[_row_spec((R, H)), _row_spec((R, H))],
        out_shape=[jax.ShapeDtypeStruct((N, H), f32),
                   jax.ShapeDtypeStruct((N, H), f32)],
    )(x, W1, b1r, Wg1)

    p1 = _sc_scatter(m1, idx, zeros_nd)

    gru_in_specs = [
        pl.BlockSpec((2, R, H), lambda i: (0, i, 0)),
        _row_spec((R, H)),
        _full_spec((H, 3 * H)), _full_spec((H, 3 * H)),
        _full_spec((1, 3 * H)), _full_spec((1, 3 * H)),
    ]

    h1e, m2 = pl.pallas_call(
        _tc2_body,
        grid=(NG,),
        in_specs=gru_in_specs + [_full_spec((H, H))],
        out_specs=[_row_spec((R, H)), _row_spec((R, H))],
        out_shape=[jax.ShapeDtypeStruct((N, H), f32),
                   jax.ShapeDtypeStruct((N, H), f32)],
    )(p1, h0, wih1_t, whh1_t, bih1r, bhh1r, Wg2)

    p2 = _sc_scatter(m2, idx, zeros_nd)

    feat, out_pad, loss_arr = pl.pallas_call(
        _tc3_body,
        grid=(NG,),
        in_specs=gru_in_specs + [_full_spec((H, D)), _full_spec((1, D)),
                                 pl.BlockSpec((1, 1, R), lambda i: (i, 0, 0))],
        out_specs=[_row_spec((R, H)), _row_spec((R, D)), _full_spec((1, 1))],
        out_shape=[jax.ShapeDtypeStruct((N, H), f32),
                   jax.ShapeDtypeStruct((N, D), f32),
                   jax.ShapeDtypeStruct((1, 1), f32)],
    )(p2, h1e, wih2_t, whh2_t, bih2r, bhh2r, wc_pad, bc_pad, y3)

    output = out_pad[:, :C]
    loss = loss_arr[0, 0]
    return (output, loss, feat)

# --- scband reference (transcript-rebuilt; emitter-appended) ---
"""Pipeline reference for scband-gated-graph-conv-model-69544110457566 (READ-ONLY COPY).

The authoritative reference and input builder live on the scoring server;
editing this copy changes nothing except your own understanding.
"""

import jax, jax.numpy as jnp
import numpy as np

N = 10000
E = 320000
D = 128
H = 128
C = 6


def _gru_cell(m, h, W_ih, W_hh, b_ih, b_hh):
    gi = m @ W_ih.T + b_ih
    gh = h @ W_hh.T + b_hh
    i_r, i_z, i_n = jnp.split(gi, 3, axis=-1)
    h_r, h_z, h_n = jnp.split(gh, 3, axis=-1)
    r = jax.nn.sigmoid(i_r + h_r)
    z = jax.nn.sigmoid(i_z + h_z)
    n = jnp.tanh(i_n + r * h_n)
    return (1.0 - z) * n + z * h


def _gated_conv(x, edge_index, W, W_ih, W_hh, b_ih, b_hh):
    # GatedGraphConv with num_layers=1, aggr='add'
    m = x @ W
    src = edge_index[0]
    dst = edge_index[1]
    agg = jnp.zeros_like(m).at[dst].add(m[src])
    return _gru_cell(agg, x, W_ih, W_hh, b_ih, b_hh)


def setup_inputs(seed: int = 0) -> dict:
    key = jax.random.key(seed)
    ks = jax.random.split(key, 16)
    s = 0.05
    inp = {}
    inp['x'] = jax.random.normal(ks[0], (N, D), dtype=jnp.float32)
    inp['edge_index'] = jax.random.randint(ks[1], (2, E), 0, N)
    inp['edge_attr'] = jax.random.normal(ks[2], (E, 4), dtype=jnp.float32)
    inp['y'] = jax.random.randint(ks[3], (N,), 0, C)
    inp['W1'] = jax.random.normal(ks[4], (D, H), dtype=jnp.float32) * s
    inp['b1'] = jnp.zeros((H,), jnp.float32)
    inp['Wg1'] = jax.random.normal(ks[5], (H, H), dtype=jnp.float32) * s
    inp['Wih1'] = jax.random.normal(ks[6], (3 * H, H), dtype=jnp.float32) * s
    inp['Whh1'] = jax.random.normal(ks[7], (3 * H, H), dtype=jnp.float32) * s
    inp['bih1'] = jnp.zeros((3 * H,), jnp.float32)
    inp['bhh1'] = jnp.zeros((3 * H,), jnp.float32)
    inp['Wg2'] = jax.random.normal(ks[8], (H, H), dtype=jnp.float32) * s
    inp['Wih2'] = jax.random.normal(ks[9], (3 * H, H), dtype=jnp.float32) * s
    inp['Whh2'] = jax.random.normal(ks[10], (3 * H, H), dtype=jnp.float32) * s
    inp['bih2'] = jnp.zeros((3 * H,), jnp.float32)
    inp['bhh2'] = jnp.zeros((3 * H,), jnp.float32)
    inp['Wc'] = jax.random.normal(ks[11], (H, C), dtype=jnp.float32) * s
    inp['bc'] = jnp.zeros((C,), jnp.float32)
    return inp


def reference(x, edge_index, edge_attr, y, W1, b1, Wg1, Wih1, Whh1, bih1, bhh1, Wg2, Wih2, Whh2, bih2, bhh2, Wc, bc):
    h = x @ W1 + b1
    h = _gated_conv(h, edge_index, Wg1, Wih1, Whh1, bih1, bhh1)
    h = jax.nn.elu(h)
    h = _gated_conv(h, edge_index, Wg2, Wih2, Whh2, bih2, bhh2)
    features = h
    output = features @ Wc + bc
    lse = jax.nn.logsumexp(output, axis=-1)
    picked = jnp.take_along_axis(output, y[:, None], axis=1)[:, 0]
    loss = jnp.mean(lse - picked)
    return (output, loss, features)

if __name__ == "__main__":
    import jax
    _d = setup_inputs()
    print(jax.jit(kernel)(*tuple(_d.values())))

</pallas_src>

<mosaic_0001>
#map = affine_map<(d0, d1) -> (0, 0)>
#map1 = affine_map<(d0, d1) -> (0, 0, 0)>
module attributes {stable_mosaic.version = 14 : i64} {
  func.func @sc_scatter(%arg0: i32, %arg1: i32, %arg2: memref<10000x128xf32, #tpu.memory_space<hbm>>, %arg3: memref<32x80x128xi32, #tpu.memory_space<hbm>>, %arg4: memref<10240x128xf32, #tpu.memory_space<hbm>>, %arg5: memref<2x10240x128xf32, #tpu.memory_space<hbm>>, %arg6: memref<80x128xi32, #tpu.memory_space<vmem>>, %arg7: memref<16x128xi32, #tpu.memory_space<vmem>>, %arg8: memref<256x128xf32, #tpu.memory_space<vmem>>, %arg9: memref<10240x128xf32, #tpu.memory_space<vmem_shared>>, %arg10: memref<2x!tpu.dma_semaphore, #tpu.memory_space<semaphore_mem>>) attributes {dimension_semantics = [#tpu.dimension_semantics<core_parallel>, #tpu.dimension_semantics<subcore_parallel>], iteration_bounds = array<i64: 2, 16>, scalar_prefetch = 0 : i64, scratch_operands = 5 : i64, tpu.core_type = #tpu.core_type<sc_vector_subcore>, window_params = [{transform_indices = #map}, {transform_indices = #map1}, {transform_indices = #map}, {transform_indices = #map1}]} {
    %mul3A = arith.constant 2 : i32
    %mul3A_0 = arith.muli %arg1, %mul3A : i32
    %add3A = arith.addi %mul3A_0, %arg0 : i32
    %mul3A_1 = arith.constant 640 : i32
    %mul3A_2 = arith.muli %arg1, %mul3A_1 : i32
    %mul3A_3 = arith.constant 640 : i32
    %mul3A_4 = arith.muli %arg1, %mul3A_3 : i32
    "tpu.region"() ({
      %run_scoped3A_432 = tpu.sem_alloc : memref<!tpu.dma_semaphore, #tpu.memory_space<semaphore_mem>>
      %dma_start3A_433 = arith.constant 0 : i32
      %dma_start3A_434 = tpu.memref_slice %arg9[%mul3A_4, %dma_start3A_433] : memref<10240x128xf32, #tpu.memory_space<vmem_shared>> -> memref<640x128xf32, #tpu.memory_space<vmem_shared>>
      %dma_start3A_435 = arith.constant 0 : i32
      %dma_start3A_436 = tpu.memref_slice %arg4[%mul3A_2, %dma_start3A_435] : memref<10240x128xf32, #tpu.memory_space<hbm>> -> memref<640x128xf32, #tpu.memory_space<hbm>>
      tpu.enqueue_dma source(%dma_start3A_436 : memref<640x128xf32, #tpu.memory_space<hbm>>) target(%dma_start3A_434 : memref<640x128xf32, #tpu.memory_space<vmem_shared>>) target_semaphore(%run_scoped3A_432 : memref<!tpu.dma_semaphore, #tpu.memory_space<semaphore_mem>>)
      %dma_wait3A_437 = arith.constant 0 : i32
      %dma_wait3A_438 = tpu.memref_slice %arg9[%mul3A_4, %dma_wait3A_437] : memref<10240x128xf32, #tpu.memory_space<vmem_shared>> -> memref<640x128xf32, #tpu.memory_space<vmem_shared>>
      %dma_wait3A_439 = arith.constant 0 : i32
      %dma_wait3A_440 = tpu.memref_slice %arg4[%mul3A_2, %dma_wait3A_439] : memref<10240x128xf32, #tpu.memory_space<hbm>> -> memref<640x128xf32, #tpu.memory_space<hbm>>
      tpu.wait_dma2 semaphore(%run_scoped3A_432 : memref<!tpu.dma_semaphore, #tpu.memory_space<semaphore_mem>>) src(%dma_wait3A_440 : memref<640x128xf32, #tpu.memory_space<hbm>>) dst(%dma_wait3A_438 : memref<640x128xf32, #tpu.memory_space<vmem_shared>>)
      tpu.yield
    }) : () -> ()
    "tpu.region"() ({
      %run_scoped3A_432 = tpu.sem_alloc : memref<!tpu.dma_semaphore, #tpu.memory_space<semaphore_mem>>
      %dma_start3A_433 = arith.constant 0 : i32
      %dma_start3A_434 = arith.constant 0 : i32
      %dma_start3A_435 = tpu.memref_slice %arg3[%add3A, %dma_start3A_433, %dma_start3A_434] : memref<32x80x128xi32, #tpu.memory_space<hbm>> -> memref<1x80x128xi32, #tpu.memory_space<hbm>>
      %dma_start3A_436 = tpu.memref_squeeze %dma_start3A_435 : memref<1x80x128xi32, #tpu.memory_space<hbm>> -> memref<80x128xi32, #tpu.memory_space<hbm>>
      %dma_start3A_437 = arith.constant 0 : i32
      %dma_start3A_438 = arith.constant 0 : i32
      %dma_start3A_439 = tpu.memref_slice %arg3[%add3A, %dma_start3A_437, %dma_start3A_438] : memref<32x80x128xi32, #tpu.memory_space<hbm>> -> memref<1x80x128xi32, #tpu.memory_space<hbm>>
      %dma_start3A_440 = tpu.memref_squeeze %dma_start3A_439 : memref<1x80x128xi32, #tpu.memory_space<hbm>> -> memref<80x128xi32, #tpu.memory_space<hbm>>
      tpu.enqueue_dma source(%dma_start3A_440 : memref<80x128xi32, #tpu.memory_space<hbm>>) target(%arg6 : memref<80x128xi32, #tpu.memory_space<vmem>>) target_semaphore(%run_scoped3A_432 : memref<!tpu.dma_semaphore, #tpu.memory_space<semaphore_mem>>)
      %dma_wait3A_441 = arith.constant 0 : i32
      %dma_wait3A_442 = arith.constant 0 : i32
      %dma_wait3A_443 = tpu.memref_slice %arg3[%add3A, %dma_wait3A_441, %dma_wait3A_442] : memref<32x80x128xi32, #tpu.memory_space<hbm>> -> memref<1x80x128xi32, #tpu.memory_space<hbm>>
      %dma_wait3A_444 = tpu.memref_squeeze %dma_wait3A_443 : memref<1x80x128xi32, #tpu.memory_space<hbm>> -> memref<80x128xi32, #tpu.memory_space<hbm>>
      %dma_wait3A_445 = arith.constant 0 : i32
      %dma_wait3A_446 = arith.constant 0 : i32
      %dma_wait3A_447 = tpu.memref_slice %arg3[%add3A, %dma_wait3A_445, %dma_wait3A_446] : memref<32x80x128xi32, #tpu.memory_space<hbm>> -> memref<1x80x128xi32, #tpu.memory_space<hbm>>
      %dma_wait3A_448 = tpu.memref_squeeze %dma_wait3A_447 : memref<1x80x128xi32, #tpu.memory_space<hbm>> -> memref<80x128xi32, #tpu.memory_space<hbm>>
      tpu.wait_dma2 semaphore(%run_scoped3A_432 : memref<!tpu.dma_semaphore, #tpu.memory_space<semaphore_mem>>) src(%dma_wait3A_448 : memref<80x128xi32, #tpu.memory_space<hbm>>) dst(%arg6 : memref<80x128xi32, #tpu.memory_space<vmem>>)
      tpu.yield
    }) : () -> ()
    %barrier3A = arith.constant 0 : index
    tpu.barrier barrier_id(%barrier3A)
    %get3A = arith.constant 0 : i32
    %get3A_5 = arith.index_cast %get3A : i32 to index
    %get3A_6 = arith.constant 0 : index
    %get3A_7 = tpu.vector_load %arg6[%get3A_5, %get3A_6] {strides = array<i32>} : memref<80x128xi32, #tpu.memory_space<vmem>>, vector<1x16xi32>,
    %get3A_8 = vector.shape_cast %get3A_7 : vector<1x16xi32> to vector<16xi32>
    %and3A = arith.constant 65535 : i32
    %and3A_9 = vector.broadcast %and3A : i32 to vector<16xi32>
    %and3A_10 = arith.andi %get3A_8, %and3A_9 : vector<16xi32>
    %swap3A = arith.constant 0 : i32
    %swap3A_11 = arith.index_cast %swap3A : i32 to index
    %swap3A_12 = arith.constant 0 : index
    %swap3A_13 = tpu.vector_load %arg7[%swap3A_11, %swap3A_12] {strides = array<i32>} : memref<16x128xi32, #tpu.memory_space<vmem>>, vector<1x16xi32>,
    %swap3A_14 = vector.shape_cast %swap3A_13 : vector<1x16xi32> to vector<16xi32>
    %swap3A_15 = vector.shape_cast %and3A_10 : vector<16xi32> to vector<1x16xi32>
    tpu.vector_store %arg7[%swap3A_11, %swap3A_12], %swap3A_15 {strides = array<i32>} : memref<16x128xi32, #tpu.memory_space<vmem>>, vector<1x16xi32>,
    %shift_right_logical3A = arith.constant 16 : i32
    %shift_right_logical3A_16 = vector.broadcast %shift_right_logical3A : i32 to vector<16xi32>
    %shift_right_logical3A_17 = arith.shrui %get3A_8, %shift_right_logical3A_16 : vector<16xi32>
    %swap3A_18 = arith.constant 1 : i32
    %swap3A_19 = arith.index_cast %swap3A_18 : i32 to index
    %swap3A_20 = arith.constant 0 : index
    %swap3A_21 = tpu.vector_load %arg7[%swap3A_19, %swap3A_20] {strides = array<i32>} : memref<16x128xi32, #tpu.memory_space<vmem>>, vector<1x16xi32>,
    %swap3A_22 = vector.shape_cast %swap3A_21 : vector<1x16xi32> to vector<16xi32>
    %swap3A_23 = vector.shape_cast %shift_right_logical3A_17 : vector<16xi32> to vector<1x16xi32>
    tpu.vector_store %arg7[%swap3A_19, %swap3A_20], %swap3A_23 {strides = array<i32>} : memref<16x128xi32, #tpu.memory_space<vmem>>, vector<1x16xi32>,
    %get3A_24 = arith.constant 0 : i32
    %get3A_25 = arith.index_cast %get3A_24 : i32 to index
    %get3A_26 = arith.constant 16 : index
    %get3A_27 = tpu.vector_load %arg6[%get3A_25, %get3A_26] {strides = array<i32>} : memref<80x128xi32, #tpu.memory_space<vmem>>, vector<1x16xi32>,
    %get3A_28 = vector.shape_cast %get3A_27 : vector<1x16xi32> to vector<16xi32>
    %and3A_29 = arith.constant 65535 : i32
    %and3A_30 = vector.broadcast %and3A_29 : i32 to vector<16xi32>
    %and3A_31 = arith.andi %get3A_28, %and3A_30 : vector<16xi32>
    %swap3A_32 = arith.constant 0 : i32
    %swap3A_33 = arith.index_cast %swap3A_32 : i32 to index
    %swap3A_34 = arith.constant 16 : index
    %swap3A_35 = tpu.vector_load %arg7[%swap3A_33, %swap3A_34] {strides = array<i32>} : memref<16x128xi32, #tpu.memory_space<vmem>>, vector<1x16xi32>,
    %swap3A_36 = vector.shape_cast %swap3A_35 : vector<1x16xi32> to vector<16xi32>
    %swap3A_37 = vector.shape_cast %and3A_31 : vector<16xi32> to vector<1x16xi32>
    tpu.vector_store %arg7[%swap3A_33, %swap3A_34], %swap3A_37 {strides = array<i32>} : memref<16x128xi32, #tpu.memory_space<vmem>>, vector<1x16xi32>,
    %shift_right_logical3A_38 = arith.constant 16 : i32
    %shift_right_logical3A_39 = vector.broadcast %shift_right_logical3A_38 : i32 to vector<16xi32>
    %shift_right_logical3A_40 = arith.shrui %get3A_28, %shift_right_logical3A_39 : vector<16xi32>
    %swap3A_41 = arith.constant 1 : i32
    %swap3A_42 = arith.index_cast %swap3A_41 : i32 to index
    %swap3A_43 = arith.constant 16 : index
    %swap3A_44 = tpu.vector_load %arg7[%swap3A_42, %swap3A_43] {strides = array<i32>} : memref<16x128xi32, #tpu.memory_space<vmem>>, vector<1x16xi32>,
    %swap3A_45 = vector.shape_cast %swap3A_44 : vector<1x16xi32> to vector<16xi32>
    %swap3A_46 = vector.shape_cast %shift_right_logical3A_40 : vector<16xi32> to vector<1x16xi32>
    tpu.vector_store %arg7[%swap3A_42, %swap3A_43], %swap3A_46 {strides = array<i32>} : memref<16x128xi32, #tpu.memory_space<vmem>>, vector<1x16xi32>,
    %get3A_47 = arith.constant 0 : i32
    %get3A_48 = arith.index_cast %get3A_47 : i32 to index
    %get3A_49 = arith.constant 32 : index
    %get3A_50 = tpu.vector_load %arg6[%get3A_48, %get3A_49] {strides = array<i32>} : memref<80x128xi32, #tpu.memory_space<vmem>>, vector<1x16xi32>,
    %get3A_51 = vector.shape_cast %get3A_50 : vector<1x16xi32> to vector<16xi32>
    %and3A_52 = arith.constant 65535 : i32
    %and3A_53 = vector.broadcast %and3A_52 : i32 to vector<16xi32>
    %and3A_54 = arith.andi %get3A_51, %and3A_53 : vector<16xi32>
    %swap3A_55 = arith.constant 0 : i32
    %swap3A_56 = arith.index_cast %swap3A_55 : i32 to index
    %swap3A_57 = arith.constant 32 : index
    %swap3A_58 = tpu.vector_load %arg7[%swap3A_56, %swap3A_57] {strides = array<i32>} : memref<16x128xi32, #tpu.memory_space<vmem>>, vector<1x16xi32>,
    %swap3A_59 = vector.shape_cast %swap3A_58 : vector<1x16xi32> to vector<16xi32>
    %swap3A_60 = vector.shape_cast %and3A_54 : vector<16xi32> to vector<1x16xi32>
    tpu.vector_store %arg7[%swap3A_56, %swap3A_57], %swap3A_60 {strides = array<i32>} : memref<16x128xi32, #tpu.memory_space<vmem>>, vector<1x16xi32>,
    %shift_right_logical3A_61 = arith.constant 16 : i32
    %shift_right_logical3A_62 = vector.broadcast %shift_right_logical3A_61 : i32 to vector<16xi32>
    %shift_right_logical3A_63 = arith.shrui %get3A_51, %shift_right_logical3A_62 : vector<16xi32>
    %swap3A_64 = arith.constant 1 : i32
    %swap3A_65 = arith.index_cast %swap3A_64 : i32 to index
    %swap3A_66 = arith.constant 32 : index
    %swap3A_67 = tpu.vector_load %arg7[%swap3A_65, %swap3A_66] {strides = array<i32>} : memref<16x128xi32, #tpu.memory_space<vmem>>, vector<1x16xi32>,
    %swap3A_68 = vector.shape_cast %swap3A_67 : vector<1x16xi32> to vector<16xi32>
    %swap3A_69 = vector.shape_cast %shift_right_logical3A_63 : vector<16xi32> to vector<1x16xi32>
    tpu.vector_store %arg7[%swap3A_65, %swap3A_66], %swap3A_69 {strides = array<i32>} : memref<16x128xi32, #tpu.memory_space<vmem>>, vector<1x16xi32>,
    %get3A_70 = arith.constant 0 : i32
    %get3A_71 = arith.index_cast %get3A_70 : i32 to index
    %get3A_72 = arith.constant 48 : index
    %get3A_73 = tpu.vector_load %arg6[%get3A_71, %get3A_72] {strides = array<i32>} : memref<80x128xi32, #tpu.memory_space<vmem>>, vector<1x16xi32>,
    %get3A_74 = vector.shape_cast %get3A_73 : vector<1x16xi32> to vector<16xi32>
    %and3A_75 = arith.constant 65535 : i32
    %and3A_76 = vector.broadcast %and3A_75 : i32 to vector<16xi32>
    %and3A_77 = arith.andi %get3A_74, %and3A_76 : vector<16xi32>
    %swap3A_78 = arith.constant 0 : i32
    %swap3A_79 = arith.index_cast %swap3A_78 : i32 to index
    %swap3A_80 = arith.constant 48 : index
    %swap3A_81 = tpu.vector_load %arg7[%swap3A_79, %swap3A_80] {strides = array<i32>} : memref<16x128xi32, #tpu.memory_space<vmem>>, vector<1x16xi32>,
    %swap3A_82 = vector.shape_cast %swap3A_81 : vector<1x16xi32> to vector<16xi32>
    %swap3A_83 = vector.shape_cast %and3A_77 : vector<16xi32> to vector<1x16xi32>
    tpu.vector_store %arg7[%swap3A_79, %swap3A_80], %swap3A_83 {strides = array<i32>} : memref<16x128xi32, #tpu.memory_space<vmem>>, vector<1x16xi32>,
    %shift_right_logical3A_84 = arith.constant 16 : i32
    %shift_right_logical3A_85 = vector.broadcast %shift_right_logical3A_84 : i32 to vector<16xi32>
    %shift_right_logical3A_86 = arith.shrui %get3A_74, %shift_right_logical3A_85 : vector<16xi32>
    %swap3A_87 = arith.constant 1 : i32
    %swap3A_88 = arith.index_cast %swap3A_87 : i32 to index
    %swap3A_89 = arith.constant 48 : index
    %swap3A_90 = tpu.vector_load %arg7[%swap3A_88, %swap3A_89] {strides = array<i32>} : memref<16x128xi32, #tpu.memory_space<vmem>>, vector<1x16xi32>,
    %swap3A_91 = vector.shape_cast %swap3A_90 : vector<1x16xi32> to vector<16xi32>
    %swap3A_92 = vector.shape_cast %shift_right_logical3A_86 : vector<16xi32> to vector<1x16xi32>
    tpu.vector_store %arg7[%swap3A_88, %swap3A_89], %swap3A_92 {strides = array<i32>} : memref<16x128xi32, #tpu.memory_space<vmem>>, vector<1x16xi32>,
    %get3A_93 = arith.constant 0 : i32
    %get3A_94 = arith.index_cast %get3A_93 : i32 to index
    %get3A_95 = arith.constant 64 : index
    %get3A_96 = tpu.vector_load %arg6[%get3A_94, %get3A_95] {strides = array<i32>} : memref<80x128xi32, #tpu.memory_space<vmem>>, vector<1x16xi32>,
    %get3A_97 = vector.shape_cast %get3A_96 : vector<1x16xi32> to vector<16xi32>
    %and3A_98 = arith.constant 65535 : i32
    %and3A_99 = vector.broadcast %and3A_98 : i32 to vector<16xi32>
    %and3A_100 = arith.andi %get3A_97, %and3A_99 : vector<16xi32>
    %swap3A_101 = arith.constant 0 : i32
    %swap3A_102 = arith.index_cast %swap3A_101 : i32 to index
    %swap3A_103 = arith.constant 64 : index
    %swap3A_104 = tpu.vector_load %arg7[%swap3A_102, %swap3A_103] {strides = array<i32>} : memref<16x128xi32, #tpu.memory_space<vmem>>, vector<1x16xi32>,
    %swap3A_105 = vector.shape_cast %swap3A_104 : vector<1x16xi32> to vector<16xi32>
    %swap3A_106 = vector.shape_cast %and3A_100 : vector<16xi32> to vector<1x16xi32>
    tpu.vector_store %arg7[%swap3A_102, %swap3A_103], %swap3A_106 {strides = array<i32>} : memref<16x128xi32, #tpu.memory_space<vmem>>, vector<1x16xi32>,
    %shift_right_logical3A_107 = arith.constant 16 : i32
    %shift_right_logical3A_108 = vector.broadcast %shift_right_logical3A_107 : i32 to vector<16xi32>
    %shift_right_logical3A_109 = arith.shrui %get3A_97, %shift_right_logical3A_108 : vector<16xi32>
    %swap3A_110 = arith.constant 1 : i32
    %swap3A_111 = arith.index_cast %swap3A_110 : i32 to index
    %swap3A_112 = arith.constant 64 : index
    %swap3A_113 = tpu.vector_load %arg7[%swap3A_111, %swap3A_112] {strides = array<i32>} : memref<16x128xi32, #tpu.memory_space<vmem>>, vector<1x16xi32>,
    %swap3A_114 = vector.shape_cast %swap3A_113 : vector<1x16xi32> to vector<16xi32>
    %swap3A_115 = vector.shape_cast %shift_right_logical3A_109 : vector<16xi32> to vector<1x16xi32>
    tpu.vector_store %arg7[%swap3A_111, %swap3A_112], %swap3A_115 {strides = array<i32>} : memref<16x128xi32, #tpu.memory_space<vmem>>, vector<1x16xi32>,
    %get3A_116 = arith.constant 0 : i32
    %get3A_117 = arith.index_cast %get3A_116 : i32 to index
    %get3A_118 = arith.constant 80 : index
    %get3A_119 = tpu.vector_load %arg6[%get3A_117, %get3A_118] {strides = array<i32>} : memref<80x128xi32, #tpu.memory_space<vmem>>, vector<1x16xi32>,
    %get3A_120 = vector.shape_cast %get3A_119 : vector<1x16xi32> to vector<16xi32>
    %and3A_121 = arith.constant 65535 : i32
    %and3A_122 = vector.broadcast %and3A_121 : i32 to vector<16xi32>
    %and3A_123 = arith.andi %get3A_120, %and3A_122 : vector<16xi32>
    %swap3A_124 = arith.constant 0 : i32
    %swap3A_125 = arith.index_cast %swap3A_124 : i32 to index
    %swap3A_126 = arith.constant 80 : index
    %swap3A_127 = tpu.vector_load %arg7[%swap3A_125, %swap3A_126] {strides = array<i32>} : memref<16x128xi32, #tpu.memory_space<vmem>>, vector<1x16xi32>,
    %swap3A_128 = vector.shape_cast %swap3A_127 : vector<1x16xi32> to vector<16xi32>
    %swap3A_129 = vector.shape_cast %and3A_123 : vector<16xi32> to vector<1x16xi32>
    tpu.vector_store %arg7[%swap3A_125, %swap3A_126], %swap3A_129 {strides = array<i32>} : memref<16x128xi32, #tpu.memory_space<vmem>>, vector<1x16xi32>,
    %shift_right_logical3A_130 = arith.constant 16 : i32
    %shift_right_logical3A_131 = vector.broadcast %shift_right_logical3A_130 : i32 to vector<16xi32>
    %shift_right_logical3A_132 = arith.shrui %get3A_120, %shift_right_logical3A_131 : vector<16xi32>
    %swap3A_133 = arith.constant 1 : i32
    %swap3A_134 = arith.index_cast %swap3A_133 : i32 to index
    %swap3A_135 = arith.constant 80 : index
    %swap3A_136 = tpu.vector_load %arg7[%swap3A_134, %swap3A_135] {strides = array<i32>} : memref<16x128xi32, #tpu.memory_space<vmem>>, vector<1x16xi32>,
    %swap3A_137 = vector.shape_cast %swap3A_136 : vector<1x16xi32> to vector<16xi32>
    %swap3A_138 = vector.shape_cast %shift_right_logical3A_132 : vector<16xi32> to vector<1x16xi32>
    tpu.vector_store %arg7[%swap3A_134, %swap3A_135], %swap3A_138 {strides = array<i32>} : memref<16x128xi32, #tpu.memory_space<vmem>>, vector<1x16xi32>,
    %get3A_139 = arith.constant 0 : i32
    %get3A_140 = arith.index_cast %get3A_139 : i32 to index
    %get3A_141 = arith.constant 96 : index
    %get3A_142 = tpu.vector_load %arg6[%get3A_140, %get3A_141] {strides = array<i32>} : memref<80x128xi32, #tpu.memory_space<vmem>>, vector<1x16xi32>,
    %get3A_143 = vector.shape_cast %get3A_142 : vector<1x16xi32> to vector<16xi32>
    %and3A_144 = arith.constant 65535 : i32
    %and3A_145 = vector.broadcast %and3A_144 : i32 to vector<16xi32>
    %and3A_146 = arith.andi %get3A_143, %and3A_145 : vector<16xi32>
    %swap3A_147 = arith.constant 0 : i32
    %swap3A_148 = arith.index_cast %swap3A_147 : i32 to index
    %swap3A_149 = arith.constant 96 : index
    %swap3A_150 = tpu.vector_load %arg7[%swap3A_148, %swap3A_149] {strides = array<i32>} : memref<16x128xi32, #tpu.memory_space<vmem>>, vector<1x16xi32>,
    %swap3A_151 = vector.shape_cast %swap3A_150 : vector<1x16xi32> to vector<16xi32>
    %swap3A_152 = vector.shape_cast %and3A_146 : vector<16xi32> to vector<1x16xi32>
    tpu.vector_store %arg7[%swap3A_148, %swap3A_149], %swap3A_152 {strides = array<i32>} : memref<16x128xi32, #tpu.memory_space<vmem>>, vector<1x16xi32>,
    %shift_right_logical3A_153 = arith.constant 16 : i32
    %shift_right_logical3A_154 = vector.broadcast %shift_right_logical3A_153 : i32 to vector<16xi32>
    %shift_right_logical3A_155 = arith.shrui %get3A_143, %shift_right_logical3A_154 : vector<16xi32>
    %swap3A_156 = arith.constant 1 : i32
    %swap3A_157 = arith.index_cast %swap3A_156 : i32 to index
    %swap3A_158 = arith.constant 96 : index
    %swap3A_159 = tpu.vector_load %arg7[%swap3A_157, %swap3A_158] {strides = array<i32>} : memref<16x128xi32, #tpu.memory_space<vmem>>, vector<1x16xi32>,
    %swap3A_160 = vector.shape_cast %swap3A_159 : vector<1x16xi32> to vector<16xi32>
    %swap3A_161 = vector.shape_cast %shift_right_logical3A_155 : vector<16xi32> to vector<1x16xi32>
    tpu.vector_store %arg7[%swap3A_157, %swap3A_158], %swap3A_161 {strides = array<i32>} : memref<16x128xi32, #tpu.memory_space<vmem>>, vector<1x16xi32>,
    %get3A_162 = arith.constant 0 : i32
    %get3A_163 = arith.index_cast %get3A_162 : i32 to index
    %get3A_164 = arith.constant 112 : index
    %get3A_165 = tpu.vector_load %arg6[%get3A_163, %get3A_164] {strides = array<i32>} : memref<80x128xi32, #tpu.memory_space<vmem>>, vector<1x16xi32>,
    %get3A_166 = vector.shape_cast %get3A_165 : vector<1x16xi32> to vector<16xi32>
    %and3A_167 = arith.constant 65535 : i32
    %and3A_168 = vector.broadcast %and3A_167 : i32 to vector<16xi32>
    %and3A_169 = arith.andi %get3A_166, %and3A_168 : vector<16xi32>
    %swap3A_170 = arith.constant 0 : i32
    %swap3A_171 = arith.index_cast %swap3A_170 : i32 to index
    %swap3A_172 = arith.constant 112 : index
    %swap3A_173 = tpu.vector_load %arg7[%swap3A_171, %swap3A_172] {strides = array<i32>} : memref<16x128xi32, #tpu.memory_space<vmem>>, vector<1x16xi32>,
    %swap3A_174 = vector.shape_cast %swap3A_173 : vector<1x16xi32> to vector<16xi32>
    %swap3A_175 = vector.shape_cast %and3A_169 : vector<16xi32> to vector<1x16xi32>
    tpu.vector_store %arg7[%swap3A_171, %swap3A_172], %swap3A_175 {strides = array<i32>} : memref<16x128xi32, #tpu.memory_space<vmem>>, vector<1x16xi32>,
    %shift_right_logical3A_176 = arith.constant 16 : i32
    %shift_right_logical3A_177 = vector.broadcast %shift_right_logical3A_176 : i32 to vector<16xi32>
    %shift_right_logical3A_178 = arith.shrui %get3A_166, %shift_right_logical3A_177 : vector<16xi32>
    %swap3A_179 = arith.constant 1 : i32
    %swap3A_180 = arith.index_cast %swap3A_179 : i32 to index
    %swap3A_181 = arith.constant 112 : index
    %swap3A_182 = tpu.vector_load %arg7[%swap3A_180, %swap3A_181] {strides = array<i32>} : memref<16x128xi32, #tpu.memory_space<vmem>>, vector<1x16xi32>,
    %swap3A_183 = vector.shape_cast %swap3A_182 : vector<1x16xi32> to vector<16xi32>
    %swap3A_184 = vector.shape_cast %shift_right_logical3A_178 : vector<16xi32> to vector<1x16xi32>
    tpu.vector_store %arg7[%swap3A_180, %swap3A_181], %swap3A_184 {strides = array<i32>} : memref<16x128xi32, #tpu.memory_space<vmem>>, vector<1x16xi32>,
    %dma_start3A = arith.constant 0 : i32
    %dma_start3A_185 = arith.constant 0 : i32
    %dma_start3A_186 = arith.constant 0 : i32
    %dma_start3A_187 = arith.constant 0 : i32
    %dma_start3A_188 = tpu.memref_slice %arg8[%dma_start3A_186, %dma_start3A_187] : memref<256x128xf32, #tpu.memory_space<vmem>> -> memref<128x128xf32, #tpu.memory_space<vmem>>
    %dma_start3A_189 = arith.constant 0 : i32
    %dma_start3A_190 = tpu.memref_slice %arg7[%dma_start3A, %dma_start3A_189] : memref<16x128xi32, #tpu.memory_space<vmem>> -> memref<1x128xi32, #tpu.memory_space<vmem>>
    %dma_start3A_191 = tpu.memref_squeeze %dma_start3A_190 : memref<1x128xi32, #tpu.memory_space<vmem>> -> memref<128xi32, #tpu.memory_space<vmem>>
    %dma_start3A_192 = arith.constant 0 : i32
    %dma_start3A_193 = arith.constant 0 : i32
    %dma_start3A_194 = tpu.memref_slice %arg2[%dma_start3A_192, %dma_start3A_193] : memref<10000x128xf32, #tpu.memory_space<hbm>> -> memref<10000x128xf32, #tpu.memory_space<hbm>>
    %dma_start3A_195 = tpu.memref_slice %arg10[%dma_start3A_185] : memref<2x!tpu.dma_semaphore, #tpu.memory_space<semaphore_mem>> -> memref<1x!tpu.dma_semaphore, #tpu.memory_space<semaphore_mem>>
    %dma_start3A_196 = tpu.memref_squeeze %dma_start3A_195 : memref<1x!tpu.dma_semaphore, #tpu.memory_space<semaphore_mem>> -> memref<!tpu.dma_semaphore, #tpu.memory_space<semaphore_mem>>
    tpu.enqueue_indirect_dma source(%dma_start3A_194 : memref<10000x128xf32, #tpu.memory_space<hbm>>) target(%dma_start3A_188 : memref<128x128xf32, #tpu.memory_space<vmem>>) offsets(%dma_start3A_191 : memref<128xi32, #tpu.memory_space<vmem>>) semaphore(%dma_start3A_196 : memref<!tpu.dma_semaphore, #tpu.memory_space<semaphore_mem>>)
    %scan3A = arith.constant 0 : i32
    %scan3A_197 = arith.constant 1 : i32
    %scan3A_198 = arith.constant 0 : i32
    %scan3A_199 = arith.constant 0 : i32
    %scan3A_200 = arith.constant 39 : i32
    %scan3A_201 = arith.addi %scan3A_199, %scan3A_200 : i32
    %scan3A_202 = arith.constant 1 : i32
    scf.for %scan3A_432 = %scan3A_199 to %scan3A_201 step %scan3A_202  : i32 {
      %mul3A_433 = arith.constant 2 : i32
      %mul3A_434 = arith.muli %mul3A_433, %scan3A_432 : i32
      %add3A_435 = arith.constant 1 : i32
      %add3A_436 = arith.addi %mul3A_434, %add3A_435 : i32
      %get3A_437 = arith.index_cast %add3A_436 : i32 to index
      %get3A_438 = arith.constant 0 : index
      %get3A_439 = tpu.vector_load %arg6[%get3A_437, %get3A_438] {strides = array<i32>} : memref<80x128xi32, #tpu.memory_space<vmem>>, vector<1x16xi32>,
      %get3A_440 = vector.shape_cast %get3A_439 : vector<1x16xi32> to vector<16xi32>
      %and3A_441 = arith.constant 65535 : i32
      %and3A_442 = vector.broadcast %and3A_441 : i32 to vector<16xi32>
      %and3A_443 = arith.andi %get3A_440, %and3A_442 : vector<16xi32>
      %swap3A_444 = arith.constant 2 : i32
      %swap3A_445 = arith.index_cast %swap3A_444 : i32 to index
      %swap3A_446 = arith.constant 0 : index
      %swap3A_447 = tpu.vector_load %arg7[%swap3A_445, %swap3A_446] {strides = array<i32>} : memref<16x128xi32, #tpu.memory_space<vmem>>, vector<1x16xi32>,
      %swap3A_448 = vector.shape_cast %swap3A_447 : vector<1x16xi32> to vector<16xi32>
      %swap3A_449 = vector.shape_cast %and3A_443 : vector<16xi32> to vector<1x16xi32>
      tpu.vector_store %arg7[%swap3A_445, %swap3A_446], %swap3A_449 {strides = array<i32>} : memref<16x128xi32, #tpu.memory_space<vmem>>, vector<1x16xi32>,
      %shift_right_logical3A_450 = arith.constant 16 : i32
      %shift_right_logical3A_451 = vector.broadcast %shift_right_logical3A_450 : i32 to vector<16xi32>
      %shift_right_logical3A_452 = arith.shrui %get3A_440, %shift_right_logical3A_451 : vector<16xi32>
      %swap3A_453 = arith.constant 3 : i32
      %swap3A_454 = arith.index_cast %swap3A_453 : i32 to index
      %swap3A_455 = arith.constant 0 : index
      %swap3A_456 = tpu.vector_load %arg7[%swap3A_454, %swap3A_455] {strides = array<i32>} : memref<16x128xi32, #tpu.memory_space<vmem>>, vector<1x16xi32>,
      %swap3A_457 = vector.shape_cast %swap3A_456 : vector<1x16xi32> to vector<16xi32>
      %swap3A_458 = vector.shape_cast %shift_right_logical3A_452 : vector<16xi32> to vector<1x16xi32>
      tpu.vector_store %arg7[%swap3A_454, %swap3A_455], %swap3A_458 {strides = array<i32>} : memref<16x128xi32, #tpu.memory_space<vmem>>, vector<1x16xi32>,
      %get3A_459 = arith.index_cast %add3A_436 : i32 to index
      %get3A_460 = arith.constant 16 : index
      %get3A_461 = tpu.vector_load %arg6[%get3A_459, %get3A_460] {strides = array<i32>} : memref<80x128xi32, #tpu.memory_space<vmem>>, vector<1x16xi32>,
      %get3A_462 = vector.shape_cast %get3A_461 : vector<1x16xi32> to vector<16xi32>
      %and3A_463 = arith.constant 65535 : i32
      %and3A_464 = vector.broadcast %and3A_463 : i32 to vector<16xi32>
      %and3A_465 = arith.andi %get3A_462, %and3A_464 : vector<16xi32>
      %swap3A_466 = arith.constant 2 : i32
      %swap3A_467 = arith.index_cast %swap3A_466 : i32 to index
      %swap3A_468 = arith.constant 16 : index
      %swap3A_469 = tpu.vector_load %arg7[%swap3A_467, %swap3A_468] {strides = array<i32>} : memref<16x128xi32, #tpu.memory_space<vmem>>, vector<1x16xi32>,
      %swap3A_470 = vector.shape_cast %swap3A_469 : vector<1x16xi32> to vector<16xi32>
      %swap3A_471 = vector.shape_cast %and3A_465 : vector<16xi32> to vector<1x16xi32>
      tpu.vector_store %arg7[%swap3A_467, %swap3A_468], %swap3A_471 {strides = array<i32>} : memref<16x128xi32, #tpu.memory_space<vmem>>, vector<1x16xi32>,
      %shift_right_logical3A_472 = arith.constant 16 : i32
      %shift_right_logical3A_473 = vector.broadcast %shift_right_logical3A_472 : i32 to vector<16xi32>
      %shift_right_logical3A_474 = arith.shrui %get3A_462, %shift_right_logical3A_473 : vector<16xi32>
      %swap3A_475 = arith.constant 3 : i32
      %swap3A_476 = arith.index_cast %swap3A_475 : i32 to index
      %swap3A_477 = arith.constant 16 : index
      %swap3A_478 = tpu.vector_load %arg7[%swap3A_476, %swap3A_477] {strides = array<i32>} : memref<16x128xi32, #tpu.memory_space<vmem>>, vector<1x16xi32>,
      %swap3A_479 = vector.shape_cast %swap3A_478 : vector<1x16xi32> to vector<16xi32>
      %swap3A_480 = vector.shape_cast %shift_right_logical3A_474 : vector<16xi32> to vector<1x16xi32>
      tpu.vector_store %arg7[%swap3A_476, %swap3A_477], %swap3A_480 {strides = array<i32>} : memref<16x128xi32, #tpu.memory_space<vmem>>, vector<1x16xi32>,
      %get3A_481 = arith.index_cast %add3A_436 : i32 to index
      %get3A_482 = arith.constant 32 : index
      %get3A_483 = tpu.vector_load %arg6[%get3A_481, %get3A_482] {strides = array<i32>} : memref<80x128xi32, #tpu.memory_space<vmem>>, vector<1x16xi32>,
      %get3A_484 = vector.shape_cast %get3A_483 : vector<1x16xi32> to vector<16xi32>
      %and3A_485 = arith.constant 65535 : i32
      %and3A_486 = vector.broadcast %and3A_485 : i32 to vector<16xi32>
      %and3A_487 = arith.andi %get3A_484, %and3A_486 : vector<16xi32>
      %swap3A_488 = arith.constant 2 : i32
      %swap3A_489 = arith.index_cast %swap3A_488 : i32 to index
      %swap3A_490 = arith.constant 32 : index
      %swap3A_491 = tpu.vector_load %arg7[%swap3A_489, %swap3A_490] {strides = array<i32>} : memref<16x128xi32, #tpu.memory_space<vmem>>, vector<1x16xi32>,
      %swap3A_492 = vector.shape_cast %swap3A_491 : vector<1x16xi32> to vector<16xi32>
      %swap3A_493 = vector.shape_cast %and3A_487 : vector<16xi32> to vector<1x16xi32>
      tpu.vector_store %arg7[%swap3A_489, %swap3A_490], %swap3A_493 {strides = array<i32>} : memref<16x128xi32, #tpu.memory_space<vmem>>, vector<1x16xi32>,
      %shift_right_logical3A_494 = arith.constant 16 : i32
      %shift_right_logical3A_495 = vector.broadcast %shift_right_logical3A_494 : i32 to vector<16xi32>
      %shift_right_logical3A_496 = arith.shrui %get3A_484, %shift_right_logical3A_495 : vector<16xi32>
      %swap3A_497 = arith.constant 3 : i32
      %swap3A_498 = arith.index_cast %swap3A_497 : i32 to index
      %swap3A_499 = arith.constant 32 : index
      %swap3A_500 = tpu.vector_load %arg7[%swap3A_498, %swap3A_499] {strides = array<i32>} : memref<16x128xi32, #tpu.memory_space<vmem>>, vector<1x16xi32>,
      %swap3A_501 = vector.shape_cast %swap3A_500 : vector<1x16xi32> to vector<16xi32>
      %swap3A_502 = vector.shape_cast %shift_right_logical3A_496 : vector<16xi32> to vector<1x16xi32>
      tpu.vector_store %arg7[%swap3A_498, %swap3A_499], %swap3A_502 {strides = array<i32>} : memref<16x128xi32, #tpu.memory_space<vmem>>, vector<1x16xi32>,
      %get3A_503 = arith.index_cast %add3A_436 : i32 to index
      %get3A_504 = arith.constant 48 : index
      %get3A_505 = tpu.vector_load %arg6[%get3A_503, %get3A_504] {strides = array<i32>} : memref<80x128xi32, #tpu.memory_space<vmem>>, vector<1x16xi32>,
      %get3A_506 = vector.shape_cast %get3A_505 : vector<1x16xi32> to vector<16xi32>
      %and3A_507 = arith.constant 65535 : i32
      %and3A_508 = vector.broadcast %and3A_507 : i32 to vector<16xi32>
      %and3A_509 = arith.andi %get3A_506, %and3A_508 : vector<16xi32>
      %swap3A_510 = arith.constant 2 : i32
      %swap3A_511 = arith.index_cast %swap3A_510 : i32 to index
      %swap3A_512 = arith.constant 48 : index
      %swap3A_513 = tpu.vector_load %arg7[%swap3A_511, %swap3A_512] {strides = array<i32>} : memref<16x128xi32, #tpu.memory_space<vmem>>, vector<1x16xi32>,
      %swap3A_514 = vector.shape_cast %swap3A_513 : vector<1x16xi32> to vector<16xi32>
      %swap3A_515 = vector.shape_cast %and3A_509 : vector<16xi32> to vector<1x16xi32>
      tpu.vector_store %arg7[%swap3A_511, %swap3A_512], %swap3A_515 {strides = array<i32>} : memref<16x128xi32, #tpu.memory_space<vmem>>, vector<1x16xi32>,
      %shift_right_logical3A_516 = arith.constant 16 : i32
      %shift_right_logical3A_517 = vector.broadcast %shift_right_logical3A_516 : i32 to vector<16xi32>
      %shift_right_logical3A_518 = arith.shrui %get3A_506, %shift_right_logical3A_517 : vector<16xi32>
      %swap3A_519 = arith.constant 3 : i32
      %swap3A_520 = arith.index_cast %swap3A_519 : i32 to index
      %swap3A_521 = arith.constant 48 : index
      %swap3A_522 = tpu.vector_load %arg7[%swap3A_520, %swap3A_521] {strides = array<i32>} : memref<16x128xi32, #tpu.memory_space<vmem>>, vector<1x16xi32>,
      %swap3A_523 = vector.shape_cast %swap3A_522 : vector<1x16xi32> to vector<16xi32>
      %swap3A_524 = vector.shape_cast %shift_right_logical3A_518 : vector<16xi32> to vector<1x16xi32>
      tpu.vector_store %arg7[%swap3A_520, %swap3A_521], %swap3A_524 {strides = array<i32>} : memref<16x128xi32, #tpu.memory_space<vmem>>, vector<1x16xi32>,
      %get3A_525 = arith.index_cast %add3A_436 : i32 to index
      %get3A_526 = arith.constant 64 : index
      %get3A_527 = tpu.vector_load %arg6[%get3A_525, %get3A_526] {strides = array<i32>} : memref<80x128xi32, #tpu.memory_space<vmem>>, vector<1x16xi32>,
      %get3A_528 = vector.shape_cast %get3A_527 : vector<1x16xi32> to vector<16xi32>
      %and3A_529 = arith.constant 65535 : i32
      %and3A_530 = vector.broadcast %and3A_529 : i32 to vector<16xi32>
      %and3A_531 = arith.andi %get3A_528, %and3A_530 : vector<16xi32>
      %swap3A_532 = arith.constant 2 : i32
      %swap3A_533 = arith.index_cast %swap3A_532 : i32 to index
      %swap3A_534 = arith.constant 64 : index
      %swap3A_535 = tpu.vector_load %arg7[%swap3A_533, %swap3A_534] {strides = array<i32>} : memref<16x128xi32, #tpu.memory_space<vmem>>, vector<1x16xi32>,
      %swap3A_536 = vector.shape_cast %swap3A_535 : vector<1x16xi32> to vector<16xi32>
      %swap3A_537 = vector.shape_cast %and3A_531 : vector<16xi32> to vector<1x16xi32>
      tpu.vector_store %arg7[%swap3A_533, %swap3A_534], %swap3A_537 {strides = array<i32>} : memref<16x128xi32, #tpu.memory_space<vmem>>, vector<1x16xi32>,
      %shift_right_logical3A_538 = arith.constant 16 : i32
      %shift_right_logical3A_539 = vector.broadcast %shift_right_logical3A_538 : i32 to vector<16xi32>
      %shift_right_logical3A_540 = arith.shrui %get3A_528, %shift_right_logical3A_539 : vector<16xi32>
      %swap3A_541 = arith.constant 3 : i32
      %swap3A_542 = arith.index_cast %swap3A_541 : i32 to index
      %swap3A_543 = arith.constant 64 : index
      %swap3A_544 = tpu.vector_load %arg7[%swap3A_542, %swap3A_543] {strides = array<i32>} : memref<16x128xi32, #tpu.memory_space<vmem>>, vector<1x16xi32>,
      %swap3A_545 = vector.shape_cast %swap3A_544 : vector<1x16xi32> to vector<16xi32>
      %swap3A_546 = vector.shape_cast %shift_right_logical3A_540 : vector<16xi32> to vector<1x16xi32>
      tpu.vector_store %arg7[%swap3A_542, %swap3A_543], %swap3A_546 {strides = array<i32>} : memref<16x128xi32, #tpu.memory_space<vmem>>, vector<1x16xi32>,
      %get3A_547 = arith.index_cast %add3A_436 : i32 to index
      %get3A_548 = arith.constant 80 : index
      %get3A_549 = tpu.vector_load %arg6[%get3A_547, %get3A_548] {strides = array<i32>} : memref<80x128xi32, #tpu.memory_space<vmem>>, vector<1x16xi32>,
      %get3A_550 = vector.shape_cast %get3A_549 : vector<1x16xi32> to vector<16xi32>
      %and3A_551 = arith.constant 65535 : i32
      %and3A_552 = vector.broadcast %and3A_551 : i32 to vector<16xi32>
      %and3A_553 = arith.andi %get3A_550, %and3A_552 : vector<16xi32>
      %swap3A_554 = arith.constant 2 : i32
      %swap3A_555 = arith.index_cast %swap3A_554 : i32 to index
      %swap3A_556 = arith.constant 80 : index
      %swap3A_557 = tpu.vector_load %arg7[%swap3A_555, %swap3A_556] {strides = array<i32>} : memref<16x128xi32, #tpu.memory_space<vmem>>, vector<1x16xi32>,
      %swap3A_558 = vector.shape_cast %swap3A_557 : vector<1x16xi32> to vector<16xi32>
      %swap3A_559 = vector.shape_cast %and3A_553 : vector<16xi32> to vector<1x16xi32>
      tpu.vector_store %arg7[%swap3A_555, %swap3A_556], %swap3A_559 {strides = array<i32>} : memref<16x128xi32, #tpu.memory_space<vmem>>, vector<1x16xi32>,
      %shift_right_logical3A_560 = arith.constant 16 : i32
      %shift_right_logical3A_561 = vector.broadcast %shift_right_logical3A_560 : i32 to vector<16xi32>
      %shift_right_logical3A_562 = arith.shrui %get3A_550, %shift_right_logical3A_561 : vector<16xi32>
      %swap3A_563 = arith.constant 3 : i32
      %swap3A_564 = arith.index_cast %swap3A_563 : i32 to index
      %swap3A_565 = arith.constant 80 : index
      %swap3A_566 = tpu.vector_load %arg7[%swap3A_564, %swap3A_565] {strides = array<i32>} : memref<16x128xi32, #tpu.memory_space<vmem>>, vector<1x16xi32>,
      %swap3A_567 = vector.shape_cast %swap3A_566 : vector<1x16xi32> to vector<16xi32>
      %swap3A_568 = vector.shape_cast %shift_right_logical3A_562 : vector<16xi32> to vector<1x16xi32>
      tpu.vector_store %arg7[%swap3A_564, %swap3A_565], %swap3A_568 {strides = array<i32>} : memref<16x128xi32, #tpu.memory_space<vmem>>, vector<1x16xi32>,
      %get3A_569 = arith.index_cast %add3A_436 : i32 to index
      %get3A_570 = arith.constant 96 : index
      %get3A_571 = tpu.vector_load %arg6[%get3A_569, %get3A_570] {strides = array<i32>} : memref<80x128xi32, #tpu.memory_space<vmem>>, vector<1x16xi32>,
      %get3A_572 = vector.shape_cast %get3A_571 : vector<1x16xi32> to vector<16xi32>
      %and3A_573 = arith.constant 65535 : i32
      %and3A_574 = vector.broadcast %and3A_573 : i32 to vector<16xi32>
      %and3A_575 = arith.andi %get3A_572, %and3A_574 : vector<16xi32>
      %swap3A_576 = arith.constant 2 : i32
      %swap3A_577 = arith.index_cast %swap3A_576 : i32 to index
      %swap3A_578 = arith.constant 96 : index
      %swap3A_579 = tpu.vector_load %arg7[%swap3A_577, %swap3A_578] {strides = array<i32>} : memref<16x128xi32, #tpu.memory_space<vmem>>, vector<1x16xi32>,
      %swap3A_580 = vector.shape_cast %swap3A_579 : vector<1x16xi32> to vector<16xi32>
      %swap3A_581 = vector.shape_cast %and3A_575 : vector<16xi32> to vector<1x16xi32>
      tpu.vector_store %arg7[%swap3A_577, %swap3A_578], %swap3A_581 {strides = array<i32>} : memref<16x128xi32, #tpu.memory_space<vmem>>, vector<1x16xi32>,
      %shift_right_logical3A_582 = arith.constant 16 : i32
      %shift_right_logical3A_583 = vector.broadcast %shift_right_logical3A_582 : i32 to vector<16xi32>
      %shift_right_logical3A_584 = arith.shrui %get3A_572, %shift_right_logical3A_583 : vector<16xi32>
      %swap3A_585 = arith.constant 3 : i32
      %swap3A_586 = arith.index_cast %swap3A_585 : i32 to index
      %swap3A_587 = arith.constant 96 : index
      %swap3A_588 = tpu.vector_load %arg7[%swap3A_586, %swap3A_587] {strides = array<i32>} : memref<16x128xi32, #tpu.memory_space<vmem>>, vector<1x16xi32>,
      %swap3A_589 = vector.shape_cast %swap3A_588 : vector<1x16xi32> to vector<16xi32>
      %swap3A_590 = vector.shape_cast %shift_right_logical3A_584 : vector<16xi32> to vector<1x16xi32>
      tpu.vector_store %arg7[%swap3A_586, %swap3A_587], %swap3A_590 {strides = array<i32>} : memref<16x128xi32, #tpu.memory_space<vmem>>, vector<1x16xi32>,
      %get3A_591 = arith.index_cast %add3A_436 : i32 to index
      %get3A_592 = arith.constant 112 : index
      %get3A_593 = tpu.vector_load %arg6[%get3A_591, %get3A_592] {strides = array<i32>} : memref<80x128xi32, #tpu.memory_space<vmem>>, vector<1x16xi32>,
      %get3A_594 = vector.shape_cast %get3A_593 : vector<1x16xi32> to vector<16xi32>
      %and3A_595 = arith.constant 65535 : i32
      %and3A_596 = vector.broadcast %and3A_595 : i32 to vector<16xi32>
      %and3A_597 = arith.andi %get3A_594, %and3A_596 : vector<16xi32>
      %swap3A_598 = arith.constant 2 : i32
      %swap3A_599 = arith.index_cast %swap3A_598 : i32 to index
      %swap3A_600 = arith.constant 112 : index
      %swap3A_601 = tpu.vector_load %arg7[%swap3A_599, %swap3A_600] {strides = array<i32>} : memref<16x128xi32, #tpu.memory_space<vmem>>, vector<1x16xi32>,
      %swap3A_602 = vector.shape_cast %swap3A_601 : vector<1x16xi32> to vector<16xi32>
      %swap3A_603 = vector.shape_cast %and3A_597 : vector<16xi32> to vector<1x16xi32>
      tpu.vector_store %arg7[%swap3A_599, %swap3A_600], %swap3A_603 {strides = array<i32>} : memref<16x128xi32, #tpu.memory_space<vmem>>, vector<1x16xi32>,
      %shift_right_logical3A_604 = arith.constant 16 : i32
      %shift_right_logical3A_605 = vector.broadcast %shift_right_logical3A_604 : i32 to vector<16xi32>
      %shift_right_logical3A_606 = arith.shrui %get3A_594, %shift_right_logical3A_605 : vector<16xi32>
      %swap3A_607 = arith.constant 3 : i32
      %swap3A_608 = arith.index_cast %swap3A_607 : i32 to index
      %swap3A_609 = arith.constant 112 : index
      %swap3A_610 = tpu.vector_load %arg7[%swap3A_608, %swap3A_609] {strides = array<i32>} : memref<16x128xi32, #tpu.memory_space<vmem>>, vector<1x16xi32>,
      %swap3A_611 = vector.shape_cast %swap3A_610 : vector<1x16xi32> to vector<16xi32>
      %swap3A_612 = vector.shape_cast %shift_right_logical3A_606 : vector<16xi32> to vector<1x16xi32>
      tpu.vector_store %arg7[%swap3A_608, %swap3A_609], %swap3A_612 {strides = array<i32>} : memref<16x128xi32, #tpu.memory_space<vmem>>, vector<1x16xi32>,
      %dma_start3A_613 = arith.constant 2 : i32
      %dma_start3A_614 = arith.constant 128 : i32
      %dma_start3A_615 = arith.constant 0 : i32
      %dma_start3A_616 = tpu.memref_slice %arg8[%dma_start3A_614, %dma_start3A_615] : memref<256x128xf32, #tpu.memory_space<vmem>> -> memref<128x128xf32, #tpu.memory_space<vmem>>
      %dma_start3A_617 = arith.constant 0 : i32
      %dma_start3A_618 = tpu.memref_slice %arg7[%dma_start3A_613, %dma_start3A_617] : memref<16x128xi32, #tpu.memory_space<vmem>> -> memref<1x128xi32, #tpu.memory_space<vmem>>
      %dma_start3A_619 = tpu.memref_squeeze %dma_start3A_618 : memref<1x128xi32, #tpu.memory_space<vmem>> -> memref<128xi32, #tpu.memory_space<vmem>>
      %dma_start3A_620 = arith.constant 0 : i32
      %dma_start3A_621 = arith.constant 0 : i32
      %dma_start3A_622 = tpu.memref_slice %arg2[%dma_start3A_620, %dma_start3A_621] : memref<10000x128xf32, #tpu.memory_space<hbm>> -> memref<10000x128xf32, #tpu.memory_space<hbm>>
      %dma_start3A_623 = tpu.memref_slice %arg10[%scan3A_197] : memref<2x!tpu.dma_semaphore, #tpu.memory_space<semaphore_mem>> -> memref<1x!tpu.dma_semaphore, #tpu.memory_space<semaphore_mem>>
      %dma_start3A_624 = tpu.memref_squeeze %dma_start3A_623 : memref<1x!tpu.dma_semaphore, #tpu.memory_space<semaphore_mem>> -> memref<!tpu.dma_semaphore, #tpu.memory_space<semaphore_mem>>
      tpu.enqueue_indirect_dma source(%dma_start3A_622 : memref<10000x128xf32, #tpu.memory_space<hbm>>) target(%dma_start3A_616 : memref<128x128xf32, #tpu.memory_space<vmem>>) offsets(%dma_start3A_619 : memref<128xi32, #tpu.memory_space<vmem>>) semaphore(%dma_start3A_624 : memref<!tpu.dma_semaphore, #tpu.memory_space<semaphore_mem>>)
      %dma_wait3A_625 = arith.constant 0 : i32
      %dma_wait3A_626 = arith.constant 0 : i32
      %dma_wait3A_627 = arith.constant 0 : i32
      %dma_wait3A_628 = tpu.memref_slice %arg8[%dma_wait3A_626, %dma_wait3A_627] : memref<256x128xf32, #tpu.memory_space<vmem>> -> memref<128x128xf32, #tpu.memory_space<vmem>>
      %dma_wait3A_629 = arith.constant 0 : i32
      %dma_wait3A_630 = tpu.memref_slice %arg7[%dma_wait3A_625, %dma_wait3A_629] : memref<16x128xi32, #tpu.memory_space<vmem>> -> memref<1x128xi32, #tpu.memory_space<vmem>>
      %dma_wait3A_631 = tpu.memref_squeeze %dma_wait3A_630 : memref<1x128xi32, #tpu.memory_space<vmem>> -> memref<128xi32, #tpu.memory_space<vmem>>
      %dma_wait3A_632 = arith.constant 0 : i32
      %dma_wait3A_633 = arith.constant 0 : i32
      %dma_wait3A_634 = tpu.memref_slice %arg2[%dma_wait3A_632, %dma_wait3A_633] : memref<10000x128xf32, #tpu.memory_space<hbm>> -> memref<10000x128xf32, #tpu.memory_space<hbm>>
      %dma_wait3A_635 = tpu.memref_slice %arg10[%scan3A_198] : memref<2x!tpu.dma_semaphore, #tpu.memory_space<semaphore_mem>> -> memref<1x!tpu.dma_semaphore, #tpu.memory_space<semaphore_mem>>
      %dma_wait3A_636 = tpu.memref_squeeze %dma_wait3A_635 : memref<1x!tpu.dma_semaphore, #tpu.memory_space<semaphore_mem>> -> memref<!tpu.dma_semaphore, #tpu.memory_space<semaphore_mem>>
      tpu.wait_indirect_dma semaphore(%dma_wait3A_636 : memref<!tpu.dma_semaphore, #tpu.memory_space<semaphore_mem>>) src(%dma_wait3A_634 : memref<10000x128xf32, #tpu.memory_space<hbm>>) dst(%dma_wait3A_628 : memref<128x128xf32, #tpu.memory_space<vmem>>)
      %run_scoped3A_637 = arith.constant 1 : i32
      "tpu.region"() ({
        %run_scoped3A_841 = tpu.sem_alloc : memref<!tpu.dma_semaphore, #tpu.memory_space<semaphore_mem>>
        %dma_start3A_842 = arith.constant 0 : i32
        %dma_start3A_843 = arith.constant 0 : i32
        %dma_start3A_844 = tpu.memref_slice %arg8[%dma_start3A_842, %dma_start3A_843] : memref<256x128xf32, #tpu.memory_space<vmem>> -> memref<128x128xf32, #tpu.memory_space<vmem>>
        %dma_start3A_845 = arith.constant 0 : i32
        %dma_start3A_846 = tpu.memref_slice %arg7[%run_scoped3A_637, %dma_start3A_845] : memref<16x128xi32, #tpu.memory_space<vmem>> -> memref<1x128xi32, #tpu.memory_space<vmem>>
        %dma_start3A_847 = tpu.memref_squeeze %dma_start3A_846 : memref<1x128xi32, #tpu.memory_space<vmem>> -> memref<128xi32, #tpu.memory_space<vmem>>
        %dma_start3A_848 = arith.constant 0 : i32
        %dma_start3A_849 = arith.constant 0 : i32
        %dma_start3A_850 = tpu.memref_slice %arg9[%dma_start3A_848, %dma_start3A_849] : memref<10240x128xf32, #tpu.memory_space<vmem_shared>> -> memref<10240x128xf32, #tpu.memory_space<vmem_shared>>
        tpu.enqueue_indirect_dma source(%dma_start3A_844 : memref<128x128xf32, #tpu.memory_space<vmem>>) target(%dma_start3A_850 : memref<10240x128xf32, #tpu.memory_space<vmem_shared>>) offsets(%dma_start3A_847 : memref<128xi32, #tpu.memory_space<vmem>>) semaphore(%run_scoped3A_841 : memref<!tpu.dma_semaphore, #tpu.memory_space<semaphore_mem>>) {add = true}
        %dma_wait3A_851 = arith.constant 0 : i32
        %dma_wait3A_852 = arith.constant 0 : i32
        %dma_wait3A_853 = tpu.memref_slice %arg8[%dma_wait3A_851, %dma_wait3A_852] : memref<256x128xf32, #tpu.memory_space<vmem>> -> memref<128x128xf32, #tpu.memory_space<vmem>>
        %dma_wait3A_854 = arith.constant 0 : i32
        %dma_wait3A_855 = tpu.memref_slice %arg7[%run_scoped3A_637, %dma_wait3A_854] : memref<16x128xi32, #tpu.memory_space<vmem>> -> memref<1x128xi32, #tpu.memory_space<vmem>>
        %dma_wait3A_856 = tpu.memref_squeeze %dma_wait3A_855 : memref<1x128xi32, #tpu.memory_space<vmem>> -> memref<128xi32, #tpu.memory_space<vmem>>
        %dma_wait3A_857 = arith.constant 0 : i32
        %dma_wait3A_858 = arith.constant 0 : i32
        %dma_wait3A_859 = tpu.memref_slice %arg9[%dma_wait3A_857, %dma_wait3A_858] : memref<10240x128xf32, #tpu.memory_space<vmem_shared>> -> memref<10240x128xf32, #tpu.memory_space<vmem_shared>>
        tpu.wait_indirect_dma semaphore(%run_scoped3A_841 : memref<!tpu.dma_semaphore, #tpu.memory_space<semaphore_mem>>) src(%dma_wait3A_853 : memref<128x128xf32, #tpu.memory_space<vmem>>) dst(%dma_wait3A_859 : memref<10240x128xf32, #tpu.memory_space<vmem_shared>>)
        tpu.yield
      }) : () -> ()
      %add3A_638 = arith.constant 2 : i32
      %add3A_639 = arith.addi %mul3A_434, %add3A_638 : i32
      %get3A_640 = arith.index_cast %add3A_639 : i32 to index
      %get3A_641 = arith.constant 0 : index
      %get3A_642 = tpu.vector_load %arg6[%get3A_640, %get3A_641] {strides = array<i32>} : memref<80x128xi32, #tpu.memory_space<vmem>>, vector<1x16xi32>,
      %get3A_643 = vector.shape_cast %get3A_642 : vector<1x16xi32> to vector<16xi32>
      %and3A_644 = arith.constant 65535 : i32
      %and3A_645 = vector.broadcast %and3A_644 : i32 to vector<16xi32>
      %and3A_646 = arith.andi %get3A_643, %and3A_645 : vector<16xi32>
      %swap3A_647 = arith.constant 0 : i32
      %swap3A_648 = arith.index_cast %swap3A_647 : i32 to index
      %swap3A_649 = arith.constant 0 : index
      %swap3A_650 = tpu.vector_load %arg7[%swap3A_648, %swap3A_649] {strides = array<i32>} : memref<16x128xi32, #tpu.memory_space<vmem>>, vector<1x16xi32>,
      %swap3A_651 = vector.shape_cast %swap3A_650 : vector<1x16xi32> to vector<16xi32>
      %swap3A_652 = vector.shape_cast %and3A_646 : vector<16xi32> to vector<1x16xi32>
      tpu.vector_store %arg7[%swap3A_648, %swap3A_649], %swap3A_652 {strides = array<i32>} : memref<16x128xi32, #tpu.memory_space<vmem>>, vector<1x16xi32>,
      %shift_right_logical3A_653 = arith.constant 16 : i32
      %shift_right_logical3A_654 = vector.broadcast %shift_right_logical3A_653 : i32 to vector<16xi32>
      %shift_right_logical3A_655 = arith.shrui %get3A_643, %shift_right_logical3A_654 : vector<16xi32>
      %swap3A_656 = arith.constant 1 : i32
      %swap3A_657 = arith.index_cast %swap3A_656 : i32 to index
      %swap3A_658 = arith.constant 0 : index
      %swap3A_659 = tpu.vector_load %arg7[%swap3A_657, %swap3A_658] {strides = array<i32>} : memref<16x128xi32, #tpu.memory_space<vmem>>, vector<1x16xi32>,
      %swap3A_660 = vector.shape_cast %swap3A_659 : vector<1x16xi32> to vector<16xi32>
      %swap3A_661 = vector.shape_cast %shift_right_logical3A_655 : vector<16xi32> to vector<1x16xi32>
      tpu.vector_store %arg7[%swap3A_657, %swap3A_658], %swap3A_661 {strides = array<i32>} : memref<16x128xi32, #tpu.memory_space<vmem>>, vector<1x16xi32>,
      %get3A_662 = arith.index_cast %add3A_639 : i32 to index
      %get3A_663 = arith.constant 16 : index
      %get3A_664 = tpu.vector_load %arg6[%get3A_662, %get3A_663] {strides = array<i32>} : memref<80x128xi32, #tpu.memory_space<vmem>>, vector<1x16xi32>,
      %get3A_665 = vector.shape_cast %get3A_664 : vector<1x16xi32> to vector<16xi32>
      %and3A_666 = arith.constant 65535 : i32
      %and3A_667 = vector.broadcast %and3A_666 : i32 to vector<16xi32>
      %and3A_668 = arith.andi %get3A_665, %and3A_667 : vector<16xi32>
      %swap3A_669 = arith.constant 0 : i32
      %swap3A_670 = arith.index_cast %swap3A_669 : i32 to index
      %swap3A_671 = arith.constant 16 : index
      %swap3A_672 = tpu.vector_load %arg7[%swap3A_670, %swap3A_671] {strides = array<i32>} : memref<16x128xi32, #tpu.memory_space<vmem>>, vector<1x16xi32>,
      %swap3A_673 = vector.shape_cast %swap3A_672 : vector<1x16xi32> to vector<16xi32>
      %swap3A_674 = vector.shape_cast %and3A_668 : vector<16xi32> to vector<1x16xi32>
      tpu.vector_store %arg7[%swap3A_670, %swap3A_671], %swap3A_674 {strides = array<i32>} : memref<16x128xi32, #tpu.memory_space<vmem>>, vector<1x16xi32>,
      %shift_right_logical3A_675 = arith.constant 16 : i32
      %shift_right_logical3A_676 = vector.broadcast %shift_right_logical3A_675 : i32 to vector<16xi32>
      %shift_right_logical3A_677 = arith.shrui %get3A_665, %shift_right_logical3A_676 : vector<16xi32>
      %swap3A_678 = arith.constant 1 : i32
      %swap3A_679 = arith.index_cast %swap3A_678 : i32 to index
      %swap3A_680 = arith.constant 16 : index
      %swap3A_681 = tpu.vector_load %arg7[%swap3A_679, %swap3A_680] {strides = array<i32>} : memref<16x128xi32, #tpu.memory_space<vmem>>, vector<1x16xi32>,
      %swap3A_682 = vector.shape_cast %swap3A_681 : vector<1x16xi32> to vector<16xi32>
      %swap3A_683 = vector.shape_cast %shift_right_logical3A_677 : vector<16xi32> to vector<1x16xi32>
      tpu.vector_store %arg7[%swap3A_679, %swap3A_680], %swap3A_683 {strides = array<i32>} : memref<16x128xi32, #tpu.memory_space<vmem>>, vector<1x16xi32>,
      %get3A_684 = arith.index_cast %add3A_639 : i32 to index
      %get3A_685 = arith.constant 32 : index
      %get3A_686 = tpu.vector_load %arg6[%get3A_684, %get3A_685] {strides = array<i32>} : memref<80x128xi32, #tpu.memory_space<vmem>>, vector<1x16xi32>,
      %get3A_687 = vector.shape_cast %get3A_686 : vector<1x16xi32> to vector<16xi32>
      %and3A_688 = arith.constant 65535 : i32
      %and3A_689 = vector.broadcast %and3A_688 : i32 to vector<16xi32>
      %and3A_690 = arith.andi %get3A_687, %and3A_689 : vector<16xi32>
      %swap3A_691 = arith.constant 0 : i32
      %swap3A_692 = arith.index_cast %swap3A_691 : i32 to index
      %swap3A_693 = arith.constant 32 : index
      %swap3A_694 = tpu.vector_load %arg7[%swap3A_692, %swap3A_693] {strides = array<i32>} : memref<16x128xi32, #tpu.memory_space<vmem>>, vector<1x16xi32>,
      %swap3A_695 = vector.shape_cast %swap3A_694 : vector<1x16xi32> to vector<16xi32>
      %swap3A_696 = vector.shape_cast %and3A_690 : vector<16xi32> to vector<1x16xi32>
      tpu.vector_store %arg7[%swap3A_692, %swap3A_693], %swap3A_696 {strides = array<i32>} : memref<16x128xi32, #tpu.memory_space<vmem>>, vector<1x16xi32>,
      %shift_right_logical3A_697 = arith.constant 16 : i32
      %shift_right_logical3A_698 = vector.broadcast %shift_right_logical3A_697 : i32 to vector<16xi32>
      %shift_right_logical3A_699 = arith.shrui %get3A_687, %shift_right_logical3A_698 : vector<16xi32>
      %swap3A_700 = arith.constant 1 : i32
      %swap3A_701 = arith.index_cast %swap3A_700 : i32 to index
      %swap3A_702 = arith.constant 32 : index
      %swap3A_703 = tpu.vector_load %arg7[%swap3A_701, %swap3A_702] {strides = array<i32>} : memref<16x128xi32, #tpu.memory_space<vmem>>, vector<1x16xi32>,
      %swap3A_704 = vector.shape_cast %swap3A_703 : vector<1x16xi32> to vector<16xi32>
      %swap3A_705 = vector.shape_cast %shift_right_logical3A_699 : vector<16xi32> to vector<1x16xi32>
      tpu.vector_store %arg7[%swap3A_701, %swap3A_702], %swap3A_705 {strides = array<i32>} : memref<16x128xi32, #tpu.memory_space<vmem>>, vector<1x16xi32>,
      %get3A_706 = arith.index_cast %add3A_639 : i32 to index
      %get3A_707 = arith.constant 48 : index
      %get3A_708 = tpu.vector_load %arg6[%get3A_706, %get3A_707] {strides = array<i32>} : memref<80x128xi32, #tpu.memory_space<vmem>>, vector<1x16xi32>,
      %get3A_709 = vector.shape_cast %get3A_708 : vector<1x16xi32> to vector<16xi32>
      %and3A_710 = arith.constant 65535 : i32
      %and3A_711 = vector.broadcast %and3A_710 : i32 to vector<16xi32>
      %and3A_712 = arith.andi %get3A_709, %and3A_711 : vector<16xi32>
      %swap3A_713 = arith.constant 0 : i32
      %swap3A_714 = arith.index_cast %swap3A_713 : i32 to index
      %swap3A_715 = arith.constant 48 : index
      %swap3A_716 = tpu.vector_load %arg7[%swap3A_714, %swap3A_715] {strides = array<i32>} : memref<16x128xi32, #tpu.memory_space<vmem>>, vector<1x16xi32>,
      %swap3A_717 = vector.shape_cast %swap3A_716 : vector<1x16xi32> to vector<16xi32>
      %swap3A_718 = vector.shape_cast %and3A_712 : vector<16xi32> to vector<1x16xi32>
      tpu.vector_store %arg7[%swap3A_714, %swap3A_715], %swap3A_718 {strides = array<i32>} : memref<16x128xi32, #tpu.memory_space<vmem>>, vector<1x16xi32>,
      %shift_right_logical3A_719 = arith.constant 16 : i32
      %shift_right_logical3A_720 = vector.broadcast %shift_right_logical3A_719 : i32 to vector<16xi32>
      %shift_right_logical3A_721 = arith.shrui %get3A_709, %shift_right_logical3A_720 : vector<16xi32>
      %swap3A_722 = arith.constant 1 : i32
      %swap3A_723 = arith.index_cast %swap3A_722 : i32 to index
      %swap3A_724 = arith.constant 48 : index
      %swap3A_725 = tpu.vector_load %arg7[%swap3A_723, %swap3A_724] {strides = array<i32>} : memref<16x128xi32, #tpu.memory_space<vmem>>, vector<1x16xi32>,
      %swap3A_726 = vector.shape_cast %swap3A_725 : vector<1x16xi32> to vector<16xi32>
      %swap3A_727 = vector.shape_cast %shift_right_logical3A_721 : vector<16xi32> to vector<1x16xi32>
      tpu.vector_store %arg7[%swap3A_723, %swap3A_724], %swap3A_727 {strides = array<i32>} : memref<16x128xi32, #tpu.memory_space<vmem>>, vector<1x16xi32>,
      %get3A_728 = arith.index_cast %add3A_639 : i32 to index
      %get3A_729 = arith.constant 64 : index
      %get3A_730 = tpu.vector_load %arg6[%get3A_728, %get3A_729] {strides = array<i32>} : memref<80x128xi32, #tpu.memory_space<vmem>>, vector<1x16xi32>,
      %get3A_731 = vector.shape_cast %get3A_730 : vector<1x16xi32> to vector<16xi32>
      %and3A_732 = arith.constant 65535 : i32
      %and3A_733 = vector.broadcast %and3A_732 : i32 to vector<16xi32>
      %and3A_734 = arith.andi %get3A_731, %and3A_733 : vector<16xi32>
      %swap3A_735 = arith.constant 0 : i32
      %swap3A_736 = arith.index_cast %swap3A_735 : i32 to index
      %swap3A_737 = arith.constant 64 : index
      %swap3A_738 = tpu.vector_load %arg7[%swap3A_736, %swap3A_737] {strides = array<i32>} : memref<16x128xi32, #tpu.memory_space<vmem>>, vector<1x16xi32>,
      %swap3A_739 = vector.shape_cast %swap3A_738 : vector<1x16xi32> to vector<16xi32>
      %swap3A_740 = vector.shape_cast %and3A_734 : vector<16xi32> to vector<1x16xi32>
      tpu.vector_store %arg7[%swap3A_736, %swap3A_737], %swap3A_740 {strides = array<i32>} : memref<16x128xi32, #tpu.memory_space<vmem>>, vector<1x16xi32>,
      %shift_right_logical3A_741 = arith.constant 16 : i32
      %shift_right_logical3A_742 = vector.broadcast %shift_right_logical3A_741 : i32 to vector<16xi32>
      %shift_right_logical3A_743 = arith.shrui %get3A_731, %shift_right_logical3A_742 : vector<16xi32>
      %swap3A_744 = arith.constant 1 : i32
      %swap3A_745 = arith.index_cast %swap3A_744 : i32 to index
      %swap3A_746 = arith.constant 64 : index
      %swap3A_747 = tpu.vector_load %arg7[%swap3A_745, %swap3A_746] {strides = array<i32>} : memref<16x128xi32, #tpu.memory_space<vmem>>, vector<1x16xi32>,
      %swap3A_748 = vector.shape_cast %swap3A_747 : vector<1x16xi32> to vector<16xi32>
      %swap3A_749 = vector.shape_cast %shift_right_logical3A_743 : vector<16xi32> to vector<1x16xi32>
      tpu.vector_store %arg7[%swap3A_745, %swap3A_746], %swap3A_749 {strides = array<i32>} : memref<16x128xi32, #tpu.memory_space<vmem>>, vector<1x16xi32>,
      %get3A_750 = arith.index_cast %add3A_639 : i32 to index
      %get3A_751 = arith.constant 80 : index
      %get3A_752 = tpu.vector_load %arg6[%get3A_750, %get3A_751] {strides = array<i32>} : memref<80x128xi32, #tpu.memory_space<vmem>>, vector<1x16xi32>,
      %get3A_753 = vector.shape_cast %get3A_752 : vector<1x16xi32> to vector<16xi32>
      %and3A_754 = arith.constant 65535 : i32
      %and3A_755 = vector.broadcast %and3A_754 : i32 to vector<16xi32>
      %and3A_756 = arith.andi %get3A_753, %and3A_755 : vector<16xi32>
      %swap3A_757 = arith.constant 0 : i32
      %swap3A_758 = arith.index_cast %swap3A_757 : i32 to index
      %swap3A_759 = arith.constant 80 : index
      %swap3A_760 = tpu.vector_load %arg7[%swap3A_758, %swap3A_759] {strides = array<i32>} : memref<16x128xi32, #tpu.memory_space<vmem>>, vector<1x16xi32>,
      %swap3A_761 = vector.shape_cast %swap3A_760 : vector<1x16xi32> to vector<16xi32>
      %swap3A_762 = vector.shape_cast %and3A_756 : vector<16xi32> to vector<1x16xi32>
      tpu.vector_store %arg7[%swap3A_758, %swap3A_759], %swap3A_762 {strides = array<i32>} : memref<16x128xi32, #tpu.memory_space<vmem>>, vector<1x16xi32>,
      %shift_right_logical3A_763 = arith.constant 16 : i32
      %shift_right_logical3A_764 = vector.broadcast %shift_right_logical3A_763 : i32 to vector<16xi32>
      %shift_right_logical3A_765 = arith.shrui %get3A_753, %shift_right_logical3A_764 : vector<16xi32>
      %swap3A_766 = arith.constant 1 : i32
      %swap3A_767 = arith.index_cast %swap3A_766 : i32 to index
      %swap3A_768 = arith.constant 80 : index
      %swap3A_769 = tpu.vector_load %arg7[%swap3A_767, %swap3A_768] {strides = array<i32>} : memref<16x128xi32, #tpu.memory_space<vmem>>, vector<1x16xi32>,
      %swap3A_770 = vector.shape_cast %swap3A_769 : vector<1x16xi32> to vector<16xi32>
      %swap3A_771 = vector.shape_cast %shift_right_logical3A_765 : vector<16xi32> to vector<1x16xi32>
      tpu.vector_store %arg7[%swap3A_767, %swap3A_768], %swap3A_771 {strides = array<i32>} : memref<16x128xi32, #tpu.memory_space<vmem>>, vector<1x16xi32>,
      %get3A_772 = arith.index_cast %add3A_639 : i32 to index
      %get3A_773 = arith.constant 96 : index
      %get3A_774 = tpu.vector_load %arg6[%get3A_772, %get3A_773] {strides = array<i32>} : memref<80x128xi32, #tpu.memory_space<vmem>>, vector<1x16xi32>,
      %get3A_775 = vector.shape_cast %get3A_774 : vector<1x16xi32> to vector<16xi32>
      %and3A_776 = arith.constant 65535 : i32
      %and3A_777 = vector.broadcast %and3A_776 : i32 to vector<16xi32>
      %and3A_778 = arith.andi %get3A_775, %and3A_777 : vector<16xi32>
      %swap3A_779 = arith.constant 0 : i32
      %swap3A_780 = arith.index_cast %swap3A_779 : i32 to index
      %swap3A_781 = arith.constant 96 : index
      %swap3A_782 = tpu.vector_load %arg7[%swap3A_780, %swap3A_781] {strides = array<i32>} : memref<16x128xi32, #tpu.memory_space<vmem>>, vector<1x16xi32>,
      %swap3A_783 = vector.shape_cast %swap3A_782 : vector<1x16xi32> to vector<16xi32>
      %swap3A_784 = vector.shape_cast %and3A_778 : vector<16xi32> to vector<1x16xi32>
      tpu.vector_store %arg7[%swap3A_780, %swap3A_781], %swap3A_784 {strides = array<i32>} : memref<16x128xi32, #tpu.memory_space<vmem>>, vector<1x16xi32>,
      %shift_right_logical3A_785 = arith.constant 16 : i32
      %shift_right_logical3A_786 = vector.broadcast %shift_right_logical3A_785 : i32 to vector<16xi32>
      %shift_right_logical3A_787 = arith.shrui %get3A_775, %shift_right_logical3A_786 : vector<16xi32>
      %swap3A_788 = arith.constant 1 : i32
      %swap3A_789 = arith.index_cast %swap3A_788 : i32 to index
      %swap3A_790 = arith.constant 96 : index
      %swap3A_791 = tpu.vector_load %arg7[%swap3A_789, %swap3A_790] {strides = array<i32>} : memref<16x128xi32, #tpu.memory_space<vmem>>, vector<1x16xi32>,
      %swap3A_792 = vector.shape_cast %swap3A_791 : vector<1x16xi32> to vector<16xi32>
      %swap3A_793 = vector.shape_cast %shift_right_logical3A_787 : vector<16xi32> to vector<1x16xi32>
      tpu.vector_store %arg7[%swap3A_789, %swap3A_790], %swap3A_793 {strides = array<i32>} : memref<16x128xi32, #tpu.memory_space<vmem>>, vector<1x16xi32>,
      %get3A_794 = arith.index_cast %add3A_639 : i32 to index
      %get3A_795 = arith.constant 112 : index
      %get3A_796 = tpu.vector_load %arg6[%get3A_794, %get3A_795] {strides = array<i32>} : memref<80x128xi32, #tpu.memory_space<vmem>>, vector<1x16xi32>,
      %get3A_797 = vector.shape_cast %get3A_796 : vector<1x16xi32> to vector<16xi32>
      %and3A_798 = arith.constant 65535 : i32
      %and3A_799 = vector.broadcast %and3A_798 : i32 to vector<16xi32>
      %and3A_800 = arith.andi %get3A_797, %and3A_799 : vector<16xi32>
      %swap3A_801 = arith.constant 0 : i32
      %swap3A_802 = arith.index_cast %swap3A_801 : i32 to index
      %swap3A_803 = arith.constant 112 : index
      %swap3A_804 = tpu.vector_load %arg7[%swap3A_802, %swap3A_803] {strides = array<i32>} : memref<16x128xi32, #tpu.memory_space<vmem>>, vector<1x16xi32>,
      %swap3A_805 = vector.shape_cast %swap3A_804 : vector<1x16xi32> to vector<16xi32>
      %swap3A_806 = vector.shape_cast %and3A_800 : vector<16xi32> to vector<1x16xi32>
      tpu.vector_store %arg7[%swap3A_802, %swap3A_803], %swap3A_806 {strides = array<i32>} : memref<16x128xi32, #tpu.memory_space<vmem>>, vector<1x16xi32>,
      %shift_right_logical3A_807 = arith.constant 16 : i32
      %shift_right_logical3A_808 = vector.broadcast %shift_right_logical3A_807 : i32 to vector<16xi32>
      %shift_right_logical3A_809 = arith.shrui %get3A_797, %shift_right_logical3A_808 : vector<16xi32>
      %swap3A_810 = arith.constant 1 : i32
      %swap3A_811 = arith.index_cast %swap3A_810 : i32 to index
      %swap3A_812 = arith.constant 112 : index
      %swap3A_813 = tpu.vector_load %arg7[%swap3A_811, %swap3A_812] {strides = array<i32>} : memref<16x128xi32, #tpu.memory_space<vmem>>, vector<1x16xi32>,
      %swap3A_814 = vector.shape_cast %swap3A_813 : vector<1x16xi32> to vector<16xi32>
      %swap3A_815 = vector.shape_cast %shift_right_logical3A_809 : vector<16xi32> to vector<1x16xi32>
      tpu.vector_store %arg7[%swap3A_811, %swap3A_812], %swap3A_815 {strides = array<i32>} : memref<16x128xi32, #tpu.memory_space<vmem>>, vector<1x16xi32>,
      %dma_start3A_816 = arith.constant 0 : i32
      %dma_start3A_817 = arith.constant 0 : i32
      %dma_start3A_818 = arith.constant 0 : i32
      %dma_start3A_819 = tpu.memref_slice %arg8[%dma_start3A_817, %dma_start3A_818] : memref<256x128xf32, #tpu.memory_space<vmem>> -> memref<128x128xf32, #tpu.memory_space<vmem>>
      %dma_start3A_820 = arith.constant 0 : i32
      %dma_start3A_821 = tpu.memref_slice %arg7[%dma_start3A_816, %dma_start3A_820] : memref<16x128xi32, #tpu.memory_space<vmem>> -> memref<1x128xi32, #tpu.memory_space<vmem>>
      %dma_start3A_822 = tpu.memref_squeeze %dma_start3A_821 : memref<1x128xi32, #tpu.memory_space<vmem>> -> memref<128xi32, #tpu.memory_space<vmem>>
      %dma_start3A_823 = arith.constant 0 : i32
      %dma_start3A_824 = arith.constant 0 : i32
      %dma_start3A_825 = tpu.memref_slice %arg2[%dma_start3A_823, %dma_start3A_824] : memref<10000x128xf32, #tpu.memory_space<hbm>> -> memref<10000x128xf32, #tpu.memory_space<hbm>>
      %dma_start3A_826 = tpu.memref_slice %arg10[%scan3A_198] : memref<2x!tpu.dma_semaphore, #tpu.memory_space<semaphore_mem>> -> memref<1x!tpu.dma_semaphore, #tpu.memory_space<semaphore_mem>>
      %dma_start3A_827 = tpu.memref_squeeze %dma_start3A_826 : memref<1x!tpu.dma_semaphore, #tpu.memory_space<semaphore_mem>> -> memref<!tpu.dma_semaphore, #tpu.memory_space<semaphore_mem>>
      tpu.enqueue_indirect_dma source(%dma_start3A_825 : memref<10000x128xf32, #tpu.memory_space<hbm>>) target(%dma_start3A_819 : memref<128x128xf32, #tpu.memory_space<vmem>>) offsets(%dma_start3A_822 : memref<128xi32, #tpu.memory_space<vmem>>) semaphore(%dma_start3A_827 : memref<!tpu.dma_semaphore, #tpu.memory_space<semaphore_mem>>)
      %dma_wait3A_828 = arith.constant 2 : i32
      %dma_wait3A_829 = arith.constant 128 : i32
      %dma_wait3A_830 = arith.constant 0 : i32
      %dma_wait3A_831 = tpu.memref_slice %arg8[%dma_wait3A_829, %dma_wait3A_830] : memref<256x128xf32, #tpu.memory_space<vmem>> -> memref<128x128xf32, #tpu.memory_space<vmem>>
      %dma_wait3A_832 = arith.constant 0 : i32
      %dma_wait3A_833 = tpu.memref_slice %arg7[%dma_wait3A_828, %dma_wait3A_832] : memref<16x128xi32, #tpu.memory_space<vmem>> -> memref<1x128xi32, #tpu.memory_space<vmem>>
      %dma_wait3A_834 = tpu.memref_squeeze %dma_wait3A_833 : memref<1x128xi32, #tpu.memory_space<vmem>> -> memref<128xi32, #tpu.memory_space<vmem>>
      %dma_wait3A_835 = arith.constant 0 : i32
      %dma_wait3A_836 = arith.constant 0 : i32
      %dma_wait3A_837 = tpu.memref_slice %arg2[%dma_wait3A_835, %dma_wait3A_836] : memref<10000x128xf32, #tpu.memory_space<hbm>> -> memref<10000x128xf32, #tpu.memory_space<hbm>>
      %dma_wait3A_838 = tpu.memref_slice %arg10[%scan3A_197] : memref<2x!tpu.dma_semaphore, #tpu.memory_space<semaphore_mem>> -> memref<1x!tpu.dma_semaphore, #tpu.memory_space<semaphore_mem>>
      %dma_wait3A_839 = tpu.memref_squeeze %dma_wait3A_838 : memref<1x!tpu.dma_semaphore, #tpu.memory_space<semaphore_mem>> -> memref<!tpu.dma_semaphore, #tpu.memory_space<semaphore_mem>>
      tpu.wait_indirect_dma semaphore(%dma_wait3A_839 : memref<!tpu.dma_semaphore, #tpu.memory_space<semaphore_mem>>) src(%dma_wait3A_837 : memref<10000x128xf32, #tpu.memory_space<hbm>>) dst(%dma_wait3A_831 : memref<128x128xf32, #tpu.memory_space<vmem>>)
      %run_scoped3A_840 = arith.constant 3 : i32
      "tpu.region"() ({
        %run_scoped3A_841 = tpu.sem_alloc : memref<!tpu.dma_semaphore, #tpu.memory_space<semaphore_mem>>
        %dma_start3A_842 = arith.constant 128 : i32
        %dma_start3A_843 = arith.constant 0 : i32
        %dma_start3A_844 = tpu.memref_slice %arg8[%dma_start3A_842, %dma_start3A_843] : memref<256x128xf32, #tpu.memory_space<vmem>> -> memref<128x128xf32, #tpu.memory_space<vmem>>
        %dma_start3A_845 = arith.constant 0 : i32
        %dma_start3A_846 = tpu.memref_slice %arg7[%run_scoped3A_840, %dma_start3A_845] : memref<16x128xi32, #tpu.memory_space<vmem>> -> memref<1x128xi32, #tpu.memory_space<vmem>>
        %dma_start3A_847 = tpu.memref_squeeze %dma_start3A_846 : memref<1x128xi32, #tpu.memory_space<vmem>> -> memref<128xi32, #tpu.memory_space<vmem>>
        %dma_start3A_848 = arith.constant 0 : i32
        %dma_start3A_849 = arith.constant 0 : i32
        %dma_start3A_850 = tpu.memref_slice %arg9[%dma_start3A_848, %dma_start3A_849] : memref<10240x128xf32, #tpu.memory_space<vmem_shared>> -> memref<10240x128xf32, #tpu.memory_space<vmem_shared>>
        tpu.enqueue_indirect_dma source(%dma_start3A_844 : memref<128x128xf32, #tpu.memory_space<vmem>>) target(%dma_start3A_850 : memref<10240x128xf32, #tpu.memory_space<vmem_shared>>) offsets(%dma_start3A_847 : memref<128xi32, #tpu.memory_space<vmem>>) semaphore(%run_scoped3A_841 : memref<!tpu.dma_semaphore, #tpu.memory_space<semaphore_mem>>) {add = true}
        %dma_wait3A_851 = arith.constant 128 : i32
        %dma_wait3A_852 = arith.constant 0 : i32
        %dma_wait3A_853 = tpu.memref_slice %arg8[%dma_wait3A_851, %dma_wait3A_852] : memref<256x128xf32, #tpu.memory_space<vmem>> -> memref<128x128xf32, #tpu.memory_space<vmem>>
        %dma_wait3A_854 = arith.constant 0 : i32
        %dma_wait3A_855 = tpu.memref_slice %arg7[%run_scoped3A_840, %dma_wait3A_854] : memref<16x128xi32, #tpu.memory_space<vmem>> -> memref<1x128xi32, #tpu.memory_space<vmem>>
        %dma_wait3A_856 = tpu.memref_squeeze %dma_wait3A_855 : memref<1x128xi32, #tpu.memory_space<vmem>> -> memref<128xi32, #tpu.memory_space<vmem>>
        %dma_wait3A_857 = arith.constant 0 : i32
        %dma_wait3A_858 = arith.constant 0 : i32
        %dma_wait3A_859 = tpu.memref_slice %arg9[%dma_wait3A_857, %dma_wait3A_858] : memref<10240x128xf32, #tpu.memory_space<vmem_shared>> -> memref<10240x128xf32, #tpu.memory_space<vmem_shared>>
        tpu.wait_indirect_dma semaphore(%run_scoped3A_841 : memref<!tpu.dma_semaphore, #tpu.memory_space<semaphore_mem>>) src(%dma_wait3A_853 : memref<128x128xf32, #tpu.memory_space<vmem>>) dst(%dma_wait3A_859 : memref<10240x128xf32, #tpu.memory_space<vmem_shared>>)
        tpu.yield
      }) : () -> ()
    }
    %scan3A_203 = arith.constant 39 : i32
    %get3A_204 = arith.constant 79 : i32
    %get3A_205 = arith.index_cast %get3A_204 : i32 to index
    %get3A_206 = arith.constant 0 : index
    %get3A_207 = tpu.vector_load %arg6[%get3A_205, %get3A_206] {strides = array<i32>} : memref<80x128xi32, #tpu.memory_space<vmem>>, vector<1x16xi32>,
    %get3A_208 = vector.shape_cast %get3A_207 : vector<1x16xi32> to vector<16xi32>
    %and3A_209 = arith.constant 65535 : i32
    %and3A_210 = vector.broadcast %and3A_209 : i32 to vector<16xi32>
    %and3A_211 = arith.andi %get3A_208, %and3A_210 : vector<16xi32>
    %swap3A_212 = arith.constant 2 : i32
    %swap3A_213 = arith.index_cast %swap3A_212 : i32 to index
    %swap3A_214 = arith.constant 0 : index
    %swap3A_215 = tpu.vector_load %arg7[%swap3A_213, %swap3A_214] {strides = array<i32>} : memref<16x128xi32, #tpu.memory_space<vmem>>, vector<1x16xi32>,
    %swap3A_216 = vector.shape_cast %swap3A_215 : vector<1x16xi32> to vector<16xi32>
    %swap3A_217 = vector.shape_cast %and3A_211 : vector<16xi32> to vector<1x16xi32>
    tpu.vector_store %arg7[%swap3A_213, %swap3A_214], %swap3A_217 {strides = array<i32>} : memref<16x128xi32, #tpu.memory_space<vmem>>, vector<1x16xi32>,
    %shift_right_logical3A_218 = arith.constant 16 : i32
    %shift_right_logical3A_219 = vector.broadcast %shift_right_logical3A_218 : i32 to vector<16xi32>
    %shift_right_logical3A_220 = arith.shrui %get3A_208, %shift_right_logical3A_219 : vector<16xi32>
    %swap3A_221 = arith.constant 3 : i32
    %swap3A_222 = arith.index_cast %swap3A_221 : i32 to index
    %swap3A_223 = arith.constant 0 : index
    %swap3A_224 = tpu.vector_load %arg7[%swap3A_222, %swap3A_223] {strides = array<i32>} : memref<16x128xi32, #tpu.memory_space<vmem>>, vector<1x16xi32>,
    %swap3A_225 = vector.shape_cast %swap3A_224 : vector<1x16xi32> to vector<16xi32>
    %swap3A_226 = vector.shape_cast %shift_right_logical3A_220 : vector<16xi32> to vector<1x16xi32>
    tpu.vector_store %arg7[%swap3A_222, %swap3A_223], %swap3A_226 {strides = array<i32>} : memref<16x128xi32, #tpu.memory_space<vmem>>, vector<1x16xi32>,
    %get3A_227 = arith.constant 79 : i32
    %get3A_228 = arith.index_cast %get3A_227 : i32 to index
    %get3A_229 = arith.constant 16 : index
    %get3A_230 = tpu.vector_load %arg6[%get3A_228, %get3A_229] {strides = array<i32>} : memref<80x128xi32, #tpu.memory_space<vmem>>, vector<1x16xi32>,
    %get3A_231 = vector.shape_cast %get3A_230 : vector<1x16xi32> to vector<16xi32>
    %and3A_232 = arith.constant 65535 : i32
    %and3A_233 = vector.broadcast %and3A_232 : i32 to vector<16xi32>
    %and3A_234 = arith.andi %get3A_231, %and3A_233 : vector<16xi32>
    %swap3A_235 = arith.constant 2 : i32
    %swap3A_236 = arith.index_cast %swap3A_235 : i32 to index
    %swap3A_237 = arith.constant 16 : index
    %swap3A_238 = tpu.vector_load %arg7[%swap3A_236, %swap3A_237] {strides = array<i32>} : memref<16x128xi32, #tpu.memory_space<vmem>>, vector<1x16xi32>,
    %swap3A_239 = vector.shape_cast %swap3A_238 : vector<1x16xi32> to vector<16xi32>
    %swap3A_240 = vector.shape_cast %and3A_234 : vector<16xi32> to vector<1x16xi32>
    tpu.vector_store %arg7[%swap3A_236, %swap3A_237], %swap3A_240 {strides = array<i32>} : memref<16x128xi32, #tpu.memory_space<vmem>>, vector<1x16xi32>,
    %shift_right_logical3A_241 = arith.constant 16 : i32
    %shift_right_logical3A_242 = vector.broadcast %shift_right_logical3A_241 : i32 to vector<16xi32>
    %shift_right_logical3A_243 = arith.shrui %get3A_231, %shift_right_logical3A_242 : vector<16xi32>
    %swap3A_244 = arith.constant 3 : i32
    %swap3A_245 = arith.index_cast %swap3A_244 : i32 to index
    %swap3A_246 = arith.constant 16 : index
    %swap3A_247 = tpu.vector_load %arg7[%swap3A_245, %swap3A_246] {strides = array<i32>} : memref<16x128xi32, #tpu.memory_space<vmem>>, vector<1x16xi32>,
    %swap3A_248 = vector.shape_cast %swap3A_247 : vector<1x16xi32> to vector<16xi32>
    %swap3A_249 = vector.shape_cast %shift_right_logical3A_243 : vector<16xi32> to vector<1x16xi32>
    tpu.vector_store %arg7[%swap3A_245, %swap3A_246], %swap3A_249 {strides = array<i32>} : memref<16x128xi32, #tpu.memory_space<vmem>>, vector<1x16xi32>,
    %get3A_250 = arith.constant 79 : i32
    %get3A_251 = arith.index_cast %get3A_250 : i32 to index
    %get3A_252 = arith.constant 32 : index
    %get3A_253 = tpu.vector_load %arg6[%get3A_251, %get3A_252] {strides = array<i32>} : memref<80x128xi32, #tpu.memory_space<vmem>>, vector<1x16xi32>,
    %get3A_254 = vector.shape_cast %get3A_253 : vector<1x16xi32> to vector<16xi32>
    %and3A_255 = arith.constant 65535 : i32
    %and3A_256 = vector.broadcast %and3A_255 : i32 to vector<16xi32>
    %and3A_257 = arith.andi %get3A_254, %and3A_256 : vector<16xi32>
    %swap3A_258 = arith.constant 2 : i32
    %swap3A_259 = arith.index_cast %swap3A_258 : i32 to index
    %swap3A_260 = arith.constant 32 : index
    %swap3A_261 = tpu.vector_load %arg7[%swap3A_259, %swap3A_260] {strides = array<i32>} : memref<16x128xi32, #tpu.memory_space<vmem>>, vector<1x16xi32>,
    %swap3A_262 = vector.shape_cast %swap3A_261 : vector<1x16xi32> to vector<16xi32>
    %swap3A_263 = vector.shape_cast %and3A_257 : vector<16xi32> to vector<1x16xi32>
    tpu.vector_store %arg7[%swap3A_259, %swap3A_260], %swap3A_263 {strides = array<i32>} : memref<16x128xi32, #tpu.memory_space<vmem>>, vector<1x16xi32>,
    %shift_right_logical3A_264 = arith.constant 16 : i32
    %shift_right_logical3A_265 = vector.broadcast %shift_right_logical3A_264 : i32 to vector<16xi32>
    %shift_right_logical3A_266 = arith.shrui %get3A_254, %shift_right_logical3A_265 : vector<16xi32>
    %swap3A_267 = arith.constant 3 : i32
    %swap3A_268 = arith.index_cast %swap3A_267 : i32 to index
    %swap3A_269 = arith.constant 32 : index
    %swap3A_270 = tpu.vector_load %arg7[%swap3A_268, %swap3A_269] {strides = array<i32>} : memref<16x128xi32, #tpu.memory_space<vmem>>, vector<1x16xi32>,
    %swap3A_271 = vector.shape_cast %swap3A_270 : vector<1x16xi32> to vector<16xi32>
    %swap3A_272 = vector.shape_cast %shift_right_logical3A_266 : vector<16xi32> to vector<1x16xi32>
    tpu.vector_store %arg7[%swap3A_268, %swap3A_269], %swap3A_272 {strides = array<i32>} : memref<16x128xi32, #tpu.memory_space<vmem>>, vector<1x16xi32>,
    %get3A_273 = arith.constant 79 : i32
    %get3A_274 = arith.index_cast %get3A_273 : i32 to index
    %get3A_275 = arith.constant 48 : index
    %get3A_276 = tpu.vector_load %arg6[%get3A_274, %get3A_275] {strides = array<i32>} : memref<80x128xi32, #tpu.memory_space<vmem>>, vector<1x16xi32>,
    %get3A_277 = vector.shape_cast %get3A_276 : vector<1x16xi32> to vector<16xi32>
    %and3A_278 = arith.constant 65535 : i32
    %and3A_279 = vector.broadcast %and3A_278 : i32 to vector<16xi32>
    %and3A_280 = arith.andi %get3A_277, %and3A_279 : vector<16xi32>
    %swap3A_281 = arith.constant 2 : i32
    %swap3A_282 = arith.index_cast %swap3A_281 : i32 to index
    %swap3A_283 = arith.constant 48 : index
    %swap3A_284 = tpu.vector_load %arg7[%swap3A_282, %swap3A_283] {strides = array<i32>} : memref<16x128xi32, #tpu.memory_space<vmem>>, vector<1x16xi32>,
    %swap3A_285 = vector.shape_cast %swap3A_284 : vector<1x16xi32> to vector<16xi32>
    %swap3A_286 = vector.shape_cast %and3A_280 : vector<16xi32> to vector<1x16xi32>
    tpu.vector_store %arg7[%swap3A_282, %swap3A_283], %swap3A_286 {strides = array<i32>} : memref<16x128xi32, #tpu.memory_space<vmem>>, vector<1x16xi32>,
    %shift_right_logical3A_287 = arith.constant 16 : i32
    %shift_right_logical3A_288 = vector.broadcast %shift_right_logical3A_287 : i32 to vector<16xi32>
    %shift_right_logical3A_289 = arith.shrui %get3A_277, %shift_right_logical3A_288 : vector<16xi32>
    %swap3A_290 = arith.constant 3 : i32
    %swap3A_291 = arith.index_cast %swap3A_290 : i32 to index
    %swap3A_292 = arith.constant 48 : index
    %swap3A_293 = tpu.vector_load %arg7[%swap3A_291, %swap3A_292] {strides = array<i32>} : memref<16x128xi32, #tpu.memory_space<vmem>>, vector<1x16xi32>,
    %swap3A_294 = vector.shape_cast %swap3A_293 : vector<1x16xi32> to vector<16xi32>
    %swap3A_295 = vector.shape_cast %shift_right_logical3A_289 : vector<16xi32> to vector<1x16xi32>
    tpu.vector_store %arg7[%swap3A_291, %swap3A_292], %swap3A_295 {strides = array<i32>} : memref<16x128xi32, #tpu.memory_space<vmem>>, vector<1x16xi32>,
    %get3A_296 = arith.constant 79 : i32
    %get3A_297 = arith.index_cast %get3A_296 : i32 to index
    %get3A_298 = arith.constant 64 : index
    %get3A_299 = tpu.vector_load %arg6[%get3A_297, %get3A_298] {strides = array<i32>} : memref<80x128xi32, #tpu.memory_space<vmem>>, vector<1x16xi32>,
    %get3A_300 = vector.shape_cast %get3A_299 : vector<1x16xi32> to vector<16xi32>
    %and3A_301 = arith.constant 65535 : i32
    %and3A_302 = vector.broadcast %and3A_301 : i32 to vector<16xi32>
    %and3A_303 = arith.andi %get3A_300, %and3A_302 : vector<16xi32>
    %swap3A_304 = arith.constant 2 : i32
    %swap3A_305 = arith.index_cast %swap3A_304 : i32 to index
    %swap3A_306 = arith.constant 64 : index
    %swap3A_307 = tpu.vector_load %arg7[%swap3A_305, %swap3A_306] {strides = array<i32>} : memref<16x128xi32, #tpu.memory_space<vmem>>, vector<1x16xi32>,
    %swap3A_308 = vector.shape_cast %swap3A_307 : vector<1x16xi32> to vector<16xi32>
    %swap3A_309 = vector.shape_cast %and3A_303 : vector<16xi32> to vector<1x16xi32>
    tpu.vector_store %arg7[%swap3A_305, %swap3A_306], %swap3A_309 {strides = array<i32>} : memref<16x128xi32, #tpu.memory_space<vmem>>, vector<1x16xi32>,
    %shift_right_logical3A_310 = arith.constant 16 : i32
    %shift_right_logical3A_311 = vector.broadcast %shift_right_logical3A_310 : i32 to vector<16xi32>
    %shift_right_logical3A_312 = arith.shrui %get3A_300, %shift_right_logical3A_311 : vector<16xi32>
    %swap3A_313 = arith.constant 3 : i32
    %swap3A_314 = arith.index_cast %swap3A_313 : i32 to index
    %swap3A_315 = arith.constant 64 : index
    %swap3A_316 = tpu.vector_load %arg7[%swap3A_314, %swap3A_315] {strides = array<i32>} : memref<16x128xi32, #tpu.memory_space<vmem>>, vector<1x16xi32>,
    %swap3A_317 = vector.shape_cast %swap3A_316 : vector<1x16xi32> to vector<16xi32>
    %swap3A_318 = vector.shape_cast %shift_right_logical3A_312 : vector<16xi32> to vector<1x16xi32>
    tpu.vector_store %arg7[%swap3A_314, %swap3A_315], %swap3A_318 {strides = array<i32>} : memref<16x128xi32, #tpu.memory_space<vmem>>, vector<1x16xi32>,
    %get3A_319 = arith.constant 79 : i32
    %get3A_320 = arith.index_cast %get3A_319 : i32 to index
    %get3A_321 = arith.constant 80 : index
    %get3A_322 = tpu.vector_load %arg6[%get3A_320, %get3A_321] {strides = array<i32>} : memref<80x128xi32, #tpu.memory_space<vmem>>, vector<1x16xi32>,
    %get3A_323 = vector.shape_cast %get3A_322 : vector<1x16xi32> to vector<16xi32>
    %and3A_324 = arith.constant 65535 : i32
    %and3A_325 = vector.broadcast %and3A_324 : i32 to vector<16xi32>
    %and3A_326 = arith.andi %get3A_323, %and3A_325 : vector<16xi32>
    %swap3A_327 = arith.constant 2 : i32
    %swap3A_328 = arith.index_cast %swap3A_327 : i32 to index
    %swap3A_329 = arith.constant 80 : index
    %swap3A_330 = tpu.vector_load %arg7[%swap3A_328, %swap3A_329] {strides = array<i32>} : memref<16x128xi32, #tpu.memory_space<vmem>>, vector<1x16xi32>,
    %swap3A_331 = vector.shape_cast %swap3A_330 : vector<1x16xi32> to vector<16xi32>
    %swap3A_332 = vector.shape_cast %and3A_326 : vector<16xi32> to vector<1x16xi32>
    tpu.vector_store %arg7[%swap3A_328, %swap3A_329], %swap3A_332 {strides = array<i32>} : memref<16x128xi32, #tpu.memory_space<vmem>>, vector<1x16xi32>,
    %shift_right_logical3A_333 = arith.constant 16 : i32
    %shift_right_logical3A_334 = vector.broadcast %shift_right_logical3A_333 : i32 to vector<16xi32>
    %shift_right_logical3A_335 = arith.shrui %get3A_323, %shift_right_logical3A_334 : vector<16xi32>
    %swap3A_336 = arith.constant 3 : i32
    %swap3A_337 = arith.index_cast %swap3A_336 : i32 to index
    %swap3A_338 = arith.constant 80 : index
    %swap3A_339 = tpu.vector_load %arg7[%swap3A_337, %swap3A_338] {strides = array<i32>} : memref<16x128xi32, #tpu.memory_space<vmem>>, vector<1x16xi32>,
    %swap3A_340 = vector.shape_cast %swap3A_339 : vector<1x16xi32> to vector<16xi32>
    %swap3A_341 = vector.shape_cast %shift_right_logical3A_335 : vector<16xi32> to vector<1x16xi32>
    tpu.vector_store %arg7[%swap3A_337, %swap3A_338], %swap3A_341 {strides = array<i32>} : memref<16x128xi32, #tpu.memory_space<vmem>>, vector<1x16xi32>,
    %get3A_342 = arith.constant 79 : i32
    %get3A_343 = arith.index_cast %get3A_342 : i32 to index
    %get3A_344 = arith.constant 96 : index
    %get3A_345 = tpu.vector_load %arg6[%get3A_343, %get3A_344] {strides = array<i32>} : memref<80x128xi32, #tpu.memory_space<vmem>>, vector<1x16xi32>,
    %get3A_346 = vector.shape_cast %get3A_345 : vector<1x16xi32> to vector<16xi32>
    %and3A_347 = arith.constant 65535 : i32
    %and3A_348 = vector.broadcast %and3A_347 : i32 to vector<16xi32>
    %and3A_349 = arith.andi %get3A_346, %and3A_348 : vector<16xi32>
    %swap3A_350 = arith.constant 2 : i32
    %swap3A_351 = arith.index_cast %swap3A_350 : i32 to index
    %swap3A_352 = arith.constant 96 : index
    %swap3A_353 = tpu.vector_load %arg7[%swap3A_351, %swap3A_352] {strides = array<i32>} : memref<16x128xi32, #tpu.memory_space<vmem>>, vector<1x16xi32>,
    %swap3A_354 = vector.shape_cast %swap3A_353 : vector<1x16xi32> to vector<16xi32>
    %swap3A_355 = vector.shape_cast %and3A_349 : vector<16xi32> to vector<1x16xi32>
    tpu.vector_store %arg7[%swap3A_351, %swap3A_352], %swap3A_355 {strides = array<i32>} : memref<16x128xi32, #tpu.memory_space<vmem>>, vector<1x16xi32>,
    %shift_right_logical3A_356 = arith.constant 16 : i32
    %shift_right_logical3A_357 = vector.broadcast %shift_right_logical3A_356 : i32 to vector<16xi32>
    %shift_right_logical3A_358 = arith.shrui %get3A_346, %shift_right_logical3A_357 : vector<16xi32>
    %swap3A_359 = arith.constant 3 : i32
    %swap3A_360 = arith.index_cast %swap3A_359 : i32 to index
    %swap3A_361 = arith.constant 96 : index
    %swap3A_362 = tpu.vector_load %arg7[%swap3A_360, %swap3A_361] {strides = array<i32>} : memref<16x128xi32, #tpu.memory_space<vmem>>, vector<1x16xi32>,
    %swap3A_363 = vector.shape_cast %swap3A_362 : vector<1x16xi32> to vector<16xi32>
    %swap3A_364 = vector.shape_cast %shift_right_logical3A_358 : vector<16xi32> to vector<1x16xi32>
    tpu.vector_store %arg7[%swap3A_360, %swap3A_361], %swap3A_364 {strides = array<i32>} : memref<16x128xi32, #tpu.memory_space<vmem>>, vector<1x16xi32>,
    %get3A_365 = arith.constant 79 : i32
    %get3A_366 = arith.index_cast %get3A_365 : i32 to index
    %get3A_367 = arith.constant 112 : index
    %get3A_368 = tpu.vector_load %arg6[%get3A_366, %get3A_367] {strides = array<i32>} : memref<80x128xi32, #tpu.memory_space<vmem>>, vector<1x16xi32>,
    %get3A_369 = vector.shape_cast %get3A_368 : vector<1x16xi32> to vector<16xi32>
    %and3A_370 = arith.constant 65535 : i32
    %and3A_371 = vector.broadcast %and3A_370 : i32 to vector<16xi32>
    %and3A_372 = arith.andi %get3A_369, %and3A_371 : vector<16xi32>
    %swap3A_373 = arith.constant 2 : i32
    %swap3A_374 = arith.index_cast %swap3A_373 : i32 to index
    %swap3A_375 = arith.constant 112 : index
    %swap3A_376 = tpu.vector_load %arg7[%swap3A_374, %swap3A_375] {strides = array<i32>} : memref<16x128xi32, #tpu.memory_space<vmem>>, vector<1x16xi32>,
    %swap3A_377 = vector.shape_cast %swap3A_376 : vector<1x16xi32> to vector<16xi32>
    %swap3A_378 = vector.shape_cast %and3A_372 : vector<16xi32> to vector<1x16xi32>
    tpu.vector_store %arg7[%swap3A_374, %swap3A_375], %swap3A_378 {strides = array<i32>} : memref<16x128xi32, #tpu.memory_space<vmem>>, vector<1x16xi32>,
    %shift_right_logical3A_379 = arith.constant 16 : i32
    %shift_right_logical3A_380 = vector.broadcast %shift_right_logical3A_379 : i32 to vector<16xi32>
    %shift_right_logical3A_381 = arith.shrui %get3A_369, %shift_right_logical3A_380 : vector<16xi32>
    %swap3A_382 = arith.constant 3 : i32
    %swap3A_383 = arith.index_cast %swap3A_382 : i32 to index
    %swap3A_384 = arith.constant 112 : index
    %swap3A_385 = tpu.vector_load %arg7[%swap3A_383, %swap3A_384] {strides = array<i32>} : memref<16x128xi32, #tpu.memory_space<vmem>>, vector<1x16xi32>,
    %swap3A_386 = vector.shape_cast %swap3A_385 : vector<1x16xi32> to vector<16xi32>
    %swap3A_387 = vector.shape_cast %shift_right_logical3A_381 : vector<16xi32> to vector<1x16xi32>
    tpu.vector_store %arg7[%swap3A_383, %swap3A_384], %swap3A_387 {strides = array<i32>} : memref<16x128xi32, #tpu.memory_space<vmem>>, vector<1x16xi32>,
    %dma_start3A_388 = arith.constant 2 : i32
    %dma_start3A_389 = arith.constant 1 : i32
    %dma_start3A_390 = arith.constant 128 : i32
    %dma_start3A_391 = arith.constant 0 : i32
    %dma_start3A_392 = tpu.memref_slice %arg8[%dma_start3A_390, %dma_start3A_391] : memref<256x128xf32, #tpu.memory_space<vmem>> -> memref<128x128xf32, #tpu.memory_space<vmem>>
    %dma_start3A_393 = arith.constant 0 : i32
    %dma_start3A_394 = tpu.memref_slice %arg7[%dma_start3A_388, %dma_start3A_393] : memref<16x128xi32, #tpu.memory_space<vmem>> -> memref<1x128xi32, #tpu.memory_space<vmem>>
    %dma_start3A_395 = tpu.memref_squeeze %dma_start3A_394 : memref<1x128xi32, #tpu.memory_space<vmem>> -> memref<128xi32, #tpu.memory_space<vmem>>
    %dma_start3A_396 = arith.constant 0 : i32
    %dma_start3A_397 = arith.constant 0 : i32
    %dma_start3A_398 = tpu.memref_slice %arg2[%dma_start3A_396, %dma_start3A_397] : memref<10000x128xf32, #tpu.memory_space<hbm>> -> memref<10000x128xf32, #tpu.memory_space<hbm>>
    %dma_start3A_399 = tpu.memref_slice %arg10[%dma_start3A_389] : memref<2x!tpu.dma_semaphore, #tpu.memory_space<semaphore_mem>> -> memref<1x!tpu.dma_semaphore, #tpu.memory_space<semaphore_mem>>
    %dma_start3A_400 = tpu.memref_squeeze %dma_start3A_399 : memref<1x!tpu.dma_semaphore, #tpu.memory_space<semaphore_mem>> -> memref<!tpu.dma_semaphore, #tpu.memory_space<semaphore_mem>>
    tpu.enqueue_indirect_dma source(%dma_start3A_398 : memref<10000x128xf32, #tpu.memory_space<hbm>>) target(%dma_start3A_392 : memref<128x128xf32, #tpu.memory_space<vmem>>) offsets(%dma_start3A_395 : memref<128xi32, #tpu.memory_space<vmem>>) semaphore(%dma_start3A_400 : memref<!tpu.dma_semaphore, #tpu.memory_space<semaphore_mem>>)
    %dma_wait3A = arith.constant 0 : i32
    %dma_wait3A_401 = arith.constant 0 : i32
    %dma_wait3A_402 = arith.constant 0 : i32
    %dma_wait3A_403 = arith.constant 0 : i32
    %dma_wait3A_404 = tpu.memref_slice %arg8[%dma_wait3A_402, %dma_wait3A_403] : memref<256x128xf32, #tpu.memory_space<vmem>> -> memref<128x128xf32, #tpu.memory_space<vmem>>
    %dma_wait3A_405 = arith.constant 0 : i32
    %dma_wait3A_406 = tpu.memref_slice %arg7[%dma_wait3A, %dma_wait3A_405] : memref<16x128xi32, #tpu.memory_space<vmem>> -> memref<1x128xi32, #tpu.memory_space<vmem>>
    %dma_wait3A_407 = tpu.memref_squeeze %dma_wait3A_406 : memref<1x128xi32, #tpu.memory_space<vmem>> -> memref<128xi32, #tpu.memory_space<vmem>>
    %dma_wait3A_408 = arith.constant 0 : i32
    %dma_wait3A_409 = arith.constant 0 : i32
    %dma_wait3A_410 = tpu.memref_slice %arg2[%dma_wait3A_408, %dma_wait3A_409] : memref<10000x128xf32, #tpu.memory_space<hbm>> -> memref<10000x128xf32, #tpu.memory_space<hbm>>
    %dma_wait3A_411 = tpu.memref_slice %arg10[%dma_wait3A_401] : memref<2x!tpu.dma_semaphore, #tpu.memory_space<semaphore_mem>> -> memref<1x!tpu.dma_semaphore, #tpu.memory_space<semaphore_mem>>
    %dma_wait3A_412 = tpu.memref_squeeze %dma_wait3A_411 : memref<1x!tpu.dma_semaphore, #tpu.memory_space<semaphore_mem>> -> memref<!tpu.dma_semaphore, #tpu.memory_space<semaphore_mem>>
    tpu.wait_indirect_dma semaphore(%dma_wait3A_412 : memref<!tpu.dma_semaphore, #tpu.memory_space<semaphore_mem>>) src(%dma_wait3A_410 : memref<10000x128xf32, #tpu.memory_space<hbm>>) dst(%dma_wait3A_404 : memref<128x128xf32, #tpu.memory_space<vmem>>)
    %run_scoped3A = arith.constant 1 : i32
    "tpu.region"() ({
      %run_scoped3A_432 = tpu.sem_alloc : memref<!tpu.dma_semaphore, #tpu.memory_space<semaphore_mem>>
      %dma_start3A_433 = arith.constant 0 : i32
      %dma_start3A_434 = arith.constant 0 : i32
      %dma_start3A_435 = tpu.memref_slice %arg8[%dma_start3A_433, %dma_start3A_434] : memref<256x128xf32, #tpu.memory_space<vmem>> -> memref<128x128xf32, #tpu.memory_space<vmem>>
      %dma_start3A_436 = arith.constant 0 : i32
      %dma_start3A_437 = tpu.memref_slice %arg7[%run_scoped3A, %dma_start3A_436] : memref<16x128xi32, #tpu.memory_space<vmem>> -> memref<1x128xi32, #tpu.memory_space<vmem>>
      %dma_start3A_438 = tpu.memref_squeeze %dma_start3A_437 : memref<1x128xi32, #tpu.memory_space<vmem>> -> memref<128xi32, #tpu.memory_space<vmem>>
      %dma_start3A_439 = arith.constant 0 : i32
      %dma_start3A_440 = arith.constant 0 : i32
      %dma_start3A_441 = tpu.memref_slice %arg9[%dma_start3A_439, %dma_start3A_440] : memref<10240x128xf32, #tpu.memory_space<vmem_shared>> -> memref<10240x128xf32, #tpu.memory_space<vmem_shared>>
      tpu.enqueue_indirect_dma source(%dma_start3A_435 : memref<128x128xf32, #tpu.memory_space<vmem>>) target(%dma_start3A_441 : memref<10240x128xf32, #tpu.memory_space<vmem_shared>>) offsets(%dma_start3A_438 : memref<128xi32, #tpu.memory_space<vmem>>) semaphore(%run_scoped3A_432 : memref<!tpu.dma_semaphore, #tpu.memory_space<semaphore_mem>>) {add = true}
      %dma_wait3A_442 = arith.constant 0 : i32
      %dma_wait3A_443 = arith.constant 0 : i32
      %dma_wait3A_444 = tpu.memref_slice %arg8[%dma_wait3A_442, %dma_wait3A_443] : memref<256x128xf32, #tpu.memory_space<vmem>> -> memref<128x128xf32, #tpu.memory_space<vmem>>
      %dma_wait3A_445 = arith.constant 0 : i32
      %dma_wait3A_446 = tpu.memref_slice %arg7[%run_scoped3A, %dma_wait3A_445] : memref<16x128xi32, #tpu.memory_space<vmem>> -> memref<1x128xi32, #tpu.memory_space<vmem>>
      %dma_wait3A_447 = tpu.memref_squeeze %dma_wait3A_446 : memref<1x128xi32, #tpu.memory_space<vmem>> -> memref<128xi32, #tpu.memory_space<vmem>>
      %dma_wait3A_448 = arith.constant 0 : i32
      %dma_wait3A_449 = arith.constant 0 : i32
      %dma_wait3A_450 = tpu.memref_slice %arg9[%dma_wait3A_448, %dma_wait3A_449] : memref<10240x128xf32, #tpu.memory_space<vmem_shared>> -> memref<10240x128xf32, #tpu.memory_space<vmem_shared>>
      tpu.wait_indirect_dma semaphore(%run_scoped3A_432 : memref<!tpu.dma_semaphore, #tpu.memory_space<semaphore_mem>>) src(%dma_wait3A_444 : memref<128x128xf32, #tpu.memory_space<vmem>>) dst(%dma_wait3A_450 : memref<10240x128xf32, #tpu.memory_space<vmem_shared>>)
      tpu.yield
    }) : () -> ()
    %dma_wait3A_413 = arith.constant 2 : i32
    %dma_wait3A_414 = arith.constant 1 : i32
    %dma_wait3A_415 = arith.constant 128 : i32
    %dma_wait3A_416 = arith.constant 0 : i32
    %dma_wait3A_417 = tpu.memref_slice %arg8[%dma_wait3A_415, %dma_wait3A_416] : memref<256x128xf32, #tpu.memory_space<vmem>> -> memref<128x128xf32, #tpu.memory_space<vmem>>
    %dma_wait3A_418 = arith.constant 0 : i32
    %dma_wait3A_419 = tpu.memref_slice %arg7[%dma_wait3A_413, %dma_wait3A_418] : memref<16x128xi32, #tpu.memory_space<vmem>> -> memref<1x128xi32, #tpu.memory_space<vmem>>
    %dma_wait3A_420 = tpu.memref_squeeze %dma_wait3A_419 : memref<1x128xi32, #tpu.memory_space<vmem>> -> memref<128xi32, #tpu.memory_space<vmem>>
    %dma_wait3A_421 = arith.constant 0 : i32
    %dma_wait3A_422 = arith.constant 0 : i32
    %dma_wait3A_423 = tpu.memref_slice %arg2[%dma_wait3A_421, %dma_wait3A_422] : memref<10000x128xf32, #tpu.memory_space<hbm>> -> memref<10000x128xf32, #tpu.memory_space<hbm>>
    %dma_wait3A_424 = tpu.memref_slice %arg10[%dma_wait3A_414] : memref<2x!tpu.dma_semaphore, #tpu.memory_space<semaphore_mem>> -> memref<1x!tpu.dma_semaphore, #tpu.memory_space<semaphore_mem>>
    %dma_wait3A_425 = tpu.memref_squeeze %dma_wait3A_424 : memref<1x!tpu.dma_semaphore, #tpu.memory_space<semaphore_mem>> -> memref<!tpu.dma_semaphore, #tpu.memory_space<semaphore_mem>>
    tpu.wait_indirect_dma semaphore(%dma_wait3A_425 : memref<!tpu.dma_semaphore, #tpu.memory_space<semaphore_mem>>) src(%dma_wait3A_423 : memref<10000x128xf32, #tpu.memory_space<hbm>>) dst(%dma_wait3A_417 : memref<128x128xf32, #tpu.memory_space<vmem>>)
    %run_scoped3A_426 = arith.constant 3 : i32
    "tpu.region"() ({
      %run_scoped3A_432 = tpu.sem_alloc : memref<!tpu.dma_semaphore, #tpu.memory_space<semaphore_mem>>
      %dma_start3A_433 = arith.constant 128 : i32
      %dma_start3A_434 = arith.constant 0 : i32
      %dma_start3A_435 = tpu.memref_slice %arg8[%dma_start3A_433, %dma_start3A_434] : memref<256x128xf32, #tpu.memory_space<vmem>> -> memref<128x128xf32, #tpu.memory_space<vmem>>
      %dma_start3A_436 = arith.constant 0 : i32
      %dma_start3A_437 = tpu.memref_slice %arg7[%run_scoped3A_426, %dma_start3A_436] : memref<16x128xi32, #tpu.memory_space<vmem>> -> memref<1x128xi32, #tpu.memory_space<vmem>>
      %dma_start3A_438 = tpu.memref_squeeze %dma_start3A_437 : memref<1x128xi32, #tpu.memory_space<vmem>> -> memref<128xi32, #tpu.memory_space<vmem>>
      %dma_start3A_439 = arith.constant 0 : i32
      %dma_start3A_440 = arith.constant 0 : i32
      %dma_start3A_441 = tpu.memref_slice %arg9[%dma_start3A_439, %dma_start3A_440] : memref<10240x128xf32, #tpu.memory_space<vmem_shared>> -> memref<10240x128xf32, #tpu.memory_space<vmem_shared>>
      tpu.enqueue_indirect_dma source(%dma_start3A_435 : memref<128x128xf32, #tpu.memory_space<vmem>>) target(%dma_start3A_441 : memref<10240x128xf32, #tpu.memory_space<vmem_shared>>) offsets(%dma_start3A_438 : memref<128xi32, #tpu.memory_space<vmem>>) semaphore(%run_scoped3A_432 : memref<!tpu.dma_semaphore, #tpu.memory_space<semaphore_mem>>) {add = true}
      %dma_wait3A_442 = arith.constant 128 : i32
      %dma_wait3A_443 = arith.constant 0 : i32
      %dma_wait3A_444 = tpu.memref_slice %arg8[%dma_wait3A_442, %dma_wait3A_443] : memref<256x128xf32, #tpu.memory_space<vmem>> -> memref<128x128xf32, #tpu.memory_space<vmem>>
      %dma_wait3A_445 = arith.constant 0 : i32
      %dma_wait3A_446 = tpu.memref_slice %arg7[%run_scoped3A_426, %dma_wait3A_445] : memref<16x128xi32, #tpu.memory_space<vmem>> -> memref<1x128xi32, #tpu.memory_space<vmem>>
      %dma_wait3A_447 = tpu.memref_squeeze %dma_wait3A_446 : memref<1x128xi32, #tpu.memory_space<vmem>> -> memref<128xi32, #tpu.memory_space<vmem>>
      %dma_wait3A_448 = arith.constant 0 : i32
      %dma_wait3A_449 = arith.constant 0 : i32
      %dma_wait3A_450 = tpu.memref_slice %arg9[%dma_wait3A_448, %dma_wait3A_449] : memref<10240x128xf32, #tpu.memory_space<vmem_shared>> -> memref<10240x128xf32, #tpu.memory_space<vmem_shared>>
      tpu.wait_indirect_dma semaphore(%run_scoped3A_432 : memref<!tpu.dma_semaphore, #tpu.memory_space<semaphore_mem>>) src(%dma_wait3A_444 : memref<128x128xf32, #tpu.memory_space<vmem>>) dst(%dma_wait3A_450 : memref<10240x128xf32, #tpu.memory_space<vmem_shared>>)
      tpu.yield
    }) : () -> ()
    %barrier3A_427 = arith.constant 0 : index
    tpu.barrier barrier_id(%barrier3A_427)
    %mul3A_428 = arith.constant 640 : i32
    %mul3A_429 = arith.muli %arg1, %mul3A_428 : i32
    %mul3A_430 = arith.constant 640 : i32
    %mul3A_431 = arith.muli %arg1, %mul3A_430 : i32
    "tpu.region"() ({
      %run_scoped3A_432 = tpu.sem_alloc : memref<!tpu.dma_semaphore, #tpu.memory_space<semaphore_mem>>
      %dma_start3A_433 = arith.constant 0 : i32
      %dma_start3A_434 = tpu.memref_slice %arg5[%arg0, %mul3A_431, %dma_start3A_433] : memref<2x10240x128xf32, #tpu.memory_space<hbm>> -> memref<1x640x128xf32, #tpu.memory_space<hbm>>
      %dma_start3A_435 = tpu.memref_squeeze %dma_start3A_434 : memref<1x640x128xf32, #tpu.memory_space<hbm>> -> memref<640x128xf32, #tpu.memory_space<hbm>>
      %dma_start3A_436 = arith.constant 0 : i32
      %dma_start3A_437 = tpu.memref_slice %arg9[%mul3A_429, %dma_start3A_436] : memref<10240x128xf32, #tpu.memory_space<vmem_shared>> -> memref<640x128xf32, #tpu.memory_space<vmem_shared>>
      tpu.enqueue_dma source(%dma_start3A_437 : memref<640x128xf32, #tpu.memory_space<vmem_shared>>) target(%dma_start3A_435 : memref<640x128xf32, #tpu.memory_space<hbm>>) target_semaphore(%run_scoped3A_432 : memref<!tpu.dma_semaphore, #tpu.memory_space<semaphore_mem>>)
      %dma_wait3A_438 = arith.constant 0 : i32
      %dma_wait3A_439 = tpu.memref_slice %arg5[%arg0, %mul3A_431, %dma_wait3A_438] : memref<2x10240x128xf32, #tpu.memory_space<hbm>> -> memref<1x640x128xf32, #tpu.memory_space<hbm>>
      %dma_wait3A_440 = tpu.memref_squeeze %dma_wait3A_439 : memref<1x640x128xf32, #tpu.memory_space<hbm>> -> memref<640x128xf32, #tpu.memory_space<hbm>>
      %dma_wait3A_441 = arith.constant 0 : i32
      %dma_wait3A_442 = tpu.memref_slice %arg9[%mul3A_429, %dma_wait3A_441] : memref<10240x128xf32, #tpu.memory_space<vmem_shared>> -> memref<640x128xf32, #tpu.memory_space<vmem_shared>>
      tpu.wait_dma2 semaphore(%run_scoped3A_432 : memref<!tpu.dma_semaphore, #tpu.memory_space<semaphore_mem>>) src(%dma_wait3A_442 : memref<640x128xf32, #tpu.memory_space<vmem_shared>>) dst(%dma_wait3A_440 : memref<640x128xf32, #tpu.memory_space<hbm>>)
      tpu.yield
    }) : () -> ()
    return
  }
}

#map = affine_map<(d0, d1) -> (0, 0)>
#map1 = affine_map<(d0, d1) -> (0, 0, 0)>
module attributes {stable_mosaic.version = 14 : i64} {
  func.func @sc_scatter(%arg0: i32, %arg1: i32, %arg2: memref<10000x128xf32, #tpu.memory_space<hbm>>, %arg3: memref<32x80x128xi32, #tpu.memory_space<hbm>>, %arg4: memref<10240x128xf32, #tpu.memory_space<hbm>>, %arg5: memref<2x10240x128xf32, #tpu.memory_space<hbm>>, %arg6: memref<80x128xi32, #tpu.memory_space<vmem>>, %arg7: memref<16x128xi32, #tpu.memory_space<vmem>>, %arg8: memref<256x128xf32, #tpu.memory_space<vmem>>, %arg9: memref<10240x128xf32, #tpu.memory_space<vmem_shared>>, %arg10: memref<2x!tpu.dma_semaphore, #tpu.memory_space<semaphore_mem>>) attributes {dimension_semantics = [#tpu.dimension_semantics<core_parallel>, #tpu.dimension_semantics<subcore_parallel>], iteration_bounds = array<i64: 2, 16>, scalar_prefetch = 0 : i64, scratch_operands = 5 : i64, tpu.core_type = #tpu.core_type<sc_vector_subcore>, window_params = [{transform_indices = #map}, {transform_indices = #map1}, {transform_indices = #map}, {transform_indices = #map1}]} {
    %mul3A = arith.constant 2 : i32
    %mul3A_0 = arith.muli %arg1, %mul3A : i32
    %add3A = arith.addi %mul3A_0, %arg0 : i32
    %mul3A_1 = arith.constant 640 : i32
    %mul3A_2 = arith.muli %arg1, %mul3A_1 : i32
    %mul3A_3 = arith.constant 640 : i32
    %mul3A_4 = arith.muli %arg1, %mul3A_3 : i32
    "tpu.region"() ({
      %run_scoped3A_432 = tpu.sem_alloc : memref<!tpu.dma_semaphore, #tpu.memory_space<semaphore_mem>>
      %dma_start3A_433 = arith.constant 0 : i32
      %dma_start3A_434 = tpu.memref_slice %arg9[%mul3A_4, %dma_start3A_433] : memref<10240x128xf32, #tpu.memory_space<vmem_shared>> -> memref<640x128xf32, #tpu.memory_space<vmem_shared>>
      %dma_start3A_435 = arith.constant 0 : i32
      %dma_start3A_436 = tpu.memref_slice %arg4[%mul3A_2, %dma_start3A_435] : memref<10240x128xf32, #tpu.memory_space<hbm>> -> memref<640x128xf32, #tpu.memory_space<hbm>>
      tpu.enqueue_dma source(%dma_start3A_436 : memref<640x128xf32, #tpu.memory_space<hbm>>) target(%dma_start3A_434 : memref<640x128xf32, #tpu.memory_space<vmem_shared>>) target_semaphore(%run_scoped3A_432 : memref<!tpu.dma_semaphore, #tpu.memory_space<semaphore_mem>>)
      %dma_wait3A_437 = arith.constant 0 : i32
      %dma_wait3A_438 = tpu.memref_slice %arg9[%mul3A_4, %dma_wait3A_437] : memref<10240x128xf32, #tpu.memory_space<vmem_shared>> -> memref<640x128xf32, #tpu.memory_space<vmem_shared>>
      %dma_wait3A_439 = arith.constant 0 : i32
      %dma_wait3A_440 = tpu.memref_slice %arg4[%mul3A_2, %dma_wait3A_439] : memref<10240x128xf32, #tpu.memory_space<hbm>> -> memref<640x128xf32, #tpu.memory_space<hbm>>
      tpu.wait_dma2 semaphore(%run_scoped3A_432 : memref<!tpu.dma_semaphore, #tpu.memory_space<semaphore_mem>>) src(%dma_wait3A_440 : memref<640x128xf32, #tpu.memory_space<hbm>>) dst(%dma_wait3A_438 : memref<640x128xf32, #tpu.memory_space<vmem_shared>>)
      tpu.yield
    }) : () -> ()
    "tpu.region"() ({
      %run_scoped3A_432 = tpu.sem_alloc : memref<!tpu.dma_semaphore, #tpu.memory_space<semaphore_mem>>
      %dma_start3A_433 = arith.constant 0 : i32
      %dma_start3A_434 = arith.constant 0 : i32
      %dma_start3A_435 = tpu.memref_slice %arg3[%add3A, %dma_start3A_433, %dma_start3A_434] : memref<32x80x128xi32, #tpu.memory_space<hbm>> -> memref<1x80x128xi32, #tpu.memory_space<hbm>>
      %dma_start3A_436 = tpu.memref_squeeze %dma_start3A_435 : memref<1x80x128xi32, #tpu.memory_space<hbm>> -> memref<80x128xi32, #tpu.memory_space<hbm>>
      %dma_start3A_437 = arith.constant 0 : i32
      %dma_start3A_438 = arith.constant 0 : i32
      %dma_start3A_439 = tpu.memref_slice %arg3[%add3A, %dma_start3A_437, %dma_start3A_438] : memref<32x80x128xi32, #tpu.memory_space<hbm>> -> memref<1x80x128xi32, #tpu.memory_space<hbm>>
      %dma_start3A_440 = tpu.memref_squeeze %dma_start3A_439 : memref<1x80x128xi32, #tpu.memory_space<hbm>> -> memref<80x128xi32, #tpu.memory_space<hbm>>
      tpu.enqueue_dma source(%dma_start3A_440 : memref<80x128xi32, #tpu.memory_space<hbm>>) target(%arg6 : memref<80x128xi32, #tpu.memory_space<vmem>>) target_semaphore(%run_scoped3A_432 : memref<!tpu.dma_semaphore, #tpu.memory_space<semaphore_mem>>)
      %dma_wait3A_441 = arith.constant 0 : i32
      %dma_wait3A_442 = arith.constant 0 : i32
      %dma_wait3A_443 = tpu.memref_slice %arg3[%add3A, %dma_wait3A_441, %dma_wait3A_442] : memref<32x80x128xi32, #tpu.memory_space<hbm>> -> memref<1x80x128xi32, #tpu.memory_space<hbm>>
      %dma_wait3A_444 = tpu.memref_squeeze %dma_wait3A_443 : memref<1x80x128xi32, #tpu.memory_space<hbm>> -> memref<80x128xi32, #tpu.memory_space<hbm>>
      %dma_wait3A_445 = arith.constant 0 : i32
      %dma_wait3A_446 = arith.constant 0 : i32
      %dma_wait3A_447 = tpu.memref_slice %arg3[%add3A, %dma_wait3A_445, %dma_wait3A_446] : memref<32x80x128xi32, #tpu.memory_space<hbm>> -> memref<1x80x128xi32, #tpu.memory_space<hbm>>
      %dma_wait3A_448 = tpu.memref_squeeze %dma_wait3A_447 : memref<1x80x128xi32, #tpu.memory_space<hbm>> -> memref<80x128xi32, #tpu.memory_space<hbm>>
      tpu.wait_dma2 semaphore(%run_scoped3A_432 : memref<!tpu.dma_semaphore, #tpu.memory_space<semaphore_mem>>) src(%dma_wait3A_448 : memref<80x128xi32, #tpu.memory_space<hbm>>) dst(%arg6 : memref<80x128xi32, #tpu.memory_space<vmem>>)
      tpu.yield
    }) : () -> ()
    %barrier3A = arith.constant 0 : index
    tpu.barrier barrier_id(%barrier3A)
    %get3A = arith.constant 0 : i32
    %get3A_5 = arith.index_cast %get3A : i32 to index
    %get3A_6 = arith.constant 0 : index
    %get3A_7 = tpu.vector_load %arg6[%get3A_5, %get3A_6] {strides = array<i32>} : memref<80x128xi32, #tpu.memory_space<vmem>>, vector<1x16xi32>,
    %get3A_8 = vector.shape_cast %get3A_7 : vector<1x16xi32> to vector<16xi32>
    %and3A = arith.constant 65535 : i32
    %and3A_9 = vector.broadcast %and3A : i32 to vector<16xi32>
    %and3A_10 = arith.andi %get3A_8, %and3A_9 : vector<16xi32>
    %swap3A = arith.constant 0 : i32
    %swap3A_11 = arith.index_cast %swap3A : i32 to index
    %swap3A_12 = arith.constant 0 : index
    %swap3A_13 = tpu.vector_load %arg7[%swap3A_11, %swap3A_12] {strides = array<i32>} : memref<16x128xi32, #tpu.memory_space<vmem>>, vector<1x16xi32>,
    %swap3A_14 = vector.shape_cast %swap3A_13 : vector<1x16xi32> to vector<16xi32>
    %swap3A_15 = vector.shape_cast %and3A_10 : vector<16xi32> to vector<1x16xi32>
    tpu.vector_store %arg7[%swap3A_11, %swap3A_12], %swap3A_15 {strides = array<i32>} : memref<16x128xi32, #tpu.memory_space<vmem>>, vector<1x16xi32>,
    %shift_right_logical3A = arith.constant 16 : i32
    %shift_right_logical3A_16 = vector.broadcast %shift_right_logical3A : i32 to vector<16xi32>
    %shift_right_logical3A_17 = arith.shrui %get3A_8, %shift_right_logical3A_16 : vector<16xi32>
    %swap3A_18 = arith.constant 1 : i32
    %swap3A_19 = arith.index_cast %swap3A_18 : i32 to index
    %swap3A_20 = arith.constant 0 : index
    %swap3A_21 = tpu.vector_load %arg7[%swap3A_19, %swap3A_20] {strides = array<i32>} : memref<16x128xi32, #tpu.memory_space<vmem>>, vector<1x16xi32>,
    %swap3A_22 = vector.shape_cast %swap3A_21 : vector<1x16xi32> to vector<16xi32>
    %swap3A_23 = vector.shape_cast %shift_right_logical3A_17 : vector<16xi32> to vector<1x16xi32>
    tpu.vector_store %arg7[%swap3A_19, %swap3A_20], %swap3A_23 {strides = array<i32>} : memref<16x128xi32, #tpu.memory_space<vmem>>, vector<1x16xi32>,
    %get3A_24 = arith.constant 0 : i32
    %get3A_25 = arith.index_cast %get3A_24 : i32 to index
    %get3A_26 = arith.constant 16 : index
    %get3A_27 = tpu.vector_load %arg6[%get3A_25, %get3A_26] {strides = array<i32>} : memref<80x128xi32, #tpu.memory_space<vmem>>, vector<1x16xi32>,
    %get3A_28 = vector.shape_cast %get3A_27 : vector<1x16xi32> to vector<16xi32>
    %and3A_29 = arith.constant 65535 : i32
    %and3A_30 = vector.broadcast %and3A_29 : i32 to vector<16xi32>
    %and3A_31 = arith.andi %get3A_28, %and3A_30 : vector<16xi32>
    %swap3A_32 = arith.constant 0 : i32
    %swap3A_33 = arith.index_cast %swap3A_32 : i32 to index
    %swap3A_34 = arith.constant 16 : index
    %swap3A_35 = tpu.vector_load %arg7[%swap3A_33, %swap3A_34] {strides = array<i32>} : memref<16x128xi32, #tpu.memory_space<vmem>>, vector<1x16xi32>,
    %swap3A_36 = vector.shape_cast %swap3A_35 : vector<1x16xi32> to vector<16xi32>
    %swap3A_37 = vector.shape_cast %and3A_31 : vector<16xi32> to vector<1x16xi32>
    tpu.vector_store %arg7[%swap3A_33, %swap3A_34], %swap3A_37 {strides = array<i32>} : memref<16x128xi32, #tpu.memory_space<vmem>>, vector<1x16xi32>,
    %shift_right_logical3A_38 = arith.constant 16 : i32
    %shift_right_logical3A_39 = vector.broadcast %shift_right_logical3A_38 : i32 to vector<16xi32>
    %shift_right_logical3A_40 = arith.shrui %get3A_28, %shift_right_logical3A_39 : vector<16xi32>
    %swap3A_41 = arith.constant 1 : i32
    %swap3A_42 = arith.index_cast %swap3A_41 : i32 to index
    %swap3A_43 = arith.constant 16 : index
    %swap3A_44 = tpu.vector_load %arg7[%swap3A_42, %swap3A_43] {strides = array<i32>} : memref<16x128xi32, #tpu.memory_space<vmem>>, vector<1x16xi32>,
    %swap3A_45 = vector.shape_cast %swap3A_44 : vector<1x16xi32> to vector<16xi32>
    %swap3A_46 = vector.shape_cast %shift_right_logical3A_40 : vector<16xi32> to vector<1x16xi32>
    tpu.vector_store %arg7[%swap3A_42, %swap3A_43], %swap3A_46 {strides = array<i32>} : memref<16x128xi32, #tpu.memory_space<vmem>>, vector<1x16xi32>,
    %get3A_47 = arith.constant 0 : i32
    %get3A_48 = arith.index_cast %get3A_47 : i32 to index
    %get3A_49 = arith.constant 32 : index
    %get3A_50 = tpu.vector_load %arg6[%get3A_48, %get3A_49] {strides = array<i32>} : memref<80x128xi32, #tpu.memory_space<vmem>>, vector<1x16xi32>,
    %get3A_51 = vector.shape_cast %get3A_50 : vector<1x16xi32> to vector<16xi32>
    %and3A_52 = arith.constant 65535 : i32
    %and3A_53 = vector.broadcast %and3A_52 : i32 to vector<16xi32>
    %and3A_54 = arith.andi %get3A_51, %and3A_53 : vector<16xi32>
    %swap3A_55 = arith.constant 0 : i32
    %swap3A_56 = arith.index_cast %swap3A_55 : i32 to index
    %swap3A_57 = arith.constant 32 : index
    %swap3A_58 = tpu.vector_load %arg7[%swap3A_56, %swap3A_57] {strides = array<i32>} : memref<16x128xi32, #tpu.memory_space<vmem>>, vector<1x16xi32>,
    %swap3A_59 = vector.shape_cast %swap3A_58 : vector<1x16xi32> to vector<16xi32>
    %swap3A_60 = vector.shape_cast %and3A_54 : vector<16xi32> to vector<1x16xi32>
    tpu.vector_store %arg7[%swap3A_56, %swap3A_57], %swap3A_60 {strides = array<i32>} : memref<16x128xi32, #tpu.memory_space<vmem>>, vector<1x16xi32>,
    %shift_right_logical3A_61 = arith.constant 16 : i32
    %shift_right_logical3A_62 = vector.broadcast %shift_right_logical3A_61 : i32 to vector<16xi32>
    %shift_right_logical3A_63 = arith.shrui %get3A_51, %shift_right_logical3A_62 : vector<16xi32>
    %swap3A_64 = arith.constant 1 : i32
    %swap3A_65 = arith.index_cast %swap3A_64 : i32 to index
    %swap3A_66 = arith.constant 32 : index
    %swap3A_67 = tpu.vector_load %arg7[%swap3A_65, %swap3A_66] {strides = array<i32>} : memref<16x128xi32, #tpu.memory_space<vmem>>, vector<1x16xi32>,
    %swap3A_68 = vector.shape_cast %swap3A_67 : vector<1x16xi32> to vector<16xi32>
    %swap3A_69 = vector.shape_cast %shift_right_logical3A_63 : vector<16xi32> to vector<1x16xi32>
    tpu.vector_store %arg7[%swap3A_65, %swap3A_66], %swap3A_69 {strides = array<i32>} : memref<16x128xi32, #tpu.memory_space<vmem>>, vector<1x16xi32>,
    %get3A_70 = arith.constant 0 : i32
    %get3A_71 = arith.index_cast %get3A_70 : i32 to index
    %get3A_72 = arith.constant 48 : index
    %get3A_73 = tpu.vector_load %arg6[%get3A_71, %get3A_72] {strides = array<i32>} : memref<80x128xi32, #tpu.memory_space<vmem>>, vector<1x16xi32>,
    %get3A_74 = vector.shape_cast %get3A_73 : vector<1x16xi32> to vector<16xi32>
    %and3A_75 = arith.constant 65535 : i32
    %and3A_76 = vector.broadcast %and3A_75 : i32 to vector<16xi32>
    %and3A_77 = arith.andi %get3A_74, %and3A_76 : vector<16xi32>
    %swap3A_78 = arith.constant 0 : i32
    %swap3A_79 = arith.index_cast %swap3A_78 : i32 to index
    %swap3A_80 = arith.constant 48 : index
    %swap3A_81 = tpu.vector_load %arg7[%swap3A_79, %swap3A_80] {strides = array<i32>} : memref<16x128xi32, #tpu.memory_space<vmem>>, vector<1x16xi32>,
    %swap3A_82 = vector.shape_cast %swap3A_81 : vector<1x16xi32> to vector<16xi32>
    %swap3A_83 = vector.shape_cast %and3A_77 : vector<16xi32> to vector<1x16xi32>
    tpu.vector_store %arg7[%swap3A_79, %swap3A_80], %swap3A_83 {strides = array<i32>} : memref<16x128xi32, #tpu.memory_space<vmem>>, vector<1x16xi32>,
    %shift_right_logical3A_84 = arith.constant 16 : i32
    %shift_right_logical3A_85 = vector.broadcast %shift_right_logical3A_84 : i32 to vector<16xi32>
    %shift_right_logical3A_86 = arith.shrui %get3A_74, %shift_right_logical3A_85 : vector<16xi32>
    %swap3A_87 = arith.constant 1 : i32
    %swap3A_88 = arith.index_cast %swap3A_87 : i32 to index
    %swap3A_89 = arith.constant 48 : index
    %swap3A_90 = tpu.vector_load %arg7[%swap3A_88, %swap3A_89] {strides = array<i32>} : memref<16x128xi32, #tpu.memory_space<vmem>>, vector<1x16xi32>,
    %swap3A_91 = vector.shape_cast %swap3A_90 : vector<1x16xi32> to vector<16xi32>
    %swap3A_92 = vector.shape_cast %shift_right_logical3A_86 : vector<16xi32> to vector<1x16xi32>
    tpu.vector_store %arg7[%swap3A_88, %swap3A_89], %swap3A_92 {strides = array<i32>} : memref<16x128xi32, #tpu.memory_space<vmem>>, vector<1x16xi32>,
    %get3A_93 = arith.constant 0 : i32
    %get3A_94 = arith.index_cast %get3A_93 : i32 to index
    %get3A_95 = arith.constant 64 : index
    %get3A_96 = tpu.vector_load %arg6[%get3A_94, %get3A_95] {strides = array<i32>} : memref<80x128xi32, #tpu.memory_space<vmem>>, vector<1x16xi32>,
    %get3A_97 = vector.shape_cast %get3A_96 : vector<1x16xi32> to vector<16xi32>
    %and3A_98 = arith.constant 65535 : i32
    %and3A_99 = vector.broadcast %and3A_98 : i32 to vector<16xi32>
    %and3A_100 = arith.andi %get3A_97, %and3A_99 : vector<16xi32>
    %swap3A_101 = arith.constant 0 : i32
    %swap3A_102 = arith.index_cast %swap3A_101 : i32 to index
    %swap3A_103 = arith.constant 64 : index
    %swap3A_104 = tpu.vector_load %arg7[%swap3A_102, %swap3A_103] {strides = array<i32>} : memref<16x128xi32, #tpu.memory_space<vmem>>, vector<1x16xi32>,
    %swap3A_105 = vector.shape_cast %swap3A_104 : vector<1x16xi32> to vector<16xi32>
    %swap3A_106 = vector.shape_cast %and3A_100 : vector<16xi32> to vector<1x16xi32>
    tpu.vector_store %arg7[%swap3A_102, %swap3A_103], %swap3A_106 {strides = array<i32>} : memref<16x128xi32, #tpu.memory_space<vmem>>, vector<1x16xi32>,
    %shift_right_logical3A_107 = arith.constant 16 : i32
    %shift_right_logical3A_108 = vector.broadcast %shift_right_logical3A_107 : i32 to vector<16xi32>
    %shift_right_logical3A_109 = arith.shrui %get3A_97, %shift_right_logical3A_108 : vector<16xi32>
    %swap3A_110 = arith.constant 1 : i32
    %swap3A_111 = arith.index_cast %swap3A_110 : i32 to index
    %swap3A_112 = arith.constant 64 : index
    %swap3A_113 = tpu.vector_load %arg7[%swap3A_111, %swap3A_112] {strides = array<i32>} : memref<16x128xi32, #tpu.memory_space<vmem>>, vector<1x16xi32>,
    %swap3A_114 = vector.shape_cast %swap3A_113 : vector<1x16xi32> to vector<16xi32>
    %swap3A_115 = vector.shape_cast %shift_right_logical3A_109 : vector<16xi32> to vector<1x16xi32>
    tpu.vector_store %arg7[%swap3A_111, %swap3A_112], %swap3A_115 {strides = array<i32>} : memref<16x128xi32, #tpu.memory_space<vmem>>, vector<1x16xi32>,
    %get3A_116 = arith.constant 0 : i32
    %get3A_117 = arith.index_cast %get3A_116 : i32 to index
    %get3A_118 = arith.constant 80 : index
    %get3A_119 = tpu.vector_load %arg6[%get3A_117, %get3A_118] {strides = array<i32>} : memref<80x128xi32, #tpu.memory_space<vmem>>, vector<1x16xi32>,
    %get3A_120 = vector.shape_cast %get3A_119 : vector<1x16xi32> to vector<16xi32>
    %and3A_121 = arith.constant 65535 : i32
    %and3A_122 = vector.broadcast %and3A_121 : i32 to vector<16xi32>
    %and3A_123 = arith.andi %get3A_120, %and3A_122 : vector<16xi32>
    %swap3A_124 = arith.constant 0 : i32
    %swap3A_125 = arith.index_cast %swap3A_124 : i32 to index
    %swap3A_126 = arith.constant 80 : index
    %swap3A_127 = tpu.vector_load %arg7[%swap3A_125, %swap3A_126] {strides = array<i32>} : memref<16x128xi32, #tpu.memory_space<vmem>>, vector<1x16xi32>,
    %swap3A_128 = vector.shape_cast %swap3A_127 : vector<1x16xi32> to vector<16xi32>
    %swap3A_129 = vector.shape_cast %and3A_123 : vector<16xi32> to vector<1x16xi32>
    tpu.vector_store %arg7[%swap3A_125, %swap3A_126], %swap3A_129 {strides = array<i32>} : memref<16x128xi32, #tpu.memory_space<vmem>>, vector<1x16xi32>,
    %shift_right_logical3A_130 = arith.constant 16 : i32
    %shift_right_logical3A_131 = vector.broadcast %shift_right_logical3A_130 : i32 to vector<16xi32>
    %shift_right_logical3A_132 = arith.shrui %get3A_120, %shift_right_logical3A_131 : vector<16xi32>
    %swap3A_133 = arith.constant 1 : i32
    %swap3A_134 = arith.index_cast %swap3A_133 : i32 to index
    %swap3A_135 = arith.constant 80 : index
    %swap3A_136 = tpu.vector_load %arg7[%swap3A_134, %swap3A_135] {strides = array<i32>} : memref<16x128xi32, #tpu.memory_space<vmem>>, vector<1x16xi32>,
    %swap3A_137 = vector.shape_cast %swap3A_136 : vector<1x16xi32> to vector<16xi32>
    %swap3A_138 = vector.shape_cast %shift_right_logical3A_132 : vector<16xi32> to vector<1x16xi32>
    tpu.vector_store %arg7[%swap3A_134, %swap3A_135], %swap3A_138 {strides = array<i32>} : memref<16x128xi32, #tpu.memory_space<vmem>>, vector<1x16xi32>,
    %get3A_139 = arith.constant 0 : i32
    %get3A_140 = arith.index_cast %get3A_139 : i32 to index
    %get3A_141 = arith.constant 96 : index
    %get3A_142 = tpu.vector_load %arg6[%get3A_140, %get3A_141] {strides = array<i32>} : memref<80x128xi32, #tpu.memory_space<vmem>>, vector<1x16xi32>,
    %get3A_143 = vector.shape_cast %get3A_142 : vector<1x16xi32> to vector<16xi32>
    %and3A_144 = arith.constant 65535 : i32
    %and3A_145 = vector.broadcast %and3A_144 : i32 to vector<16xi32>
    %and3A_146 = arith.andi %get3A_143, %and3A_145 : vector<16xi32>
    %swap3A_147 = arith.constant 0 : i32
    %swap3A_148 = arith.index_cast %swap3A_147 : i32 to index
    %swap3A_149 = arith.constant 96 : index
    %swap3A_150 = tpu.vector_load %arg7[%swap3A_148, %swap3A_149] {strides = array<i32>} : memref<16x128xi32, #tpu.memory_space<vmem>>, vector<1x16xi32>,
    %swap3A_151 = vector.shape_cast %swap3A_150 : vector<1x16xi32> to vector<16xi32>
    %swap3A_152 = vector.shape_cast %and3A_146 : vector<16xi32> to vector<1x16xi32>
    tpu.vector_store %arg7[%swap3A_148, %swap3A_149], %swap3A_152 {strides = array<i32>} : memref<16x128xi32, #tpu.memory_space<vmem>>, vector<1x16xi32>,
    %shift_right_logical3A_153 = arith.constant 16 : i32
    %shift_right_logical3A_154 = vector.broadcast %shift_right_logical3A_153 : i32 to vector<16xi32>
    %shift_right_logical3A_155 = arith.shrui %get3A_143, %shift_right_logical3A_154 : vector<16xi32>
    %swap3A_156 = arith.constant 1 : i32
    %swap3A_157 = arith.index_cast %swap3A_156 : i32 to index
    %swap3A_158 = arith.constant 96 : index
    %swap3A_159 = tpu.vector_load %arg7[%swap3A_157, %swap3A_158] {strides = array<i32>} : memref<16x128xi32, #tpu.memory_space<vmem>>, vector<1x16xi32>,
    %swap3A_160 = vector.shape_cast %swap3A_159 : vector<1x16xi32> to vector<16xi32>
    %swap3A_161 = vector.shape_cast %shift_right_logical3A_155 : vector<16xi32> to vector<1x16xi32>
    tpu.vector_store %arg7[%swap3A_157, %swap3A_158], %swap3A_161 {strides = array<i32>} : memref<16x128xi32, #tpu.memory_space<vmem>>, vector<1x16xi32>,
    %get3A_162 = arith.constant 0 : i32
    %get3A_163 = arith.index_cast %get3A_162 : i32 to index
    %get3A_164 = arith.constant 112 : index
    %get3A_165 = tpu.vector_load %arg6[%get3A_163, %get3A_164] {strides = array<i32>} : memref<80x128xi32, #tpu.memory_space<vmem>>, vector<1x16xi32>,
    %get3A_166 = vector.shape_cast %get3A_165 : vector<1x16xi32> to vector<16xi32>
    %and3A_167 = arith.constant 65535 : i32
    %and3A_168 = vector.broadcast %and3A_167 : i32 to vector<16xi32>
    %and3A_169 = arith.andi %get3A_166, %and3A_168 : vector<16xi32>
    %swap3A_170 = arith.constant 0 : i32
    %swap3A_171 = arith.index_cast %swap3A_170 : i32 to index
    %swap3A_172 = arith.constant 112 : index
    %swap3A_173 = tpu.vector_load %arg7[%swap3A_171, %swap3A_172] {strides = array<i32>} : memref<16x128xi32, #tpu.memory_space<vmem>>, vector<1x16xi32>,
    %swap3A_174 = vector.shape_cast %swap3A_173 : vector<1x16xi32> to vector<16xi32>
    %swap3A_175 = vector.shape_cast %and3A_169 : vector<16xi32> to vector<1x16xi32>
    tpu.vector_store %arg7[%swap3A_171, %swap3A_172], %swap3A_175 {strides = array<i32>} : memref<16x128xi32, #tpu.memory_space<vmem>>, vector<1x16xi32>,
    %shift_right_logical3A_176 = arith.constant 16 : i32
    %shift_right_logical3A_177 = vector.broadcast %shift_right_logical3A_176 : i32 to vector<16xi32>
    %shift_right_logical3A_178 = arith.shrui %get3A_166, %shift_right_logical3A_177 : vector<16xi32>
    %swap3A_179 = arith.constant 1 : i32
    %swap3A_180 = arith.index_cast %swap3A_179 : i32 to index
    %swap3A_181 = arith.constant 112 : index
    %swap3A_182 = tpu.vector_load %arg7[%swap3A_180, %swap3A_181] {strides = array<i32>} : memref<16x128xi32, #tpu.memory_space<vmem>>, vector<1x16xi32>,
    %swap3A_183 = vector.shape_cast %swap3A_182 : vector<1x16xi32> to vector<16xi32>
    %swap3A_184 = vector.shape_cast %shift_right_logical3A_178 : vector<16xi32> to vector<1x16xi32>
    tpu.vector_store %arg7[%swap3A_180, %swap3A_181], %swap3A_184 {strides = array<i32>} : memref<16x128xi32, #tpu.memory_space<vmem>>, vector<1x16xi32>,
    %dma_start3A = arith.constant 0 : i32
    %dma_start3A_185 = arith.constant 0 : i32
    %dma_start3A_186 = arith.constant 0 : i32
    %dma_start3A_187 = arith.constant 0 : i32
    %dma_start3A_188 = tpu.memref_slice %arg8[%dma_start3A_186, %dma_start3A_187] : memref<256x128xf32, #tpu.memory_space<vmem>> -> memref<128x128xf32, #tpu.memory_space<vmem>>
    %dma_start3A_189 = arith.constant 0 : i32
    %dma_start3A_190 = tpu.memref_slice %arg7[%dma_start3A, %dma_start3A_189] : memref<16x128xi32, #tpu.memory_space<vmem>> -> memref<1x128xi32, #tpu.memory_space<vmem>>
    %dma_start3A_191 = tpu.memref_squeeze %dma_start3A_190 : memref<1x128xi32, #tpu.memory_space<vmem>> -> memref<128xi32, #tpu.memory_space<vmem>>
    %dma_start3A_192 = arith.constant 0 : i32
    %dma_start3A_193 = arith.constant 0 : i32
    %dma_start3A_194 = tpu.memref_slice %arg2[%dma_start3A_192, %dma_start3A_193] : memref<10000x128xf32, #tpu.memory_space<hbm>> -> memref<10000x128xf32, #tpu.memory_space<hbm>>
    %dma_start3A_195 = tpu.memref_slice %arg10[%dma_start3A_185] : memref<2x!tpu.dma_semaphore, #tpu.memory_space<semaphore_mem>> -> memref<1x!tpu.dma_semaphore, #tpu.memory_space<semaphore_mem>>
    %dma_start3A_196 = tpu.memref_squeeze %dma_start3A_195 : memref<1x!tpu.dma_semaphore, #tpu.memory_space<semaphore_mem>> -> memref<!tpu.dma_semaphore, #tpu.memory_space<semaphore_mem>>
    tpu.enqueue_indirect_dma source(%dma_start3A_194 : memref<10000x128xf32, #tpu.memory_space<hbm>>) target(%dma_start3A_188 : memref<128x128xf32, #tpu.memory_space<vmem>>) offsets(%dma_start3A_191 : memref<128xi32, #tpu.memory_space<vmem>>) semaphore(%dma_start3A_196 : memref<!tpu.dma_semaphore, #tpu.memory_space<semaphore_mem>>)
    %scan3A = arith.constant 0 : i32
    %scan3A_197 = arith.constant 1 : i32
    %scan3A_198 = arith.constant 0 : i32
    %scan3A_199 = arith.constant 0 : i32
    %scan3A_200 = arith.constant 39 : i32
    %scan3A_201 = arith.addi %scan3A_199, %scan3A_200 : i32
    %scan3A_202 = arith.constant 1 : i32
    scf.for %scan3A_432 = %scan3A_199 to %scan3A_201 step %scan3A_202  : i32 {
      %mul3A_433 = arith.constant 2 : i32
      %mul3A_434 = arith.muli %mul3A_433, %scan3A_432 : i32
      %add3A_435 = arith.constant 1 : i32
      %add3A_436 = arith.addi %mul3A_434, %add3A_435 : i32
      %get3A_437 = arith.index_cast %add3A_436 : i32 to index
      %get3A_438 = arith.constant 0 : index
      %get3A_439 = tpu.vector_load %arg6[%get3A_437, %get3A_438] {strides = array<i32>} : memref<80x128xi32, #tpu.memory_space<vmem>>, vector<1x16xi32>,
      %get3A_440 = vector.shape_cast %get3A_439 : vector<1x16xi32> to vector<16xi32>
      %and3A_441 = arith.constant 65535 : i32
      %and3A_442 = vector.broadcast %and3A_441 : i32 to vector<16xi32>
      %and3A_443 = arith.andi %get3A_440, %and3A_442 : vector<16xi32>
      %swap3A_444 = arith.constant 2 : i32
      %swap3A_445 = arith.index_cast %swap3A_444 : i32 to index
      %swap3A_446 = arith.constant 0 : index
      %swap3A_447 = tpu.vector_load %arg7[%swap3A_445, %swap3A_446] {strides = array<i32>} : memref<16x128xi32, #tpu.memory_space<vmem>>, vector<1x16xi32>,
      %swap3A_448 = vector.shape_cast %swap3A_447 : vector<1x16xi32> to vector<16xi32>
      %swap3A_449 = vector.shape_cast %and3A_443 : vector<16xi32> to vector<1x16xi32>
      tpu.vector_store %arg7[%swap3A_445, %swap3A_446], %swap3A_449 {strides = array<i32>} : memref<16x128xi32, #tpu.memory_space<vmem>>, vector<1x16xi32>,
      %shift_right_logical3A_450 = arith.constant 16 : i32
      %shift_right_logical3A_451 = vector.broadcast %shift_right_logical3A_450 : i32 to vector<16xi32>
      %shift_right_logical3A_452 = arith.shrui %get3A_440, %shift_right_logical3A_451 : vector<16xi32>
      %swap3A_453 = arith.constant 3 : i32
      %swap3A_454 = arith.index_cast %swap3A_453 : i32 to index
      %swap3A_455 = arith.constant 0 : index
      %swap3A_456 = tpu.vector_load %arg7[%swap3A_454, %swap3A_455] {strides = array<i32>} : memref<16x128xi32, #tpu.memory_space<vmem>>, vector<1x16xi32>,
      %swap3A_457 = vector.shape_cast %swap3A_456 : vector<1x16xi32> to vector<16xi32>
      %swap3A_458 = vector.shape_cast %shift_right_logical3A_452 : vector<16xi32> to vector<1x16xi32>
      tpu.vector_store %arg7[%swap3A_454, %swap3A_455], %swap3A_458 {strides = array<i32>} : memref<16x128xi32, #tpu.memory_space<vmem>>, vector<1x16xi32>,
      %get3A_459 = arith.index_cast %add3A_436 : i32 to index
      %get3A_460 = arith.constant 16 : index
      %get3A_461 = tpu.vector_load %arg6[%get3A_459, %get3A_460] {strides = array<i32>} : memref<80x128xi32, #tpu.memory_space<vmem>>, vector<1x16xi32>,
      %get3A_462 = vector.shape_cast %get3A_461 : vector<1x16xi32> to vector<16xi32>
      %and3A_463 = arith.constant 65535 : i32
      %and3A_464 = vector.broadcast %and3A_463 : i32 to vector<16xi32>
      %and3A_465 = arith.andi %get3A_462, %and3A_464 : vector<16xi32>
      %swap3A_466 = arith.constant 2 : i32
      %swap3A_467 = arith.index_cast %swap3A_466 : i32 to index
      %swap3A_468 = arith.constant 16 : index
      %swap3A_469 = tpu.vector_load %arg7[%swap3A_467, %swap3A_468] {strides = array<i32>} : memref<16x128xi32, #tpu.memory_space<vmem>>, vector<1x16xi32>,
      %swap3A_470 = vector.shape_cast %swap3A_469 : vector<1x16xi32> to vector<16xi32>
      %swap3A_471 = vector.shape_cast %and3A_465 : vector<16xi32> to vector<1x16xi32>
      tpu.vector_store %arg7[%swap3A_467, %swap3A_468], %swap3A_471 {strides = array<i32>} : memref<16x128xi32, #tpu.memory_space<vmem>>, vector<1x16xi32>,
      %shift_right_logical3A_472 = arith.constant 16 : i32
      %shift_right_logical3A_473 = vector.broadcast %shift_right_logical3A_472 : i32 to vector<16xi32>
      %shift_right_logical3A_474 = arith.shrui %get3A_462, %shift_right_logical3A_473 : vector<16xi32>
      %swap3A_475 = arith.constant 3 : i32
      %swap3A_476 = arith.index_cast %swap3A_475 : i32 to index
      %swap3A_477 = arith.constant 16 : index
      %swap3A_478 = tpu.vector_load %arg7[%swap3A_476, %swap3A_477] {strides = array<i32>} : memref<16x128xi32, #tpu.memory_space<vmem>>, vector<1x16xi32>,
      %swap3A_479 = vector.shape_cast %swap3A_478 : vector<1x16xi32> to vector<16xi32>
      %swap3A_480 = vector.shape_cast %shift_right_logical3A_474 : vector<16xi32> to vector<1x16xi32>
      tpu.vector_store %arg7[%swap3A_476, %swap3A_477], %swap3A_480 {strides = array<i32>} : memref<16x128xi32, #tpu.memory_space<vmem>>, vector<1x16xi32>,
      %get3A_481 = arith.index_cast %add3A_436 : i32 to index
      %get3A_482 = arith.constant 32 : index
      %get3A_483 = tpu.vector_load %arg6[%get3A_481, %get3A_482] {strides = array<i32>} : memref<80x128xi32, #tpu.memory_space<vmem>>, vector<1x16xi32>,
      %get3A_484 = vector.shape_cast %get3A_483 : vector<1x16xi32> to vector<16xi32>
      %and3A_485 = arith.constant 65535 : i32
      %and3A_486 = vector.broadcast %and3A_485 : i32 to vector<16xi32>
      %and3A_487 = arith.andi %get3A_484, %and3A_486 : vector<16xi32>
      %swap3A_488 = arith.constant 2 : i32
      %swap3A_489 = arith.index_cast %swap3A_488 : i32 to index
      %swap3A_490 = arith.constant 32 : index
      %swap3A_491 = tpu.vector_load %arg7[%swap3A_489, %swap3A_490] {strides = array<i32>} : memref<16x128xi32, #tpu.memory_space<vmem>>, vector<1x16xi32>,
      %swap3A_492 = vector.shape_cast %swap3A_491 : vector<1x16xi32> to vector<16xi32>
      %swap3A_493 = vector.shape_cast %and3A_487 : vector<16xi32> to vector<1x16xi32>
      tpu.vector_store %arg7[%swap3A_489, %swap3A_490], %swap3A_493 {strides = array<i32>} : memref<16x128xi32, #tpu.memory_space<vmem>>, vector<1x16xi32>,
      %shift_right_logical3A_494 = arith.constant 16 : i32
      %shift_right_logical3A_495 = vector.broadcast %shift_right_logical3A_494 : i32 to vector<16xi32>
      %shift_right_logical3A_496 = arith.shrui %get3A_484, %shift_right_logical3A_495 : vector<16xi32>
      %swap3A_497 = arith.constant 3 : i32
      %swap3A_498 = arith.index_cast %swap3A_497 : i32 to index
      %swap3A_499 = arith.constant 32 : index
      %swap3A_500 = tpu.vector_load %arg7[%swap3A_498, %swap3A_499] {strides = array<i32>} : memref<16x128xi32, #tpu.memory_space<vmem>>, vector<1x16xi32>,
      %swap3A_501 = vector.shape_cast %swap3A_500 : vector<1x16xi32> to vector<16xi32>
      %swap3A_502 = vector.shape_cast %shift_right_logical3A_496 : vector<16xi32> to vector<1x16xi32>
      tpu.vector_store %arg7[%swap3A_498, %swap3A_499], %swap3A_502 {strides = array<i32>} : memref<16x128xi32, #tpu.memory_space<vmem>>, vector<1x16xi32>,
      %get3A_503 = arith.index_cast %add3A_436 : i32 to index
      %get3A_504 = arith.constant 48 : index
      %get3A_505 = tpu.vector_load %arg6[%get3A_503, %get3A_504] {strides = array<i32>} : memref<80x128xi32, #tpu.memory_space<vmem>>, vector<1x16xi32>,
      %get3A_506 = vector.shape_cast %get3A_505 : vector<1x16xi32> to vector<16xi32>
      %and3A_507 = arith.constant 65535 : i32
      %and3A_508 = vector.broadcast %and3A_507 : i32 to vector<16xi32>
      %and3A_509 = arith.andi %get3A_506, %and3A_508 : vector<16xi32>
      %swap3A_510 = arith.constant 2 : i32
      %swap3A_511 = arith.index_cast %swap3A_510 : i32 to index
      %swap3A_512 = arith.constant 48 : index
      %swap3A_513 = tpu.vector_load %arg7[%swap3A_511, %swap3A_512] {strides = array<i32>} : memref<16x128xi32, #tpu.memory_space<vmem>>, vector<1x16xi32>,
      %swap3A_514 = vector.shape_cast %swap3A_513 : vector<1x16xi32> to vector<16xi32>
      %swap3A_515 = vector.shape_cast %and3A_509 : vector<16xi32> to vector<1x16xi32>
      tpu.vector_store %arg7[%swap3A_511, %swap3A_512], %swap3A_515 {strides = array<i32>} : memref<16x128xi32, #tpu.memory_space<vmem>>, vector<1x16xi32>,
      %shift_right_logical3A_516 = arith.constant 16 : i32
      %shift_right_logical3A_517 = vector.broadcast %shift_right_logical3A_516 : i32 to vector<16xi32>
      %shift_right_logical3A_518 = arith.shrui %get3A_506, %shift_right_logical3A_517 : vector<16xi32>
      %swap3A_519 = arith.constant 3 : i32
      %swap3A_520 = arith.index_cast %swap3A_519 : i32 to index
      %swap3A_521 = arith.constant 48 : index
      %swap3A_522 = tpu.vector_load %arg7[%swap3A_520, %swap3A_521] {strides = array<i32>} : memref<16x128xi32, #tpu.memory_space<vmem>>, vector<1x16xi32>,
      %swap3A_523 = vector.shape_cast %swap3A_522 : vector<1x16xi32> to vector<16xi32>
      %swap3A_524 = vector.shape_cast %shift_right_logical3A_518 : vector<16xi32> to vector<1x16xi32>
      tpu.vector_store %arg7[%swap3A_520, %swap3A_521], %swap3A_524 {strides = array<i32>} : memref<16x128xi32, #tpu.memory_space<vmem>>, vector<1x16xi32>,
      %get3A_525 = arith.index_cast %add3A_436 : i32 to index
      %get3A_526 = arith.constant 64 : index
      %get3A_527 = tpu.vector_load %arg6[%get3A_525, %get3A_526] {strides = array<i32>} : memref<80x128xi32, #tpu.memory_space<vmem>>, vector<1x16xi32>,
      %get3A_528 = vector.shape_cast %get3A_527 : vector<1x16xi32> to vector<16xi32>
      %and3A_529 = arith.constant 65535 : i32
      %and3A_530 = vector.broadcast %and3A_529 : i32 to vector<16xi32>
      %and3A_531 = arith.andi %get3A_528, %and3A_530 : vector<16xi32>
      %swap3A_532 = arith.constant 2 : i32
      %swap3A_533 = arith.index_cast %swap3A_532 : i32 to index
      %swap3A_534 = arith.constant 64 : index
      %swap3A_535 = tpu.vector_load %arg7[%swap3A_533, %swap3A_534] {strides = array<i32>} : memref<16x128xi32, #tpu.memory_space<vmem>>, vector<1x16xi32>,
      %swap3A_536 = vector.shape_cast %swap3A_535 : vector<1x16xi32> to vector<16xi32>
      %swap3A_537 = vector.shape_cast %and3A_531 : vector<16xi32> to vector<1x16xi32>
      tpu.vector_store %arg7[%swap3A_533, %swap3A_534], %swap3A_537 {strides = array<i32>} : memref<16x128xi32, #tpu.memory_space<vmem>>, vector<1x16xi32>,
      %shift_right_logical3A_538 = arith.constant 16 : i32
      %shift_right_logical3A_539 = vector.broadcast %shift_right_logical3A_538 : i32 to vector<16xi32>
      %shift_right_logical3A_540 = arith.shrui %get3A_528, %shift_right_logical3A_539 : vector<16xi32>
      %swap3A_541 = arith.constant 3 : i32
      %swap3A_542 = arith.index_cast %swap3A_541 : i32 to index
      %swap3A_543 = arith.constant 64 : index
      %swap3A_544 = tpu.vector_load %arg7[%swap3A_542, %swap3A_543] {strides = array<i32>} : memref<16x128xi32, #tpu.memory_space<vmem>>, vector<1x16xi32>,
      %swap3A_545 = vector.shape_cast %swap3A_544 : vector<1x16xi32> to vector<16xi32>
      %swap3A_546 = vector.shape_cast %shift_right_logical3A_540 : vector<16xi32> to vector<1x16xi32>
      tpu.vector_store %arg7[%swap3A_542, %swap3A_543], %swap3A_546 {strides = array<i32>} : memref<16x128xi32, #tpu.memory_space<vmem>>, vector<1x16xi32>,
      %get3A_547 = arith.index_cast %add3A_436 : i32 to index
      %get3A_548 = arith.constant 80 : index
      %get3A_549 = tpu.vector_load %arg6[%get3A_547, %get3A_548] {strides = array<i32>} : memref<80x128xi32, #tpu.memory_space<vmem>>, vector<1x16xi32>,
      %get3A_550 = vector.shape_cast %get3A_549 : vector<1x16xi32> to vector<16xi32>
      %and3A_551 = arith.constant 65535 : i32
      %and3A_552 = vector.broadcast %and3A_551 : i32 to vector<16xi32>
      %and3A_553 = arith.andi %get3A_550, %and3A_552 : vector<16xi32>
      %swap3A_554 = arith.constant 2 : i32
      %swap3A_555 = arith.index_cast %swap3A_554 : i32 to index
      %swap3A_556 = arith.constant 80 : index
      %swap3A_557 = tpu.vector_load %arg7[%swap3A_555, %swap3A_556] {strides = array<i32>} : memref<16x128xi32, #tpu.memory_space<vmem>>, vector<1x16xi32>,
      %swap3A_558 = vector.shape_cast %swap3A_557 : vector<1x16xi32> to vector<16xi32>
      %swap3A_559 = vector.shape_cast %and3A_553 : vector<16xi32> to vector<1x16xi32>
      tpu.vector_store %arg7[%swap3A_555, %swap3A_556], %swap3A_559 {strides = array<i32>} : memref<16x128xi32, #tpu.memory_space<vmem>>, vector<1x16xi32>,
      %shift_right_logical3A_560 = arith.constant 16 : i32
      %shift_right_logical3A_561 = vector.broadcast %shift_right_logical3A_560 : i32 to vector<16xi32>
      %shift_right_logical3A_562 = arith.shrui %get3A_550, %shift_right_logical3A_561 : vector<16xi32>
      %swap3A_563 = arith.constant 3 : i32
      %swap3A_564 = arith.index_cast %swap3A_563 : i32 to index
      %swap3A_565 = arith.constant 80 : index
      %swap3A_566 = tpu.vector_load %arg7[%swap3A_564, %swap3A_565] {strides = array<i32>} : memref<16x128xi32, #tpu.memory_space<vmem>>, vector<1x16xi32>,
      %swap3A_567 = vector.shape_cast %swap3A_566 : vector<1x16xi32> to vector<16xi32>
      %swap3A_568 = vector.shape_cast %shift_right_logical3A_562 : vector<16xi32> to vector<1x16xi32>
      tpu.vector_store %arg7[%swap3A_564, %swap3A_565], %swap3A_568 {strides = array<i32>} : memref<16x128xi32, #tpu.memory_space<vmem>>, vector<1x16xi32>,
      %get3A_569 = arith.index_cast %add3A_436 : i32 to index
      %get3A_570 = arith.constant 96 : index
      %get3A_571 = tpu.vector_load %arg6[%get3A_569, %get3A_570] {strides = array<i32>} : memref<80x128xi32, #tpu.memory_space<vmem>>, vector<1x16xi32>,
      %get3A_572 = vector.shape_cast %get3A_571 : vector<1x16xi32> to vector<16xi32>
      %and3A_573 = arith.constant 65535 : i32
      %and3A_574 = vector.broadcast %and3A_573 : i32 to vector<16xi32>
      %and3A_575 = arith.andi %get3A_572, %and3A_574 : vector<16xi32>
      %swap3A_576 = arith.constant 2 : i32
      %swap3A_577 = arith.index_cast %swap3A_576 : i32 to index
      %swap3A_578 = arith.constant 96 : index
      %swap3A_579 = tpu.vector_load %arg7[%swap3A_577, %swap3A_578] {strides = array<i32>} : memref<16x128xi32, #tpu.memory_space<vmem>>, vector<1x16xi32>,
      %swap3A_580 = vector.shape_cast %swap3A_579 : vector<1x16xi32> to vector<16xi32>
      %swap3A_581 = vector.shape_cast %and3A_575 : vector<16xi32> to vector<1x16xi32>
      tpu.vector_store %arg7[%swap3A_577, %swap3A_578], %swap3A_581 {strides = array<i32>} : memref<16x128xi32, #tpu.memory_space<vmem>>, vector<1x16xi32>,
      %shift_right_logical3A_582 = arith.constant 16 : i32
      %shift_right_logical3A_583 = vector.broadcast %shift_right_logical3A_582 : i32 to vector<16xi32>
      %shift_right_logical3A_584 = arith.shrui %get3A_572, %shift_right_logical3A_583 : vector<16xi32>
      %swap3A_585 = arith.constant 3 : i32
      %swap3A_586 = arith.index_cast %swap3A_585 : i32 to index
      %swap3A_587 = arith.constant 96 : index
      %swap3A_588 = tpu.vector_load %arg7[%swap3A_586, %swap3A_587] {strides = array<i32>} : memref<16x128xi32, #tpu.memory_space<vmem>>, vector<1x16xi32>,
      %swap3A_589 = vector.shape_cast %swap3A_588 : vector<1x16xi32> to vector<16xi32>
      %swap3A_590 = vector.shape_cast %shift_right_logical3A_584 : vector<16xi32> to vector<1x16xi32>
      tpu.vector_store %arg7[%swap3A_586, %swap3A_587], %swap3A_590 {strides = array<i32>} : memref<16x128xi32, #tpu.memory_space<vmem>>, vector<1x16xi32>,
      %get3A_591 = arith.index_cast %add3A_436 : i32 to index
      %get3A_592 = arith.constant 112 : index
      %get3A_593 = tpu.vector_load %arg6[%get3A_591, %get3A_592] {strides = array<i32>} : memref<80x128xi32, #tpu.memory_space<vmem>>, vector<1x16xi32>,
      %get3A_594 = vector.shape_cast %get3A_593 : vector<1x16xi32> to vector<16xi32>
      %and3A_595 = arith.constant 65535 : i32
      %and3A_596 = vector.broadcast %and3A_595 : i32 to vector<16xi32>
      %and3A_597 = arith.andi %get3A_594, %and3A_596 : vector<16xi32>
      %swap3A_598 = arith.constant 2 : i32
      %swap3A_599 = arith.index_cast %swap3A_598 : i32 to index
      %swap3A_600 = arith.constant 112 : index
      %swap3A_601 = tpu.vector_load %arg7[%swap3A_599, %swap3A_600] {strides = array<i32>} : memref<16x128xi32, #tpu.memory_space<vmem>>, vector<1x16xi32>,
      %swap3A_602 = vector.shape_cast %swap3A_601 : vector<1x16xi32> to vector<16xi32>
      %swap3A_603 = vector.shape_cast %and3A_597 : vector<16xi32> to vector<1x16xi32>
      tpu.vector_store %arg7[%swap3A_599, %swap3A_600], %swap3A_603 {strides = array<i32>} : memref<16x128xi32, #tpu.memory_space<vmem>>, vector<1x16xi32>,
      %shift_right_logical3A_604 = arith.constant 16 : i32
      %shift_right_logical3A_605 = vector.broadcast %shift_right_logical3A_604 : i32 to vector<16xi32>
      %shift_right_logical3A_606 = arith.shrui %get3A_594, %shift_right_logical3A_605 : vector<16xi32>
      %swap3A_607 = arith.constant 3 : i32
      %swap3A_608 = arith.index_cast %swap3A_607 : i32 to index
      %swap3A_609 = arith.constant 112 : index
      %swap3A_610 = tpu.vector_load %arg7[%swap3A_608, %swap3A_609] {strides = array<i32>} : memref<16x128xi32, #tpu.memory_space<vmem>>, vector<1x16xi32>,
      %swap3A_611 = vector.shape_cast %swap3A_610 : vector<1x16xi32> to vector<16xi32>
      %swap3A_612 = vector.shape_cast %shift_right_logical3A_606 : vector<16xi32> to vector<1x16xi32>
      tpu.vector_store %arg7[%swap3A_608, %swap3A_609], %swap3A_612 {strides = array<i32>} : memref<16x128xi32, #tpu.memory_space<vmem>>, vector<1x16xi32>,
      %dma_start3A_613 = arith.constant 2 : i32
      %dma_start3A_614 = arith.constant 128 : i32
      %dma_start3A_615 = arith.constant 0 : i32
      %dma_start3A_616 = tpu.memref_slice %arg8[%dma_start3A_614, %dma_start3A_615] : memref<256x128xf32, #tpu.memory_space<vmem>> -> memref<128x128xf32, #tpu.memory_space<vmem>>
      %dma_start3A_617 = arith.constant 0 : i32
      %dma_start3A_618 = tpu.memref_slice %arg7[%dma_start3A_613, %dma_start3A_617] : memref<16x128xi32, #tpu.memory_space<vmem>> -> memref<1x128xi32, #tpu.memory_space<vmem>>
      %dma_start3A_619 = tpu.memref_squeeze %dma_start3A_618 : memref<1x128xi32, #tpu.memory_space<vmem>> -> memref<128xi32, #tpu.memory_space<vmem>>
      %dma_start3A_620 = arith.constant 0 : i32
      %dma_start3A_621 = arith.constant 0 : i32
      %dma_start3A_622 = tpu.memref_slice %arg2[%dma_start3A_620, %dma_start3A_621] : memref<10000x128xf32, #tpu.memory_space<hbm>> -> memref<10000x128xf32, #tpu.memory_space<hbm>>
      %dma_start3A_623 = tpu.memref_slice %arg10[%scan3A_197] : memref<2x!tpu.dma_semaphore, #tpu.memory_space<semaphore_mem>> -> memref<1x!tpu.dma_semaphore, #tpu.memory_space<semaphore_mem>>
      %dma_start3A_624 = tpu.memref_squeeze %dma_start3A_623 : memref<1x!tpu.dma_semaphore, #tpu.memory_space<semaphore_mem>> -> memref<!tpu.dma_semaphore, #tpu.memory_space<semaphore_mem>>
      tpu.enqueue_indirect_dma source(%dma_start3A_622 : memref<10000x128xf32, #tpu.memory_space<hbm>>) target(%dma_start3A_616 : memref<128x128xf32, #tpu.memory_space<vmem>>) offsets(%dma_start3A_619 : memref<128xi32, #tpu.memory_space<vmem>>) semaphore(%dma_start3A_624 : memref<!tpu.dma_semaphore, #tpu.memory_space<semaphore_mem>>)
      %dma_wait3A_625 = arith.constant 0 : i32
      %dma_wait3A_626 = arith.constant 0 : i32
      %dma_wait3A_627 = arith.constant 0 : i32
      %dma_wait3A_628 = tpu.memref_slice %arg8[%dma_wait3A_626, %dma_wait3A_627] : memref<256x128xf32, #tpu.memory_space<vmem>> -> memref<128x128xf32, #tpu.memory_space<vmem>>
      %dma_wait3A_629 = arith.constant 0 : i32
      %dma_wait3A_630 = tpu.memref_slice %arg7[%dma_wait3A_625, %dma_wait3A_629] : memref<16x128xi32, #tpu.memory_space<vmem>> -> memref<1x128xi32, #tpu.memory_space<vmem>>
      %dma_wait3A_631 = tpu.memref_squeeze %dma_wait3A_630 : memref<1x128xi32, #tpu.memory_space<vmem>> -> memref<128xi32, #tpu.memory_space<vmem>>
      %dma_wait3A_632 = arith.constant 0 : i32
      %dma_wait3A_633 = arith.constant 0 : i32
      %dma_wait3A_634 = tpu.memref_slice %arg2[%dma_wait3A_632, %dma_wait3A_633] : memref<10000x128xf32, #tpu.memory_space<hbm>> -> memref<10000x128xf32, #tpu.memory_space<hbm>>
      %dma_wait3A_635 = tpu.memref_slice %arg10[%scan3A_198] : memref<2x!tpu.dma_semaphore, #tpu.memory_space<semaphore_mem>> -> memref<1x!tpu.dma_semaphore, #tpu.memory_space<semaphore_mem>>
      %dma_wait3A_636 = tpu.memref_squeeze %dma_wait3A_635 : memref<1x!tpu.dma_semaphore, #tpu.memory_space<semaphore_mem>> -> memref<!tpu.dma_semaphore, #tpu.memory_space<semaphore_mem>>
      tpu.wait_indirect_dma semaphore(%dma_wait3A_636 : memref<!tpu.dma_semaphore, #tpu.memory_space<semaphore_mem>>) src(%dma_wait3A_634 : memref<10000x128xf32, #tpu.memory_space<hbm>>) dst(%dma_wait3A_628 : memref<128x128xf32, #tpu.memory_space<vmem>>)
      %run_scoped3A_637 = arith.constant 1 : i32
      "tpu.region"() ({
        %run_scoped3A_841 = tpu.sem_alloc : memref<!tpu.dma_semaphore, #tpu.memory_space<semaphore_mem>>
        %dma_start3A_842 = arith.constant 0 : i32
        %dma_start3A_843 = arith.constant 0 : i32
        %dma_start3A_844 = tpu.memref_slice %arg8[%dma_start3A_842, %dma_start3A_843] : memref<256x128xf32, #tpu.memory_space<vmem>> -> memref<128x128xf32, #tpu.memory_space<vmem>>
        %dma_start3A_845 = arith.constant 0 : i32
        %dma_start3A_846 = tpu.memref_slice %arg7[%run_scoped3A_637, %dma_start3A_845] : memref<16x128xi32, #tpu.memory_space<vmem>> -> memref<1x128xi32, #tpu.memory_space<vmem>>
        %dma_start3A_847 = tpu.memref_squeeze %dma_start3A_846 : memref<1x128xi32, #tpu.memory_space<vmem>> -> memref<128xi32, #tpu.memory_space<vmem>>
        %dma_start3A_848 = arith.constant 0 : i32
        %dma_start3A_849 = arith.constant 0 : i32
        %dma_start3A_850 = tpu.memref_slice %arg9[%dma_start3A_848, %dma_start3A_849] : memref<10240x128xf32, #tpu.memory_space<vmem_shared>> -> memref<10240x128xf32, #tpu.memory_space<vmem_shared>>
        tpu.enqueue_indirect_dma source(%dma_start3A_844 : memref<128x128xf32, #tpu.memory_space<vmem>>) target(%dma_start3A_850 : memref<10240x128xf32, #tpu.memory_space<vmem_shared>>) offsets(%dma_start3A_847 : memref<128xi32, #tpu.memory_space<vmem>>) semaphore(%run_scoped3A_841 : memref<!tpu.dma_semaphore, #tpu.memory_space<semaphore_mem>>) {add = true}
        %dma_wait3A_851 = arith.constant 0 : i32
        %dma_wait3A_852 = arith.constant 0 : i32
        %dma_wait3A_853 = tpu.memref_slice %arg8[%dma_wait3A_851, %dma_wait3A_852] : memref<256x128xf32, #tpu.memory_space<vmem>> -> memref<128x128xf32, #tpu.memory_space<vmem>>
        %dma_wait3A_854 = arith.constant 0 : i32
        %dma_wait3A_855 = tpu.memref_slice %arg7[%run_scoped3A_637, %dma_wait3A_854] : memref<16x128xi32, #tpu.memory_space<vmem>> -> memref<1x128xi32, #tpu.memory_space<vmem>>
        %dma_wait3A_856 = tpu.memref_squeeze %dma_wait3A_855 : memref<1x128xi32, #tpu.memory_space<vmem>> -> memref<128xi32, #tpu.memory_space<vmem>>
        %dma_wait3A_857 = arith.constant 0 : i32
        %dma_wait3A_858 = arith.constant 0 : i32
        %dma_wait3A_859 = tpu.memref_slice %arg9[%dma_wait3A_857, %dma_wait3A_858] : memref<10240x128xf32, #tpu.memory_space<vmem_shared>> -> memref<10240x128xf32, #tpu.memory_space<vmem_shared>>
        tpu.wait_indirect_dma semaphore(%run_scoped3A_841 : memref<!tpu.dma_semaphore, #tpu.memory_space<semaphore_mem>>) src(%dma_wait3A_853 : memref<128x128xf32, #tpu.memory_space<vmem>>) dst(%dma_wait3A_859 : memref<10240x128xf32, #tpu.memory_space<vmem_shared>>)
        tpu.yield
      }) : () -> ()
      %add3A_638 = arith.constant 2 : i32
      %add3A_639 = arith.addi %mul3A_434, %add3A_638 : i32
      %get3A_640 = arith.index_cast %add3A_639 : i32 to index
      %get3A_641 = arith.constant 0 : index
      %get3A_642 = tpu.vector_load %arg6[%get3A_640, %get3A_641] {strides = array<i32>} : memref<80x128xi32, #tpu.memory_space<vmem>>, vector<1x16xi32>,
      %get3A_643 = vector.shape_cast %get3A_642 : vector<1x16xi32> to vector<16xi32>
      %and3A_644 = arith.constant 65535 : i32
      %and3A_645 = vector.broadcast %and3A_644 : i32 to vector<16xi32>
      %and3A_646 = arith.andi %get3A_643, %and3A_645 : vector<16xi32>
      %swap3A_647 = arith.constant 0 : i32
      %swap3A_648 = arith.index_cast %swap3A_647 : i32 to index
      %swap3A_649 = arith.constant 0 : index
      %swap3A_650 = tpu.vector_load %arg7[%swap3A_648, %swap3A_649] {strides = array<i32>} : memref<16x128xi32, #tpu.memory_space<vmem>>, vector<1x16xi32>,
      %swap3A_651 = vector.shape_cast %swap3A_650 : vector<1x16xi32> to vector<16xi32>
      %swap3A_652 = vector.shape_cast %and3A_646 : vector<16xi32> to vector<1x16xi32>
      tpu.vector_store %arg7[%swap3A_648, %swap3A_649], %swap3A_652 {strides = array<i32>} : memref<16x128xi32, #tpu.memory_space<vmem>>, vector<1x16xi32>,
      %shift_right_logical3A_653 = arith.constant 16 : i32
      %shift_right_logical3A_654 = vector.broadcast %shift_right_logical3A_653 : i32 to vector<16xi32>
      %shift_right_logical3A_655 = arith.shrui %get3A_643, %shift_right_logical3A_654 : vector<16xi32>
      %swap3A_656 = arith.constant 1 : i32
      %swap3A_657 = arith.index_cast %swap3A_656 : i32 to index
      %swap3A_658 = arith.constant 0 : index
      %swap3A_659 = tpu.vector_load %arg7[%swap3A_657, %swap3A_658] {strides = array<i32>} : memref<16x128xi32, #tpu.memory_space<vmem>>, vector<1x16xi32>,
      %swap3A_660 = vector.shape_cast %swap3A_659 : vector<1x16xi32> to vector<16xi32>
      %swap3A_661 = vector.shape_cast %shift_right_logical3A_655 : vector<16xi32> to vector<1x16xi32>
      tpu.vector_store %arg7[%swap3A_657, %swap3A_658], %swap3A_661 {strides = array<i32>} : memref<16x128xi32, #tpu.memory_space<vmem>>, vector<1x16xi32>,
      %get3A_662 = arith.index_cast %add3A_639 : i32 to index
      %get3A_663 = arith.constant 16 : index
      %get3A_664 = tpu.vector_load %arg6[%get3A_662, %get3A_663] {strides = array<i32>} : memref<80x128xi32, #tpu.memory_space<vmem>>, vector<1x16xi32>,
      %get3A_665 = vector.shape_cast %get3A_664 : vector<1x16xi32> to vector<16xi32>
      %and3A_666 = arith.constant 65535 : i32
      %and3A_667 = vector.broadcast %and3A_666 : i32 to vector<16xi32>
      %and3A_668 = arith.andi %get3A_665, %and3A_667 : vector<16xi32>
      %swap3A_669 = arith.constant 0 : i32
      %swap3A_670 = arith.index_cast %swap3A_669 : i32 to index
      %swap3A_671 = arith.constant 16 : index
      %swap3A_672 = tpu.vector_load %arg7[%swap3A_670, %swap3A_671] {strides = array<i32>} : memref<16x128xi32, #tpu.memory_space<vmem>>, vector<1x16xi32>,
      %swap3A_673 = vector.shape_cast %swap3A_672 : vector<1x16xi32> to vector<16xi32>
      %swap3A_674 = vector.shape_cast %and3A_668 : vector<16xi32> to vector<1x16xi32>
      tpu.vector_store %arg7[%swap3A_670, %swap3A_671], %swap3A_674 {strides = array<i32>} : memref<16x128xi32, #tpu.memory_space<vmem>>, vector<1x16xi32>,
      %shift_right_logical3A_675 = arith.constant 16 : i32
      %shift_right_logical3A_676 = vector.broadcast %shift_right_logical3A_675 : i32 to vector<16xi32>
      %shift_right_logical3A_677 = arith.shrui %get3A_665, %shift_right_logical3A_676 : vector<16xi32>
      %swap3A_678 = arith.constant 1 : i32
      %swap3A_679 = arith.index_cast %swap3A_678 : i32 to index
      %swap3A_680 = arith.constant 16 : index
      %swap3A_681 = tpu.vector_load %arg7[%swap3A_679, %swap3A_680] {strides = array<i32>} : memref<16x128xi32, #tpu.memory_space<vmem>>, vector<1x16xi32>,
      %swap3A_682 = vector.shape_cast %swap3A_681 : vector<1x16xi32> to vector<16xi32>
      %swap3A_683 = vector.shape_cast %shift_right_logical3A_677 : vector<16xi32> to vector<1x16xi32>
      tpu.vector_store %arg7[%swap3A_679, %swap3A_680], %swap3A_683 {strides = array<i32>} : memref<16x128xi32, #tpu.memory_space<vmem>>, vector<1x16xi32>,
      %get3A_684 = arith.index_cast %add3A_639 : i32 to index
      %get3A_685 = arith.constant 32 : index
      %get3A_686 = tpu.vector_load %arg6[%get3A_684, %get3A_685] {strides = array<i32>} : memref<80x128xi32, #tpu.memory_space<vmem>>, vector<1x16xi32>,
      %get3A_687 = vector.shape_cast %get3A_686 : vector<1x16xi32> to vector<16xi32>
      %and3A_688 = arith.constant 65535 : i32
      %and3A_689 = vector.broadcast %and3A_688 : i32 to vector<16xi32>
      %and3A_690 = arith.andi %get3A_687, %and3A_689 : vector<16xi32>
      %swap3A_691 = arith.constant 0 : i32
      %swap3A_692 = arith.index_cast %swap3A_691 : i32 to index
      %swap3A_693 = arith.constant 32 : index
      %swap3A_694 = tpu.vector_load %arg7[%swap3A_692, %swap3A_693] {strides = array<i32>} : memref<16x128xi32, #tpu.memory_space<vmem>>, vector<1x16xi32>,
      %swap3A_695 = vector.shape_cast %swap3A_694 : vector<1x16xi32> to vector<16xi32>
      %swap3A_696 = vector.shape_cast %and3A_690 : vector<16xi32> to vector<1x16xi32>
      tpu.vector_store %arg7[%swap3A_692, %swap3A_693], %swap3A_696 {strides = array<i32>} : memref<16x128xi32, #tpu.memory_space<vmem>>, vector<1x16xi32>,
      %shift_right_logical3A_697 = arith.constant 16 : i32
      %shift_right_logical3A_698 = vector.broadcast %shift_right_logical3A_697 : i32 to vector<16xi32>
      %shift_right_logical3A_699 = arith.shrui %get3A_687, %shift_right_logical3A_698 : vector<16xi32>
      %swap3A_700 = arith.constant 1 : i32
      %swap3A_701 = arith.index_cast %swap3A_700 : i32 to index
      %swap3A_702 = arith.constant 32 : index
      %swap3A_703 = tpu.vector_load %arg7[%swap3A_701, %swap3A_702] {strides = array<i32>} : memref<16x128xi32, #tpu.memory_space<vmem>>, vector<1x16xi32>,
      %swap3A_704 = vector.shape_cast %swap3A_703 : vector<1x16xi32> to vector<16xi32>
      %swap3A_705 = vector.shape_cast %shift_right_logical3A_699 : vector<16xi32> to vector<1x16xi32>
      tpu.vector_store %arg7[%swap3A_701, %swap3A_702], %swap3A_705 {strides = array<i32>} : memref<16x128xi32, #tpu.memory_space<vmem>>, vector<1x16xi32>,
      %get3A_706 = arith.index_cast %add3A_639 : i32 to index
      %get3A_707 = arith.constant 48 : index
      %get3A_708 = tpu.vector_load %arg6[%get3A_706, %get3A_707] {strides = array<i32>} : memref<80x128xi32, #tpu.memory_space<vmem>>, vector<1x16xi32>,
      %get3A_709 = vector.shape_cast %get3A_708 : vector<1x16xi32> to vector<16xi32>
      %and3A_710 = arith.constant 65535 : i32
      %and3A_711 = vector.broadcast %and3A_710 : i32 to vector<16xi32>
      %and3A_712 = arith.andi %get3A_709, %and3A_711 : vector<16xi32>
      %swap3A_713 = arith.constant 0 : i32
      %swap3A_714 = arith.index_cast %swap3A_713 : i32 to index
      %swap3A_715 = arith.constant 48 : index
      %swap3A_716 = tpu.vector_load %arg7[%swap3A_714, %swap3A_715] {strides = array<i32>} : memref<16x128xi32, #tpu.memory_space<vmem>>, vector<1x16xi32>,
      %swap3A_717 = vector.shape_cast %swap3A_716 : vector<1x16xi32> to vector<16xi32>
      %swap3A_718 = vector.shape_cast %and3A_712 : vector<16xi32> to vector<1x16xi32>
      tpu.vector_store %arg7[%swap3A_714, %swap3A_715], %swap3A_718 {strides = array<i32>} : memref<16x128xi32, #tpu.memory_space<vmem>>, vector<1x16xi32>,
      %shift_right_logical3A_719 = arith.constant 16 : i32
      %shift_right_logical3A_720 = vector.broadcast %shift_right_logical3A_719 : i32 to vector<16xi32>
      %shift_right_logical3A_721 = arith.shrui %get3A_709, %shift_right_logical3A_720 : vector<16xi32>
      %swap3A_722 = arith.constant 1 : i32
      %swap3A_723 = arith.index_cast %swap3A_722 : i32 to index
      %swap3A_724 = arith.constant 48 : index
      %swap3A_725 = tpu.vector_load %arg7[%swap3A_723, %swap3A_724] {strides = array<i32>} : memref<16x128xi32, #tpu.memory_space<vmem>>, vector<1x16xi32>,
      %swap3A_726 = vector.shape_cast %swap3A_725 : vector<1x16xi32> to vector<16xi32>
      %swap3A_727 = vector.shape_cast %shift_right_logical3A_721 : vector<16xi32> to vector<1x16xi32>
      tpu.vector_store %arg7[%swap3A_723, %swap3A_724], %swap3A_727 {strides = array<i32>} : memref<16x128xi32, #tpu.memory_space<vmem>>, vector<1x16xi32>,
      %get3A_728 = arith.index_cast %add3A_639 : i32 to index
      %get3A_729 = arith.constant 64 : index
      %get3A_730 = tpu.vector_load %arg6[%get3A_728, %get3A_729] {strides = array<i32>} : memref<80x128xi32, #tpu.memory_space<vmem>>, vector<1x16xi32>,
      %get3A_731 = vector.shape_cast %get3A_730 : vector<1x16xi32> to vector<16xi32>
      %and3A_732 = arith.constant 65535 : i32
      %and3A_733 = vector.broadcast %and3A_732 : i32 to vector<16xi32>
      %and3A_734 = arith.andi %get3A_731, %and3A_733 : vector<16xi32>
      %swap3A_735 = arith.constant 0 : i32
      %swap3A_736 = arith.index_cast %swap3A_735 : i32 to index
      %swap3A_737 = arith.constant 64 : index
      %swap3A_738 = tpu.vector_load %arg7[%swap3A_736, %swap3A_737] {strides = array<i32>} : memref<16x128xi32, #tpu.memory_space<vmem>>, vector<1x16xi32>,
      %swap3A_739 = vector.shape_cast %swap3A_738 : vector<1x16xi32> to vector<16xi32>
      %swap3A_740 = vector.shape_cast %and3A_734 : vector<16xi32> to vector<1x16xi32>
      tpu.vector_store %arg7[%swap3A_736, %swap3A_737], %swap3A_740 {strides = array<i32>} : memref<16x128xi32, #tpu.memory_space<vmem>>, vector<1x16xi32>,
      %shift_right_logical3A_741 = arith.constant 16 : i32
      %shift_right_logical3A_742 = vector.broadcast %shift_right_logical3A_741 : i32 to vector<16xi32>
      %shift_right_logical3A_743 = arith.shrui %get3A_731, %shift_right_logical3A_742 : vector<16xi32>
      %swap3A_744 = arith.constant 1 : i32
      %swap3A_745 = arith.index_cast %swap3A_744 : i32 to index
      %swap3A_746 = arith.constant 64 : index
      %swap3A_747 = tpu.vector_load %arg7[%swap3A_745, %swap3A_746] {strides = array<i32>} : memref<16x128xi32, #tpu.memory_space<vmem>>, vector<1x16xi32>,
      %swap3A_748 = vector.shape_cast %swap3A_747 : vector<1x16xi32> to vector<16xi32>
      %swap3A_749 = vector.shape_cast %shift_right_logical3A_743 : vector<16xi32> to vector<1x16xi32>
      tpu.vector_store %arg7[%swap3A_745, %swap3A_746], %swap3A_749 {strides = array<i32>} : memref<16x128xi32, #tpu.memory_space<vmem>>, vector<1x16xi32>,
      %get3A_750 = arith.index_cast %add3A_639 : i32 to index
      %get3A_751 = arith.constant 80 : index
      %get3A_752 = tpu.vector_load %arg6[%get3A_750, %get3A_751] {strides = array<i32>} : memref<80x128xi32, #tpu.memory_space<vmem>>, vector<1x16xi32>,
      %get3A_753 = vector.shape_cast %get3A_752 : vector<1x16xi32> to vector<16xi32>
      %and3A_754 = arith.constant 65535 : i32
      %and3A_755 = vector.broadcast %and3A_754 : i32 to vector<16xi32>
      %and3A_756 = arith.andi %get3A_753, %and3A_755 : vector<16xi32>
      %swap3A_757 = arith.constant 0 : i32
      %swap3A_758 = arith.index_cast %swap3A_757 : i32 to index
      %swap3A_759 = arith.constant 80 : index
      %swap3A_760 = tpu.vector_load %arg7[%swap3A_758, %swap3A_759] {strides = array<i32>} : memref<16x128xi32, #tpu.memory_space<vmem>>, vector<1x16xi32>,
      %swap3A_761 = vector.shape_cast %swap3A_760 : vector<1x16xi32> to vector<16xi32>
      %swap3A_762 = vector.shape_cast %and3A_756 : vector<16xi32> to vector<1x16xi32>
      tpu.vector_store %arg7[%swap3A_758, %swap3A_759], %swap3A_762 {strides = array<i32>} : memref<16x128xi32, #tpu.memory_space<vmem>>, vector<1x16xi32>,
      %shift_right_logical3A_763 = arith.constant 16 : i32
      %shift_right_logical3A_764 = vector.broadcast %shift_right_logical3A_763 : i32 to vector<16xi32>
      %shift_right_logical3A_765 = arith.shrui %get3A_753, %shift_right_logical3A_764 : vector<16xi32>
      %swap3A_766 = arith.constant 1 : i32
      %swap3A_767 = arith.index_cast %swap3A_766 : i32 to index
      %swap3A_768 = arith.constant 80 : index
      %swap3A_769 = tpu.vector_load %arg7[%swap3A_767, %swap3A_768] {strides = array<i32>} : memref<16x128xi32, #tpu.memory_space<vmem>>, vector<1x16xi32>,
      %swap3A_770 = vector.shape_cast %swap3A_769 : vector<1x16xi32> to vector<16xi32>
      %swap3A_771 = vector.shape_cast %shift_right_logical3A_765 : vector<16xi32> to vector<1x16xi32>
      tpu.vector_store %arg7[%swap3A_767, %swap3A_768], %swap3A_771 {strides = array<i32>} : memref<16x128xi32, #tpu.memory_space<vmem>>, vector<1x16xi32>,
      %get3A_772 = arith.index_cast %add3A_639 : i32 to index
      %get3A_773 = arith.constant 96 : index
      %get3A_774 = tpu.vector_load %arg6[%get3A_772, %get3A_773] {strides = array<i32>} : memref<80x128xi32, #tpu.memory_space<vmem>>, vector<1x16xi32>,
      %get3A_775 = vector.shape_cast %get3A_774 : vector<1x16xi32> to vector<16xi32>
      %and3A_776 = arith.constant 65535 : i32
      %and3A_777 = vector.broadcast %and3A_776 : i32 to vector<16xi32>
      %and3A_778 = arith.andi %get3A_775, %and3A_777 : vector<16xi32>
      %swap3A_779 = arith.constant 0 : i32
      %swap3A_780 = arith.index_cast %swap3A_779 : i32 to index
      %swap3A_781 = arith.constant 96 : index
      %swap3A_782 = tpu.vector_load %arg7[%swap3A_780, %swap3A_781] {strides = array<i32>} : memref<16x128xi32, #tpu.memory_space<vmem>>, vector<1x16xi32>,
      %swap3A_783 = vector.shape_cast %swap3A_782 : vector<1x16xi32> to vector<16xi32>
      %swap3A_784 = vector.shape_cast %and3A_778 : vector<16xi32> to vector<1x16xi32>
      tpu.vector_store %arg7[%swap3A_780, %swap3A_781], %swap3A_784 {strides = array<i32>} : memref<16x128xi32, #tpu.memory_space<vmem>>, vector<1x16xi32>,
      %shift_right_logical3A_785 = arith.constant 16 : i32
      %shift_right_logical3A_786 = vector.broadcast %shift_right_logical3A_785 : i32 to vector<16xi32>
      %shift_right_logical3A_787 = arith.shrui %get3A_775, %shift_right_logical3A_786 : vector<16xi32>
      %swap3A_788 = arith.constant 1 : i32
      %swap3A_789 = arith.index_cast %swap3A_788 : i32 to index
      %swap3A_790 = arith.constant 96 : index
      %swap3A_791 = tpu.vector_load %arg7[%swap3A_789, %swap3A_790] {strides = array<i32>} : memref<16x128xi32, #tpu.memory_space<vmem>>, vector<1x16xi32>,
      %swap3A_792 = vector.shape_cast %swap3A_791 : vector<1x16xi32> to vector<16xi32>
      %swap3A_793 = vector.shape_cast %shift_right_logical3A_787 : vector<16xi32> to vector<1x16xi32>
      tpu.vector_store %arg7[%swap3A_789, %swap3A_790], %swap3A_793 {strides = array<i32>} : memref<16x128xi32, #tpu.memory_space<vmem>>, vector<1x16xi32>,
      %get3A_794 = arith.index_cast %add3A_639 : i32 to index
      %get3A_795 = arith.constant 112 : index
      %get3A_796 = tpu.vector_load %arg6[%get3A_794, %get3A_795] {strides = array<i32>} : memref<80x128xi32, #tpu.memory_space<vmem>>, vector<1x16xi32>,
      %get3A_797 = vector.shape_cast %get3A_796 : vector<1x16xi32> to vector<16xi32>
      %and3A_798 = arith.constant 65535 : i32
      %and3A_799 = vector.broadcast %and3A_798 : i32 to vector<16xi32>
      %and3A_800 = arith.andi %get3A_797, %and3A_799 : vector<16xi32>
      %swap3A_801 = arith.constant 0 : i32
      %swap3A_802 = arith.index_cast %swap3A_801 : i32 to index
      %swap3A_803 = arith.constant 112 : index
      %swap3A_804 = tpu.vector_load %arg7[%swap3A_802, %swap3A_803] {strides = array<i32>} : memref<16x128xi32, #tpu.memory_space<vmem>>, vector<1x16xi32>,
      %swap3A_805 = vector.shape_cast %swap3A_804 : vector<1x16xi32> to vector<16xi32>
      %swap3A_806 = vector.shape_cast %and3A_800 : vector<16xi32> to vector<1x16xi32>
      tpu.vector_store %arg7[%swap3A_802, %swap3A_803], %swap3A_806 {strides = array<i32>} : memref<16x128xi32, #tpu.memory_space<vmem>>, vector<1x16xi32>,
      %shift_right_logical3A_807 = arith.constant 16 : i32
      %shift_right_logical3A_808 = vector.broadcast %shift_right_logical3A_807 : i32 to vector<16xi32>
      %shift_right_logical3A_809 = arith.shrui %get3A_797, %shift_right_logical3A_808 : vector<16xi32>
      %swap3A_810 = arith.constant 1 : i32
      %swap3A_811 = arith.index_cast %swap3A_810 : i32 to index
      %swap3A_812 = arith.constant 112 : index
      %swap3A_813 = tpu.vector_load %arg7[%swap3A_811, %swap3A_812] {strides = array<i32>} : memref<16x128xi32, #tpu.memory_space<vmem>>, vector<1x16xi32>,
      %swap3A_814 = vector.shape_cast %swap3A_813 : vector<1x16xi32> to vector<16xi32>
      %swap3A_815 = vector.shape_cast %shift_right_logical3A_809 : vector<16xi32> to vector<1x16xi32>
      tpu.vector_store %arg7[%swap3A_811, %swap3A_812], %swap3A_815 {strides = array<i32>} : memref<16x128xi32, #tpu.memory_space<vmem>>, vector<1x16xi32>,
      %dma_start3A_816 = arith.constant 0 : i32
      %dma_start3A_817 = arith.constant 0 : i32
      %dma_start3A_818 = arith.constant 0 : i32
      %dma_start3A_819 = tpu.memref_slice %arg8[%dma_start3A_817, %dma_start3A_818] : memref<256x128xf32, #tpu.memory_space<vmem>> -> memref<128x128xf32, #tpu.memory_space<vmem>>
      %dma_start3A_820 = arith.constant 0 : i32
      %dma_start3A_821 = tpu.memref_slice %arg7[%dma_start3A_816, %dma_start3A_820] : memref<16x128xi32, #tpu.memory_space<vmem>> -> memref<1x128xi32, #tpu.memory_space<vmem>>
      %dma_start3A_822 = tpu.memref_squeeze %dma_start3A_821 : memref<1x128xi32, #tpu.memory_space<vmem>> -> memref<128xi32, #tpu.memory_space<vmem>>
      %dma_start3A_823 = arith.constant 0 : i32
      %dma_start3A_824 = arith.constant 0 : i32
      %dma_start3A_825 = tpu.memref_slice %arg2[%dma_start3A_823, %dma_start3A_824] : memref<10000x128xf32, #tpu.memory_space<hbm>> -> memref<10000x128xf32, #tpu.memory_space<hbm>>
      %dma_start3A_826 = tpu.memref_slice %arg10[%scan3A_198] : memref<2x!tpu.dma_semaphore, #tpu.memory_space<semaphore_mem>> -> memref<1x!tpu.dma_semaphore, #tpu.memory_space<semaphore_mem>>
      %dma_start3A_827 = tpu.memref_squeeze %dma_start3A_826 : memref<1x!tpu.dma_semaphore, #tpu.memory_space<semaphore_mem>> -> memref<!tpu.dma_semaphore, #tpu.memory_space<semaphore_mem>>
      tpu.enqueue_indirect_dma source(%dma_start3A_825 : memref<10000x128xf32, #tpu.memory_space<hbm>>) target(%dma_start3A_819 : memref<128x128xf32, #tpu.memory_space<vmem>>) offsets(%dma_start3A_822 : memref<128xi32, #tpu.memory_space<vmem>>) semaphore(%dma_start3A_827 : memref<!tpu.dma_semaphore, #tpu.memory_space<semaphore_mem>>)
      %dma_wait3A_828 = arith.constant 2 : i32
      %dma_wait3A_829 = arith.constant 128 : i32
      %dma_wait3A_830 = arith.constant 0 : i32
      %dma_wait3A_831 = tpu.memref_slice %arg8[%dma_wait3A_829, %dma_wait3A_830] : memref<256x128xf32, #tpu.memory_space<vmem>> -> memref<128x128xf32, #tpu.memory_space<vmem>>
      %dma_wait3A_832 = arith.constant 0 : i32
      %dma_wait3A_833 = tpu.memref_slice %arg7[%dma_wait3A_828, %dma_wait3A_832] : memref<16x128xi32, #tpu.memory_space<vmem>> -> memref<1x128xi32, #tpu.memory_space<vmem>>
      %dma_wait3A_834 = tpu.memref_squeeze %dma_wait3A_833 : memref<1x128xi32, #tpu.memory_space<vmem>> -> memref<128xi32, #tpu.memory_space<vmem>>
      %dma_wait3A_835 = arith.constant 0 : i32
      %dma_wait3A_836 = arith.constant 0 : i32
      %dma_wait3A_837 = tpu.memref_slice %arg2[%dma_wait3A_835, %dma_wait3A_836] : memref<10000x128xf32, #tpu.memory_space<hbm>> -> memref<10000x128xf32, #tpu.memory_space<hbm>>
      %dma_wait3A_838 = tpu.memref_slice %arg10[%scan3A_197] : memref<2x!tpu.dma_semaphore, #tpu.memory_space<semaphore_mem>> -> memref<1x!tpu.dma_semaphore, #tpu.memory_space<semaphore_mem>>
      %dma_wait3A_839 = tpu.memref_squeeze %dma_wait3A_838 : memref<1x!tpu.dma_semaphore, #tpu.memory_space<semaphore_mem>> -> memref<!tpu.dma_semaphore, #tpu.memory_space<semaphore_mem>>
      tpu.wait_indirect_dma semaphore(%dma_wait3A_839 : memref<!tpu.dma_semaphore, #tpu.memory_space<semaphore_mem>>) src(%dma_wait3A_837 : memref<10000x128xf32, #tpu.memory_space<hbm>>) dst(%dma_wait3A_831 : memref<128x128xf32, #tpu.memory_space<vmem>>)
      %run_scoped3A_840 = arith.constant 3 : i32
      "tpu.region"() ({
        %run_scoped3A_841 = tpu.sem_alloc : memref<!tpu.dma_semaphore, #tpu.memory_space<semaphore_mem>>
        %dma_start3A_842 = arith.constant 128 : i32
        %dma_start3A_843 = arith.constant 0 : i32
        %dma_start3A_844 = tpu.memref_slice %arg8[%dma_start3A_842, %dma_start3A_843] : memref<256x128xf32, #tpu.memory_space<vmem>> -> memref<128x128xf32, #tpu.memory_space<vmem>>
        %dma_start3A_845 = arith.constant 0 : i32
        %dma_start3A_846 = tpu.memref_slice %arg7[%run_scoped3A_840, %dma_start3A_845] : memref<16x128xi32, #tpu.memory_space<vmem>> -> memref<1x128xi32, #tpu.memory_space<vmem>>
        %dma_start3A_847 = tpu.memref_squeeze %dma_start3A_846 : memref<1x128xi32, #tpu.memory_space<vmem>> -> memref<128xi32, #tpu.memory_space<vmem>>
        %dma_start3A_848 = arith.constant 0 : i32
        %dma_start3A_849 = arith.constant 0 : i32
        %dma_start3A_850 = tpu.memref_slice %arg9[%dma_start3A_848, %dma_start3A_849] : memref<10240x128xf32, #tpu.memory_space<vmem_shared>> -> memref<10240x128xf32, #tpu.memory_space<vmem_shared>>
        tpu.enqueue_indirect_dma source(%dma_start3A_844 : memref<128x128xf32, #tpu.memory_space<vmem>>) target(%dma_start3A_850 : memref<10240x128xf32, #tpu.memory_space<vmem_shared>>) offsets(%dma_start3A_847 : memref<128xi32, #tpu.memory_space<vmem>>) semaphore(%run_scoped3A_841 : memref<!tpu.dma_semaphore, #tpu.memory_space<semaphore_mem>>) {add = true}
        %dma_wait3A_851 = arith.constant 128 : i32
        %dma_wait3A_852 = arith.constant 0 : i32
        %dma_wait3A_853 = tpu.memref_slice %arg8[%dma_wait3A_851, %dma_wait3A_852] : memref<256x128xf32, #tpu.memory_space<vmem>> -> memref<128x128xf32, #tpu.memory_space<vmem>>
        %dma_wait3A_854 = arith.constant 0 : i32
        %dma_wait3A_855 = tpu.memref_slice %arg7[%run_scoped3A_840, %dma_wait3A_854] : memref<16x128xi32, #tpu.memory_space<vmem>> -> memref<1x128xi32, #tpu.memory_space<vmem>>
        %dma_wait3A_856 = tpu.memref_squeeze %dma_wait3A_855 : memref<1x128xi32, #tpu.memory_space<vmem>> -> memref<128xi32, #tpu.memory_space<vmem>>
        %dma_wait3A_857 = arith.constant 0 : i32
        %dma_wait3A_858 = arith.constant 0 : i32
        %dma_wait3A_859 = tpu.memref_slice %arg9[%dma_wait3A_857, %dma_wait3A_858] : memref<10240x128xf32, #tpu.memory_space<vmem_shared>> -> memref<10240x128xf32, #tpu.memory_space<vmem_shared>>
        tpu.wait_indirect_dma semaphore(%run_scoped3A_841 : memref<!tpu.dma_semaphore, #tpu.memory_space<semaphore_mem>>) src(%dma_wait3A_853 : memref<128x128xf32, #tpu.memory_space<vmem>>) dst(%dma_wait3A_859 : memref<10240x128xf32, #tpu.memory_space<vmem_shared>>)
        tpu.yield
      }) : () -> ()
    }
    %scan3A_203 = arith.constant 39 : i32
    %get3A_204 = arith.constant 79 : i32
    %get3A_205 = arith.index_cast %get3A_204 : i32 to index
    %get3A_206 = arith.constant 0 : index
    %get3A_207 = tpu.vector_load %arg6[%get3A_205, %get3A_206] {strides = array<i32>} : memref<80x128xi32, #tpu.memory_space<vmem>>, vector<1x16xi32>,
    %get3A_208 = vector.shape_cast %get3A_207 : vector<1x16xi32> to vector<16xi32>
    %and3A_209 = arith.constant 65535 : i32
    %and3A_210 = vector.broadcast %and3A_209 : i32 to vector<16xi32>
    %and3A_211 = arith.andi %get3A_208, %and3A_210 : vector<16xi32>
    %swap3A_212 = arith.constant 2 : i32
    %swap3A_213 = arith.index_cast %swap3A_212 : i32 to index
    %swap3A_214 = arith.constant 0 : index
    %swap3A_215 = tpu.vector_load %arg7[%swap3A_213, %swap3A_214] {strides = array<i32>} : memref<16x128xi32, #tpu.memory_space<vmem>>, vector<1x16xi32>,
    %swap3A_216 = vector.shape_cast %swap3A_215 : vector<1x16xi32> to vector<16xi32>
    %swap3A_217 = vector.shape_cast %and3A_211 : vector<16xi32> to vector<1x16xi32>
    tpu.vector_store %arg7[%swap3A_213, %swap3A_214], %swap3A_217 {strides = array<i32>} : memref<16x128xi32, #tpu.memory_space<vmem>>, vector<1x16xi32>,
    %shift_right_logical3A_218 = arith.constant 16 : i32
    %shift_right_logical3A_219 = vector.broadcast %shift_right_logical3A_218 : i32 to vector<16xi32>
    %shift_right_logical3A_220 = arith.shrui %get3A_208, %shift_right_logical3A_219 : vector<16xi32>
    %swap3A_221 = arith.constant 3 : i32
    %swap3A_222 = arith.index_cast %swap3A_221 : i32 to index
    %swap3A_223 = arith.constant 0 : index
    %swap3A_224 = tpu.vector_load %arg7[%swap3A_222, %swap3A_223] {strides = array<i32>} : memref<16x128xi32, #tpu.memory_space<vmem>>, vector<1x16xi32>,
    %swap3A_225 = vector.shape_cast %swap3A_224 : vector<1x16xi32> to vector<16xi32>
    %swap3A_226 = vector.shape_cast %shift_right_logical3A_220 : vector<16xi32> to vector<1x16xi32>
    tpu.vector_store %arg7[%swap3A_222, %swap3A_223], %swap3A_226 {strides = array<i32>} : memref<16x128xi32, #tpu.memory_space<vmem>>, vector<1x16xi32>,
    %get3A_227 = arith.constant 79 : i32
    %get3A_228 = arith.index_cast %get3A_227 : i32 to index
    %get3A_229 = arith.constant 16 : index
    %get3A_230 = tpu.vector_load %arg6[%get3A_228, %get3A_229] {strides = array<i32>} : memref<80x128xi32, #tpu.memory_space<vmem>>, vector<1x16xi32>,
    %get3A_231 = vector.shape_cast %get3A_230 : vector<1x16xi32> to vector<16xi32>
    %and3A_232 = arith.constant 65535 : i32
    %and3A_233 = vector.broadcast %and3A_232 : i32 to vector<16xi32>
    %and3A_234 = arith.andi %get3A_231, %and3A_233 : vector<16xi32>
    %swap3A_235 = arith.constant 2 : i32
    %swap3A_236 = arith.index_cast %swap3A_235 : i32 to index
    %swap3A_237 = arith.constant 16 : index
    %swap3A_238 = tpu.vector_load %arg7[%swap3A_236, %swap3A_237] {strides = array<i32>} : memref<16x128xi32, #tpu.memory_space<vmem>>, vector<1x16xi32>,
    %swap3A_239 = vector.shape_cast %swap3A_238 : vector<1x16xi32> to vector<16xi32>
    %swap3A_240 = vector.shape_cast %and3A_234 : vector<16xi32> to vector<1x16xi32>
    tpu.vector_store %arg7[%swap3A_236, %swap3A_237], %swap3A_240 {strides = array<i32>} : memref<16x128xi32, #tpu.memory_space<vmem>>, vector<1x16xi32>,
    %shift_right_logical3A_241 = arith.constant 16 : i32
    %shift_right_logical3A_242 = vector.broadcast %shift_right_logical3A_241 : i32 to vector<16xi32>
    %shift_right_logical3A_243 = arith.shrui %get3A_231, %shift_right_logical3A_242 : vector<16xi32>
    %swap3A_244 = arith.constant 3 : i32
    %swap3A_245 = arith.index_cast %swap3A_244 : i32 to index
    %swap3A_246 = arith.constant 16 : index
    %swap3A_247 = tpu.vector_load %arg7[%swap3A_245, %swap3A_246] {strides = array<i32>} : memref<16x128xi32, #tpu.memory_space<vmem>>, vector<1x16xi32>,
    %swap3A_248 = vector.shape_cast %swap3A_247 : vector<1x16xi32> to vector<16xi32>
    %swap3A_249 = vector.shape_cast %shift_right_logical3A_243 : vector<16xi32> to vector<1x16xi32>
    tpu.vector_store %arg7[%swap3A_245, %swap3A_246], %swap3A_249 {strides = array<i32>} : memref<16x128xi32, #tpu.memory_space<vmem>>, vector<1x16xi32>,
    %get3A_250 = arith.constant 79 : i32
    %get3A_251 = arith.index_cast %get3A_250 : i32 to index
    %get3A_252 = arith.constant 32 : index
    %get3A_253 = tpu.vector_load %arg6[%get3A_251, %get3A_252] {strides = array<i32>} : memref<80x128xi32, #tpu.memory_space<vmem>>, vector<1x16xi32>,
    %get3A_254 = vector.shape_cast %get3A_253 : vector<1x16xi32> to vector<16xi32>
    %and3A_255 = arith.constant 65535 : i32
    %and3A_256 = vector.broadcast %and3A_255 : i32 to vector<16xi32>
    %and3A_257 = arith.andi %get3A_254, %and3A_256 : vector<16xi32>
    %swap3A_258 = arith.constant 2 : i32
    %swap3A_259 = arith.index_cast %swap3A_258 : i32 to index
    %swap3A_260 = arith.constant 32 : index
    %swap3A_261 = tpu.vector_load %arg7[%swap3A_259, %swap3A_260] {strides = array<i32>} : memref<16x128xi32, #tpu.memory_space<vmem>>, vector<1x16xi32>,
    %swap3A_262 = vector.shape_cast %swap3A_261 : vector<1x16xi32> to vector<16xi32>
    %swap3A_263 = vector.shape_cast %and3A_257 : vector<16xi32> to vector<1x16xi32>
    tpu.vector_store %arg7[%swap3A_259, %swap3A_260], %swap3A_263 {strides = array<i32>} : memref<16x128xi32, #tpu.memory_space<vmem>>, vector<1x16xi32>,
    %shift_right_logical3A_264 = arith.constant 16 : i32
    %shift_right_logical3A_265 = vector.broadcast %shift_right_logical3A_264 : i32 to vector<16xi32>
    %shift_right_logical3A_266 = arith.shrui %get3A_254, %shift_right_logical3A_265 : vector<16xi32>
    %swap3A_267 = arith.constant 3 : i32
    %swap3A_268 = arith.index_cast %swap3A_267 : i32 to index
    %swap3A_269 = arith.constant 32 : index
    %swap3A_270 = tpu.vector_load %arg7[%swap3A_268, %swap3A_269] {strides = array<i32>} : memref<16x128xi32, #tpu.memory_space<vmem>>, vector<1x16xi32>,
    %swap3A_271 = vector.shape_cast %swap3A_270 : vector<1x16xi32> to vector<16xi32>
    %swap3A_272 = vector.shape_cast %shift_right_logical3A_266 : vector<16xi32> to vector<1x16xi32>
    tpu.vector_store %arg7[%swap3A_268, %swap3A_269], %swap3A_272 {strides = array<i32>} : memref<16x128xi32, #tpu.memory_space<vmem>>, vector<1x16xi32>,
    %get3A_273 = arith.constant 79 : i32
    %get3A_274 = arith.index_cast %get3A_273 : i32 to index
    %get3A_275 = arith.constant 48 : index
    %get3A_276 = tpu.vector_load %arg6[%get3A_274, %get3A_275] {strides = array<i32>} : memref<80x128xi32, #tpu.memory_space<vmem>>, vector<1x16xi32>,
    %get3A_277 = vector.shape_cast %get3A_276 : vector<1x16xi32> to vector<16xi32>
    %and3A_278 = arith.constant 65535 : i32
    %and3A_279 = vector.broadcast %and3A_278 : i32 to vector<16xi32>
    %and3A_280 = arith.andi %get3A_277, %and3A_279 : vector<16xi32>
    %swap3A_281 = arith.constant 2 : i32
    %swap3A_282 = arith.index_cast %swap3A_281 : i32 to index
    %swap3A_283 = arith.constant 48 : index
    %swap3A_284 = tpu.vector_load %arg7[%swap3A_282, %swap3A_283] {strides = array<i32>} : memref<16x128xi32, #tpu.memory_space<vmem>>, vector<1x16xi32>,
    %swap3A_285 = vector.shape_cast %swap3A_284 : vector<1x16xi32> to vector<16xi32>
    %swap3A_286 = vector.shape_cast %and3A_280 : vector<16xi32> to vector<1x16xi32>
    tpu.vector_store %arg7[%swap3A_282, %swap3A_283], %swap3A_286 {strides = array<i32>} : memref<16x128xi32, #tpu.memory_space<vmem>>, vector<1x16xi32>,
    %shift_right_logical3A_287 = arith.constant 16 : i32
    %shift_right_logical3A_288 = vector.broadcast %shift_right_logical3A_287 : i32 to vector<16xi32>
    %shift_right_logical3A_289 = arith.shrui %get3A_277, %shift_right_logical3A_288 : vector<16xi32>
    %swap3A_290 = arith.constant 3 : i32
    %swap3A_291 = arith.index_cast %swap3A_290 : i32 to index
    %swap3A_292 = arith.constant 48 : index
    %swap3A_293 = tpu.vector_load %arg7[%swap3A_291, %swap3A_292] {strides = array<i32>} : memref<16x128xi32, #tpu.memory_space<vmem>>, vector<1x16xi32>,
    %swap3A_294 = vector.shape_cast %swap3A_293 : vector<1x16xi32> to vector<16xi32>
    %swap3A_295 = vector.shape_cast %shift_right_logical3A_289 : vector<16xi32> to vector<1x16xi32>
    tpu.vector_store %arg7[%swap3A_291, %swap3A_292], %swap3A_295 {strides = array<i32>} : memref<16x128xi32, #tpu.memory_space<vmem>>, vector<1x16xi32>,
    %get3A_296 = arith.constant 79 : i32
    %get3A_297 = arith.index_cast %get3A_296 : i32 to index
    %get3A_298 = arith.constant 64 : index
    %get3A_299 = tpu.vector_load %arg6[%get3A_297, %get3A_298] {strides = array<i32>} : memref<80x128xi32, #tpu.memory_space<vmem>>, vector<1x16xi32>,
    %get3A_300 = vector.shape_cast %get3A_299 : vector<1x16xi32> to vector<16xi32>
    %and3A_301 = arith.constant 65535 : i32
    %and3A_302 = vector.broadcast %and3A_301 : i32 to vector<16xi32>
    %and3A_303 = arith.andi %get3A_300, %and3A_302 : vector<16xi32>
    %swap3A_304 = arith.constant 2 : i32
    %swap3A_305 = arith.index_cast %swap3A_304 : i32 to index
    %swap3A_306 = arith.constant 64 : index
    %swap3A_307 = tpu.vector_load %arg7[%swap3A_305, %swap3A_306] {strides = array<i32>} : memref<16x128xi32, #tpu.memory_space<vmem>>, vector<1x16xi32>,
    %swap3A_308 = vector.shape_cast %swap3A_307 : vector<1x16xi32> to vector<16xi32>
    %swap3A_309 = vector.shape_cast %and3A_303 : vector<16xi32> to vector<1x16xi32>
    tpu.vector_store %arg7[%swap3A_305, %swap3A_306], %swap3A_309 {strides = array<i32>} : memref<16x128xi32, #tpu.memory_space<vmem>>, vector<1x16xi32>,
    %shift_right_logical3A_310 = arith.constant 16 : i32
    %shift_right_logical3A_311 = vector.broadcast %shift_right_logical3A_310 : i32 to vector<16xi32>
    %shift_right_logical3A_312 = arith.shrui %get3A_300, %shift_right_logical3A_311 : vector<16xi32>
    %swap3A_313 = arith.constant 3 : i32
    %swap3A_314 = arith.index_cast %swap3A_313 : i32 to index
    %swap3A_315 = arith.constant 64 : index
    %swap3A_316 = tpu.vector_load %arg7[%swap3A_314, %swap3A_315] {strides = array<i32>} : memref<16x128xi32, #tpu.memory_space<vmem>>, vector<1x16xi32>,
    %swap3A_317 = vector.shape_cast %swap3A_316 : vector<1x16xi32> to vector<16xi32>
    %swap3A_318 = vector.shape_cast %shift_right_logical3A_312 : vector<16xi32> to vector<1x16xi32>
    tpu.vector_store %arg7[%swap3A_314, %swap3A_315], %swap3A_318 {strides = array<i32>} : memref<16x128xi32, #tpu.memory_space<vmem>>, vector<1x16xi32>,
    %get3A_319 = arith.constant 79 : i32
    %get3A_320 = arith.index_cast %get3A_319 : i32 to index
    %get3A_321 = arith.constant 80 : index
    %get3A_322 = tpu.vector_load %arg6[%get3A_320, %get3A_321] {strides = array<i32>} : memref<80x128xi32, #tpu.memory_space<vmem>>, vector<1x16xi32>,
    %get3A_323 = vector.shape_cast %get3A_322 : vector<1x16xi32> to vector<16xi32>
    %and3A_324 = arith.constant 65535 : i32
    %and3A_325 = vector.broadcast %and3A_324 : i32 to vector<16xi32>
    %and3A_326 = arith.andi %get3A_323, %and3A_325 : vector<16xi32>
    %swap3A_327 = arith.constant 2 : i32
    %swap3A_328 = arith.index_cast %swap3A_327 : i32 to index
    %swap3A_329 = arith.constant 80 : index
    %swap3A_330 = tpu.vector_load %arg7[%swap3A_328, %swap3A_329] {strides = array<i32>} : memref<16x128xi32, #tpu.memory_space<vmem>>, vector<1x16xi32>,
    %swap3A_331 = vector.shape_cast %swap3A_330 : vector<1x16xi32> to vector<16xi32>
    %swap3A_332 = vector.shape_cast %and3A_326 : vector<16xi32> to vector<1x16xi32>
    tpu.vector_store %arg7[%swap3A_328, %swap3A_329], %swap3A_332 {strides = array<i32>} : memref<16x128xi32, #tpu.memory_space<vmem>>, vector<1x16xi32>,
    %shift_right_logical3A_333 = arith.constant 16 : i32
    %shift_right_logical3A_334 = vector.broadcast %shift_right_logical3A_333 : i32 to vector<16xi32>
    %shift_right_logical3A_335 = arith.shrui %get3A_323, %shift_right_logical3A_334 : vector<16xi32>
    %swap3A_336 = arith.constant 3 : i32
    %swap3A_337 = arith.index_cast %swap3A_336 : i32 to index
    %swap3A_338 = arith.constant 80 : index
    %swap3A_339 = tpu.vector_load %arg7[%swap3A_337, %swap3A_338] {strides = array<i32>} : memref<16x128xi32, #tpu.memory_space<vmem>>, vector<1x16xi32>,
    %swap3A_340 = vector.shape_cast %swap3A_339 : vector<1x16xi32> to vector<16xi32>
    %swap3A_341 = vector.shape_cast %shift_right_logical3A_335 : vector<16xi32> to vector<1x16xi32>
    tpu.vector_store %arg7[%swap3A_337, %swap3A_338], %swap3A_341 {strides = array<i32>} : memref<16x128xi32, #tpu.memory_space<vmem>>, vector<1x16xi32>,
    %get3A_342 = arith.constant 79 : i32
    %get3A_343 = arith.index_cast %get3A_342 : i32 to index
    %get3A_344 = arith.constant 96 : index
    %get3A_345 = tpu.vector_load %arg6[%get3A_343, %get3A_344] {strides = array<i32>} : memref<80x128xi32, #tpu.memory_space<vmem>>, vector<1x16xi32>,
    %get3A_346 = vector.shape_cast %get3A_345 : vector<1x16xi32> to vector<16xi32>
    %and3A_347 = arith.constant 65535 : i32
    %and3A_348 = vector.broadcast %and3A_347 : i32 to vector<16xi32>
    %and3A_349 = arith.andi %get3A_346, %and3A_348 : vector<16xi32>
    %swap3A_350 = arith.constant 2 : i32
    %swap3A_351 = arith.index_cast %swap3A_350 : i32 to index
    %swap3A_352 = arith.constant 96 : index
    %swap3A_353 = tpu.vector_load %arg7[%swap3A_351, %swap3A_352] {strides = array<i32>} : memref<16x128xi32, #tpu.memory_space<vmem>>, vector<1x16xi32>,
    %swap3A_354 = vector.shape_cast %swap3A_353 : vector<1x16xi32> to vector<16xi32>
    %swap3A_355 = vector.shape_cast %and3A_349 : vector<16xi32> to vector<1x16xi32>
    tpu.vector_store %arg7[%swap3A_351, %swap3A_352], %swap3A_355 {strides = array<i32>} : memref<16x128xi32, #tpu.memory_space<vmem>>, vector<1x16xi32>,
    %shift_right_logical3A_356 = arith.constant 16 : i32
    %shift_right_logical3A_357 = vector.broadcast %shift_right_logical3A_356 : i32 to vector<16xi32>
    %shift_right_logical3A_358 = arith.shrui %get3A_346, %shift_right_logical3A_357 : vector<16xi32>
    %swap3A_359 = arith.constant 3 : i32
    %swap3A_360 = arith.index_cast %swap3A_359 : i32 to index
    %swap3A_361 = arith.constant 96 : index
    %swap3A_362 = tpu.vector_load %arg7[%swap3A_360, %swap3A_361] {strides = array<i32>} : memref<16x128xi32, #tpu.memory_space<vmem>>, vector<1x16xi32>,
    %swap3A_363 = vector.shape_cast %swap3A_362 : vector<1x16xi32> to vector<16xi32>
    %swap3A_364 = vector.shape_cast %shift_right_logical3A_358 : vector<16xi32> to vector<1x16xi32>
    tpu.vector_store %arg7[%swap3A_360, %swap3A_361], %swap3A_364 {strides = array<i32>} : memref<16x128xi32, #tpu.memory_space<vmem>>, vector<1x16xi32>,
    %get3A_365 = arith.constant 79 : i32
    %get3A_366 = arith.index_cast %get3A_365 : i32 to index
    %get3A_367 = arith.constant 112 : index
    %get3A_368 = tpu.vector_load %arg6[%get3A_366, %get3A_367] {strides = array<i32>} : memref<80x128xi32, #tpu.memory_space<vmem>>, vector<1x16xi32>,
    %get3A_369 = vector.shape_cast %get3A_368 : vector<1x16xi32> to vector<16xi32>
    %and3A_370 = arith.constant 65535 : i32
    %and3A_371 = vector.broadcast %and3A_370 : i32 to vector<16xi32>
    %and3A_372 = arith.andi %get3A_369, %and3A_371 : vector<16xi32>
    %swap3A_373 = arith.constant 2 : i32
    %swap3A_374 = arith.index_cast %swap3A_373 : i32 to index
    %swap3A_375 = arith.constant 112 : index
    %swap3A_376 = tpu.vector_load %arg7[%swap3A_374, %swap3A_375] {strides = array<i32>} : memref<16x128xi32, #tpu.memory_space<vmem>>, vector<1x16xi32>,
    %swap3A_377 = vector.shape_cast %swap3A_376 : vector<1x16xi32> to vector<16xi32>
    %swap3A_378 = vector.shape_cast %and3A_372 : vector<16xi32> to vector<1x16xi32>
    tpu.vector_store %arg7[%swap3A_374, %swap3A_375], %swap3A_378 {strides = array<i32>} : memref<16x128xi32, #tpu.memory_space<vmem>>, vector<1x16xi32>,
    %shift_right_logical3A_379 = arith.constant 16 : i32
    %shift_right_logical3A_380 = vector.broadcast %shift_right_logical3A_379 : i32 to vector<16xi32>
    %shift_right_logical3A_381 = arith.shrui %get3A_369, %shift_right_logical3A_380 : vector<16xi32>
    %swap3A_382 = arith.constant 3 : i32
    %swap3A_383 = arith.index_cast %swap3A_382 : i32 to index
    %swap3A_384 = arith.constant 112 : index
    %swap3A_385 = tpu.vector_load %arg7[%swap3A_383, %swap3A_384] {strides = array<i32>} : memref<16x128xi32, #tpu.memory_space<vmem>>, vector<1x16xi32>,
    %swap3A_386 = vector.shape_cast %swap3A_385 : vector<1x16xi32> to vector<16xi32>
    %swap3A_387 = vector.shape_cast %shift_right_logical3A_381 : vector<16xi32> to vector<1x16xi32>
    tpu.vector_store %arg7[%swap3A_383, %swap3A_384], %swap3A_387 {strides = array<i32>} : memref<16x128xi32, #tpu.memory_space<vmem>>, vector<1x16xi32>,
    %dma_start3A_388 = arith.constant 2 : i32
    %dma_start3A_389 = arith.constant 1 : i32
    %dma_start3A_390 = arith.constant 128 : i32
    %dma_start3A_391 = arith.constant 0 : i32
    %dma_start3A_392 = tpu.memref_slice %arg8[%dma_start3A_390, %dma_start3A_391] : memref<256x128xf32, #tpu.memory_space<vmem>> -> memref<128x128xf32, #tpu.memory_space<vmem>>
    %dma_start3A_393 = arith.constant 0 : i32
    %dma_start3A_394 = tpu.memref_slice %arg7[%dma_start3A_388, %dma_start3A_393] : memref<16x128xi32, #tpu.memory_space<vmem>> -> memref<1x128xi32, #tpu.memory_space<vmem>>
    %dma_start3A_395 = tpu.memref_squeeze %dma_start3A_394 : memref<1x128xi32, #tpu.memory_space<vmem>> -> memref<128xi32, #tpu.memory_space<vmem>>
    %dma_start3A_396 = arith.constant 0 : i32
    %dma_start3A_397 = arith.constant 0 : i32
    %dma_start3A_398 = tpu.memref_slice %arg2[%dma_start3A_396, %dma_start3A_397] : memref<10000x128xf32, #tpu.memory_space<hbm>> -> memref<10000x128xf32, #tpu.memory_space<hbm>>
    %dma_start3A_399 = tpu.memref_slice %arg10[%dma_start3A_389] : memref<2x!tpu.dma_semaphore, #tpu.memory_space<semaphore_mem>> -> memref<1x!tpu.dma_semaphore, #tpu.memory_space<semaphore_mem>>
    %dma_start3A_400 = tpu.memref_squeeze %dma_start3A_399 : memref<1x!tpu.dma_semaphore, #tpu.memory_space<semaphore_mem>> -> memref<!tpu.dma_semaphore, #tpu.memory_space<semaphore_mem>>
    tpu.enqueue_indirect_dma source(%dma_start3A_398 : memref<10000x128xf32, #tpu.memory_space<hbm>>) target(%dma_start3A_392 : memref<128x128xf32, #tpu.memory_space<vmem>>) offsets(%dma_start3A_395 : memref<128xi32, #tpu.memory_space<vmem>>) semaphore(%dma_start3A_400 : memref<!tpu.dma_semaphore, #tpu.memory_space<semaphore_mem>>)
    %dma_wait3A = arith.constant 0 : i32
    %dma_wait3A_401 = arith.constant 0 : i32
    %dma_wait3A_402 = arith.constant 0 : i32
    %dma_wait3A_403 = arith.constant 0 : i32
    %dma_wait3A_404 = tpu.memref_slice %arg8[%dma_wait3A_402, %dma_wait3A_403] : memref<256x128xf32, #tpu.memory_space<vmem>> -> memref<128x128xf32, #tpu.memory_space<vmem>>
    %dma_wait3A_405 = arith.constant 0 : i32
    %dma_wait3A_406 = tpu.memref_slice %arg7[%dma_wait3A, %dma_wait3A_405] : memref<16x128xi32, #tpu.memory_space<vmem>> -> memref<1x128xi32, #tpu.memory_space<vmem>>
    %dma_wait3A_407 = tpu.memref_squeeze %dma_wait3A_406 : memref<1x128xi32, #tpu.memory_space<vmem>> -> memref<128xi32, #tpu.memory_space<vmem>>
    %dma_wait3A_408 = arith.constant 0 : i32
    %dma_wait3A_409 = arith.constant 0 : i32
    %dma_wait3A_410 = tpu.memref_slice %arg2[%dma_wait3A_408, %dma_wait3A_409] : memref<10000x128xf32, #tpu.memory_space<hbm>> -> memref<10000x128xf32, #tpu.memory_space<hbm>>
    %dma_wait3A_411 = tpu.memref_slice %arg10[%dma_wait3A_401] : memref<2x!tpu.dma_semaphore, #tpu.memory_space<semaphore_mem>> -> memref<1x!tpu.dma_semaphore, #tpu.memory_space<semaphore_mem>>
    %dma_wait3A_412 = tpu.memref_squeeze %dma_wait3A_411 : memref<1x!tpu.dma_semaphore, #tpu.memory_space<semaphore_mem>> -> memref<!tpu.dma_semaphore, #tpu.memory_space<semaphore_mem>>
    tpu.wait_indirect_dma semaphore(%dma_wait3A_412 : memref<!tpu.dma_semaphore, #tpu.memory_space<semaphore_mem>>) src(%dma_wait3A_410 : memref<10000x128xf32, #tpu.memory_space<hbm>>) dst(%dma_wait3A_404 : memref<128x128xf32, #tpu.memory_space<vmem>>)
    %run_scoped3A = arith.constant 1 : i32
    "tpu.region"() ({
      %run_scoped3A_432 = tpu.sem_alloc : memref<!tpu.dma_semaphore, #tpu.memory_space<semaphore_mem>>
      %dma_start3A_433 = arith.constant 0 : i32
      %dma_start3A_434 = arith.constant 0 : i32
      %dma_start3A_435 = tpu.memref_slice %arg8[%dma_start3A_433, %dma_start3A_434] : memref<256x128xf32, #tpu.memory_space<vmem>> -> memref<128x128xf32, #tpu.memory_space<vmem>>
      %dma_start3A_436 = arith.constant 0 : i32
      %dma_start3A_437 = tpu.memref_slice %arg7[%run_scoped3A, %dma_start3A_436] : memref<16x128xi32, #tpu.memory_space<vmem>> -> memref<1x128xi32, #tpu.memory_space<vmem>>
      %dma_start3A_438 = tpu.memref_squeeze %dma_start3A_437 : memref<1x128xi32, #tpu.memory_space<vmem>> -> memref<128xi32, #tpu.memory_space<vmem>>
      %dma_start3A_439 = arith.constant 0 : i32
      %dma_start3A_440 = arith.constant 0 : i32
      %dma_start3A_441 = tpu.memref_slice %arg9[%dma_start3A_439, %dma_start3A_440] : memref<10240x128xf32, #tpu.memory_space<vmem_shared>> -> memref<10240x128xf32, #tpu.memory_space<vmem_shared>>
      tpu.enqueue_indirect_dma source(%dma_start3A_435 : memref<128x128xf32, #tpu.memory_space<vmem>>) target(%dma_start3A_441 : memref<10240x128xf32, #tpu.memory_space<vmem_shared>>) offsets(%dma_start3A_438 : memref<128xi32, #tpu.memory_space<vmem>>) semaphore(%run_scoped3A_432 : memref<!tpu.dma_semaphore, #tpu.memory_space<semaphore_mem>>) {add = true}
      %dma_wait3A_442 = arith.constant 0 : i32
      %dma_wait3A_443 = arith.constant 0 : i32
      %dma_wait3A_444 = tpu.memref_slice %arg8[%dma_wait3A_442, %dma_wait3A_443] : memref<256x128xf32, #tpu.memory_space<vmem>> -> memref<128x128xf32, #tpu.memory_space<vmem>>
      %dma_wait3A_445 = arith.constant 0 : i32
      %dma_wait3A_446 = tpu.memref_slice %arg7[%run_scoped3A, %dma_wait3A_445] : memref<16x128xi32, #tpu.memory_space<vmem>> -> memref<1x128xi32, #tpu.memory_space<vmem>>
      %dma_wait3A_447 = tpu.memref_squeeze %dma_wait3A_446 : memref<1x128xi32, #tpu.memory_space<vmem>> -> memref<128xi32, #tpu.memory_space<vmem>>
      %dma_wait3A_448 = arith.constant 0 : i32
      %dma_wait3A_449 = arith.constant 0 : i32
      %dma_wait3A_450 = tpu.memref_slice %arg9[%dma_wait3A_448, %dma_wait3A_449] : memref<10240x128xf32, #tpu.memory_space<vmem_shared>> -> memref<10240x128xf32, #tpu.memory_space<vmem_shared>>
      tpu.wait_indirect_dma semaphore(%run_scoped3A_432 : memref<!tpu.dma_semaphore, #tpu.memory_space<semaphore_mem>>) src(%dma_wait3A_444 : memref<128x128xf32, #tpu.memory_space<vmem>>) dst(%dma_wait3A_450 : memref<10240x128xf32, #tpu.memory_space<vmem_shared>>)
      tpu.yield
    }) : () -> ()
    %dma_wait3A_413 = arith.constant 2 : i32
    %dma_wait3A_414 = arith.constant 1 : i32
    %dma_wait3A_415 = arith.constant 128 : i32
    %dma_wait3A_416 = arith.constant 0 : i32
    %dma_wait3A_417 = tpu.memref_slice %arg8[%dma_wait3A_415, %dma_wait3A_416] : memref<256x128xf32, #tpu.memory_space<vmem>> -> memref<128x128xf32, #tpu.memory_space<vmem>>
    %dma_wait3A_418 = arith.constant 0 : i32
    %dma_wait3A_419 = tpu.memref_slice %arg7[%dma_wait3A_413, %dma_wait3A_418] : memref<16x128xi32, #tpu.memory_space<vmem>> -> memref<1x128xi32, #tpu.memory_space<vmem>>
    %dma_wait3A_420 = tpu.memref_squeeze %dma_wait3A_419 : memref<1x128xi32, #tpu.memory_space<vmem>> -> memref<128xi32, #tpu.memory_space<vmem>>
    %dma_wait3A_421 = arith.constant 0 : i32
    %dma_wait3A_422 = arith.constant 0 : i32
    %dma_wait3A_423 = tpu.memref_slice %arg2[%dma_wait3A_421, %dma_wait3A_422] : memref<10000x128xf32, #tpu.memory_space<hbm>> -> memref<10000x128xf32, #tpu.memory_space<hbm>>
    %dma_wait3A_424 = tpu.memref_slice %arg10[%dma_wait3A_414] : memref<2x!tpu.dma_semaphore, #tpu.memory_space<semaphore_mem>> -> memref<1x!tpu.dma_semaphore, #tpu.memory_space<semaphore_mem>>
    %dma_wait3A_425 = tpu.memref_squeeze %dma_wait3A_424 : memref<1x!tpu.dma_semaphore, #tpu.memory_space<semaphore_mem>> -> memref<!tpu.dma_semaphore, #tpu.memory_space<semaphore_mem>>
    tpu.wait_indirect_dma semaphore(%dma_wait3A_425 : memref<!tpu.dma_semaphore, #tpu.memory_space<semaphore_mem>>) src(%dma_wait3A_423 : memref<10000x128xf32, #tpu.memory_space<hbm>>) dst(%dma_wait3A_417 : memref<128x128xf32, #tpu.memory_space<vmem>>)
    %run_scoped3A_426 = arith.constant 3 : i32
    "tpu.region"() ({
      %run_scoped3A_432 = tpu.sem_alloc : memref<!tpu.dma_semaphore, #tpu.memory_space<semaphore_mem>>
      %dma_start3A_433 = arith.constant 128 : i32
      %dma_start3A_434 = arith.constant 0 : i32
      %dma_start3A_435 = tpu.memref_slice %arg8[%dma_start3A_433, %dma_start3A_434] : memref<256x128xf32, #tpu.memory_space<vmem>> -> memref<128x128xf32, #tpu.memory_space<vmem>>
      %dma_start3A_436 = arith.constant 0 : i32
      %dma_start3A_437 = tpu.memref_slice %arg7[%run_scoped3A_426, %dma_start3A_436] : memref<16x128xi32, #tpu.memory_space<vmem>> -> memref<1x128xi32, #tpu.memory_space<vmem>>
      %dma_start3A_438 = tpu.memref_squeeze %dma_start3A_437 : memref<1x128xi32, #tpu.memory_space<vmem>> -> memref<128xi32, #tpu.memory_space<vmem>>
      %dma_start3A_439 = arith.constant 0 : i32
      %dma_start3A_440 = arith.constant 0 : i32
      %dma_start3A_441 = tpu.memref_slice %arg9[%dma_start3A_439, %dma_start3A_440] : memref<10240x128xf32, #tpu.memory_space<vmem_shared>> -> memref<10240x128xf32, #tpu.memory_space<vmem_shared>>
      tpu.enqueue_indirect_dma source(%dma_start3A_435 : memref<128x128xf32, #tpu.memory_space<vmem>>) target(%dma_start3A_441 : memref<10240x128xf32, #tpu.memory_space<vmem_shared>>) offsets(%dma_start3A_438 : memref<128xi32, #tpu.memory_space<vmem>>) semaphore(%run_scoped3A_432 : memref<!tpu.dma_semaphore, #tpu.memory_space<semaphore_mem>>) {add = true}
      %dma_wait3A_442 = arith.constant 128 : i32
      %dma_wait3A_443 = arith.constant 0 : i32
      %dma_wait3A_444 = tpu.memref_slice %arg8[%dma_wait3A_442, %dma_wait3A_443] : memref<256x128xf32, #tpu.memory_space<vmem>> -> memref<128x128xf32, #tpu.memory_space<vmem>>
      %dma_wait3A_445 = arith.constant 0 : i32
      %dma_wait3A_446 = tpu.memref_slice %arg7[%run_scoped3A_426, %dma_wait3A_445] : memref<16x128xi32, #tpu.memory_space<vmem>> -> memref<1x128xi32, #tpu.memory_space<vmem>>
      %dma_wait3A_447 = tpu.memref_squeeze %dma_wait3A_446 : memref<1x128xi32, #tpu.memory_space<vmem>> -> memref<128xi32, #tpu.memory_space<vmem>>
      %dma_wait3A_448 = arith.constant 0 : i32
      %dma_wait3A_449 = arith.constant 0 : i32
      %dma_wait3A_450 = tpu.memref_slice %arg9[%dma_wait3A_448, %dma_wait3A_449] : memref<10240x128xf32, #tpu.memory_space<vmem_shared>> -> memref<10240x128xf32, #tpu.memory_space<vmem_shared>>
      tpu.wait_indirect_dma semaphore(%run_scoped3A_432 : memref<!tpu.dma_semaphore, #tpu.memory_space<semaphore_mem>>) src(%dma_wait3A_444 : memref<128x128xf32, #tpu.memory_space<vmem>>) dst(%dma_wait3A_450 : memref<10240x128xf32, #tpu.memory_space<vmem_shared>>)
      tpu.yield
    }) : () -> ()
    %barrier3A_427 = arith.constant 0 : index
    tpu.barrier barrier_id(%barrier3A_427)
    %mul3A_428 = arith.constant 640 : i32
    %mul3A_429 = arith.muli %arg1, %mul3A_428 : i32
    %mul3A_430 = arith.constant 640 : i32
    %mul3A_431 = arith.muli %arg1, %mul3A_430 : i32
    "tpu.region"() ({
      %run_scoped3A_432 = tpu.sem_alloc : memref<!tpu.dma_semaphore, #tpu.memory_space<semaphore_mem>>
      %dma_start3A_433 = arith.constant 0 : i32
      %dma_start3A_434 = tpu.memref_slice %arg5[%arg0, %mul3A_431, %dma_start3A_433] : memref<2x10240x128xf32, #tpu.memory_space<hbm>> -> memref<1x640x128xf32, #tpu.memory_space<hbm>>
      %dma_start3A_435 = tpu.memref_squeeze %dma_start3A_434 : memref<1x640x128xf32, #tpu.memory_space<hbm>> -> memref<640x128xf32, #tpu.memory_space<hbm>>
      %dma_start3A_436 = arith.constant 0 : i32
      %dma_start3A_437 = tpu.memref_slice %arg9[%mul3A_429, %dma_start3A_436] : memref<10240x128xf32, #tpu.memory_space<vmem_shared>> -> memref<640x128xf32, #tpu.memory_space<vmem_shared>>
      tpu.enqueue_dma source(%dma_start3A_437 : memref<640x128xf32, #tpu.memory_space<vmem_shared>>) target(%dma_start3A_435 : memref<640x128xf32, #tpu.memory_space<hbm>>) target_semaphore(%run_scoped3A_432 : memref<!tpu.dma_semaphore, #tpu.memory_space<semaphore_mem>>)
      %dma_wait3A_438 = arith.constant 0 : i32
      %dma_wait3A_439 = tpu.memref_slice %arg5[%arg0, %mul3A_431, %dma_wait3A_438] : memref<2x10240x128xf32, #tpu.memory_space<hbm>> -> memref<1x640x128xf32, #tpu.memory_space<hbm>>
      %dma_wait3A_440 = tpu.memref_squeeze %dma_wait3A_439 : memref<1x640x128xf32, #tpu.memory_space<hbm>> -> memref<640x128xf32, #tpu.memory_space<hbm>>
      %dma_wait3A_441 = arith.constant 0 : i32
      %dma_wait3A_442 = tpu.memref_slice %arg9[%mul3A_429, %dma_wait3A_441] : memref<10240x128xf32, #tpu.memory_space<vmem_shared>> -> memref<640x128xf32, #tpu.memory_space<vmem_shared>>
      tpu.wait_dma2 semaphore(%run_scoped3A_432 : memref<!tpu.dma_semaphore, #tpu.memory_space<semaphore_mem>>) src(%dma_wait3A_442 : memref<640x128xf32, #tpu.memory_space<vmem_shared>>) dst(%dma_wait3A_440 : memref<640x128xf32, #tpu.memory_space<hbm>>)
      tpu.yield
    }) : () -> ()
    return
  }
}

module attributes {stable_mosaic.version = 14 : i64} {
  func.func @_tc1_body(%arg0: i32, %arg1: memref<10000x128xf32, #tpu.memory_space<vmem>>, %arg2: memref<128x128xf32, #tpu.memory_space<vmem>>, %arg3: memref<1x128xf32, #tpu.memory_space<vmem>>, %arg4: memref<128x128xf32, #tpu.memory_space<vmem>>, %arg5: memref<10000x128xf32, #tpu.memory_space<vmem>>, %arg6: memref<10000x128xf32, #tpu.memory_space<vmem>>) attributes {dimension_semantics = [#tpu.dimension_semantics<arbitrary>], iteration_bounds = array<i64: 1>, scalar_prefetch = 0 : i64, scratch_operands = 0 : i64, tpu.core_type = #tpu.core_type<tc>, window_params = [{transform_indices = @transform_0, window_bounds = array<i64: 10000, 128>}, {pipeline_mode = #tpu.pipeline_mode<synchronous>, transform_indices = @transform_1, window_bounds = array<i64: 128, 128>}, {pipeline_mode = #tpu.pipeline_mode<synchronous>, transform_indices = @transform_2, window_bounds = array<i64: 1, 128>}, {pipeline_mode = #tpu.pipeline_mode<synchronous>, transform_indices = @transform_3, window_bounds = array<i64: 128, 128>}, {transform_indices = @transform_4, window_bounds = array<i64: 10000, 128>}, {transform_indices = @transform_5, window_bounds = array<i64: 10000, 128>}]} {
    %get3A = arith.constant 0 : index
    %get3A_0 = arith.constant 0 : index
    %get3A_1 = vector.load %arg1[%get3A, %get3A_0] : memref<10000x128xf32, #tpu.memory_space<vmem>>, vector<10000x128xf32>
    %get3A_2 = arith.constant 0 : index
    %get3A_3 = arith.constant 0 : index
    %get3A_4 = vector.load %arg2[%get3A_2, %get3A_3] : memref<128x128xf32, #tpu.memory_space<vmem>>, vector<128x128xf32>
    %dot_general3A = arith.constant dense<0.000000e+00> : vector<10000x128xf32>
    %dot_general3A_5 = tpu.matmul %get3A_1, %get3A_4, %dot_general3A {dimension_numbers = #tpu.dot_dimension_numbers<[1], [0], [0], [1], [0, 0, 1, 1], [], []>, transpose_lhs_hint = false} : vector<10000x128xf32>, vector<128x128xf32>, vector<10000x128xf32> -> vector<10000x128xf32>
    %get3A_6 = arith.constant 0 : index
    %get3A_7 = arith.constant 0 : index
    %get3A_8 = vector.load %arg3[%get3A_6, %get3A_7] : memref<1x128xf32, #tpu.memory_space<vmem>>, vector<1x128xf32>
    %add3A = vector.broadcast %get3A_8 : vector<1x128xf32> to vector<10000x128xf32>
    %add3A_9 = arith.addf %dot_general3A_5, %add3A : vector<10000x128xf32>
    %swap3A = arith.constant 0 : index
    %swap3A_10 = arith.constant 0 : index
    %swap3A_11 = vector.load %arg5[%swap3A, %swap3A_10] : memref<10000x128xf32, #tpu.memory_space<vmem>>, vector<10000x128xf32>
    tpu.vector_store %arg5[%swap3A, %swap3A_10], %add3A_9 {strides = array<i32>} : memref<10000x128xf32, #tpu.memory_space<vmem>>, vector<10000x128xf32>,
    %get3A_12 = arith.constant 0 : index
    %get3A_13 = arith.constant 0 : index
    %get3A_14 = vector.load %arg4[%get3A_12, %get3A_13] : memref<128x128xf32, #tpu.memory_space<vmem>>, vector<128x128xf32>
    %dot_general3A_15 = arith.constant dense<0.000000e+00> : vector<10000x128xf32>
    %dot_general3A_16 = tpu.matmul %add3A_9, %get3A_14, %dot_general3A_15 {dimension_numbers = #tpu.dot_dimension_numbers<[1], [0], [0], [1], [0, 0, 1, 1], [], []>, transpose_lhs_hint = false} : vector<10000x128xf32>, vector<128x128xf32>, vector<10000x128xf32> -> vector<10000x128xf32>
    %swap3A_17 = arith.constant 0 : index
    %swap3A_18 = arith.constant 0 : index
    %swap3A_19 = vector.load %arg6[%swap3A_17, %swap3A_18] : memref<10000x128xf32, #tpu.memory_space<vmem>>, vector<10000x128xf32>
    tpu.vector_store %arg6[%swap3A_17, %swap3A_18], %dot_general3A_16 {strides = array<i32>} : memref<10000x128xf32, #tpu.memory_space<vmem>>, vector<10000x128xf32>,
    return
  }
  func.func @transform_0(%arg0: i32) -> (i32, i32) {
    %c0_i32 = arith.constant 0 : i32
    %c0_i32_0 = arith.constant 0 : i32
    return %arg0, %c0_i32 : i32, i32
  }
  func.func @transform_1(%arg0: i32) -> (i32, i32) {
    %c0_i32 = arith.constant 0 : i32
    %c0_i32_0 = arith.constant 0 : i32
    %c0_i32_1 = arith.constant 0 : i32
    return %c0_i32, %c0_i32_0 : i32, i32
  }
  func.func @transform_2(%arg0: i32) -> (i32, i32) {
    %c0_i32 = arith.constant 0 : i32
    %c0_i32_0 = arith.constant 0 : i32
    %c0_i32_1 = arith.constant 0 : i32
    return %c0_i32, %c0_i32_0 : i32, i32
  }
  func.func @transform_3(%arg0: i32) -> (i32, i32) {
    %c0_i32 = arith.constant 0 : i32
    %c0_i32_0 = arith.constant 0 : i32
    %c0_i32_1 = arith.constant 0 : i32
    return %c0_i32, %c0_i32_0 : i32, i32
  }
  func.func @transform_4(%arg0: i32) -> (i32, i32) {
    %c0_i32 = arith.constant 0 : i32
    %c0_i32_0 = arith.constant 0 : i32
    return %arg0, %c0_i32 : i32, i32
  }
  func.func @transform_5(%arg0: i32) -> (i32, i32) {
    %c0_i32 = arith.constant 0 : i32
    %c0_i32_0 = arith.constant 0 : i32
    return %arg0, %c0_i32 : i32, i32
  }
}

module attributes {stable_mosaic.version = 14 : i64} {
  func.func @_tc2_body(%arg0: i32, %arg1: memref<2x10000x128xf32, #tpu.memory_space<vmem>>, %arg2: memref<10000x128xf32, #tpu.memory_space<vmem>>, %arg3: memref<128x384xf32, #tpu.memory_space<vmem>>, %arg4: memref<128x384xf32, #tpu.memory_space<vmem>>, %arg5: memref<1x384xf32, #tpu.memory_space<vmem>>, %arg6: memref<1x384xf32, #tpu.memory_space<vmem>>, %arg7: memref<128x128xf32, #tpu.memory_space<vmem>>, %arg8: memref<10000x128xf32, #tpu.memory_space<vmem>>, %arg9: memref<10000x128xf32, #tpu.memory_space<vmem>>) attributes {dimension_semantics = [#tpu.dimension_semantics<arbitrary>], iteration_bounds = array<i64: 1>, scalar_prefetch = 0 : i64, scratch_operands = 0 : i64, tpu.core_type = #tpu.core_type<tc>, window_params = [{transform_indices = @transform_0, window_bounds = array<i64: 2, 10000, 128>}, {transform_indices = @transform_1, window_bounds = array<i64: 10000, 128>}, {pipeline_mode = #tpu.pipeline_mode<synchronous>, transform_indices = @transform_2, window_bounds = array<i64: 128, 384>}, {pipeline_mode = #tpu.pipeline_mode<synchronous>, transform_indices = @transform_3, window_bounds = array<i64: 128, 384>}, {pipeline_mode = #tpu.pipeline_mode<synchronous>, transform_indices = @transform_4, window_bounds = array<i64: 1, 384>}, {pipeline_mode = #tpu.pipeline_mode<synchronous>, transform_indices = @transform_5, window_bounds = array<i64: 1, 384>}, {pipeline_mode = #tpu.pipeline_mode<synchronous>, transform_indices = @transform_6, window_bounds = array<i64: 128, 128>}, {transform_indices = @transform_7, window_bounds = array<i64: 10000, 128>}, {transform_indices = @transform_8, window_bounds = array<i64: 10000, 128>}]} {
    %get3A = arith.constant 0 : index
    %get3A_0 = arith.constant 0 : index
    %get3A_1 = arith.constant 0 : index
    %get3A_2 = vector.load %arg1[%get3A, %get3A_0, %get3A_1] : memref<2x10000x128xf32, #tpu.memory_space<vmem>>, vector<1x10000x128xf32>
    %get3A_3 = vector.shape_cast %get3A_2 : vector<1x10000x128xf32> to vector<10000x128xf32>
    %get3A_4 = arith.constant 1 : index
    %get3A_5 = arith.constant 0 : index
    %get3A_6 = arith.constant 0 : index
    %get3A_7 = vector.load %arg1[%get3A_4, %get3A_5, %get3A_6] : memref<2x10000x128xf32, #tpu.memory_space<vmem>>, vector<1x10000x128xf32>
    %get3A_8 = vector.shape_cast %get3A_7 : vector<1x10000x128xf32> to vector<10000x128xf32>
    %add3A = arith.addf %get3A_3, %get3A_8 : vector<10000x128xf32>
    %get3A_9 = arith.constant 0 : index
    %get3A_10 = arith.constant 0 : index
    %get3A_11 = vector.load %arg2[%get3A_9, %get3A_10] : memref<10000x128xf32, #tpu.memory_space<vmem>>, vector<10000x128xf32>
    %get3A_12 = arith.constant 0 : index
    %get3A_13 = arith.constant 0 : index
    %get3A_14 = vector.load %arg3[%get3A_12, %get3A_13] : memref<128x384xf32, #tpu.memory_space<vmem>>, vector<128x384xf32>
    %dot_general3A = arith.constant dense<0.000000e+00> : vector<10000x384xf32>
    %dot_general3A_15 = tpu.matmul %add3A, %get3A_14, %dot_general3A {dimension_numbers = #tpu.dot_dimension_numbers<[1], [0], [0], [1], [0, 0, 1, 1], [], []>, transpose_lhs_hint = false} : vector<10000x128xf32>, vector<128x384xf32>, vector<10000x384xf32> -> vector<10000x384xf32>
    %get3A_16 = arith.constant 0 : index
    %get3A_17 = arith.constant 0 : index
    %get3A_18 = vector.load %arg5[%get3A_16, %get3A_17] : memref<1x384xf32, #tpu.memory_space<vmem>>, vector<1x384xf32>
    %add3A_19 = vector.broadcast %get3A_18 : vector<1x384xf32> to vector<10000x384xf32>
    %add3A_20 = arith.addf %dot_general3A_15, %add3A_19 : vector<10000x384xf32>
    %get3A_21 = arith.constant 0 : index
    %get3A_22 = arith.constant 0 : index
    %get3A_23 = vector.load %arg4[%get3A_21, %get3A_22] : memref<128x384xf32, #tpu.memory_space<vmem>>, vector<128x384xf32>
    %dot_general3A_24 = arith.constant dense<0.000000e+00> : vector<10000x384xf32>
    %dot_general3A_25 = tpu.matmul %get3A_11, %get3A_23, %dot_general3A_24 {dimension_numbers = #tpu.dot_dimension_numbers<[1], [0], [0], [1], [0, 0, 1, 1], [], []>, transpose_lhs_hint = false} : vector<10000x128xf32>, vector<128x384xf32>, vector<10000x384xf32> -> vector<10000x384xf32>
    %get3A_26 = arith.constant 0 : index
    %get3A_27 = arith.constant 0 : index
    %get3A_28 = vector.load %arg6[%get3A_26, %get3A_27] : memref<1x384xf32, #tpu.memory_space<vmem>>, vector<1x384xf32>
    %add3A_29 = vector.broadcast %get3A_28 : vector<1x384xf32> to vector<10000x384xf32>
    %add3A_30 = arith.addf %dot_general3A_25, %add3A_29 : vector<10000x384xf32>
    %slice3A = vector.extract_strided_slice %add3A_20 {offsets = [0, 0], sizes = [10000, 128], strides = [1, 1]} : vector<10000x384xf32> to vector<10000x128xf32>
    %slice3A_31 = vector.extract_strided_slice %add3A_30 {offsets = [0, 0], sizes = [10000, 128], strides = [1, 1]} : vector<10000x384xf32> to vector<10000x128xf32>
    %add3A_32 = arith.addf %slice3A, %slice3A_31 : vector<10000x128xf32>
    %logistic3A = arith.negf %add3A_32 : vector<10000x128xf32>
    %logistic3A_33 = math.exp %logistic3A : vector<10000x128xf32>
    %logistic3A_34 = arith.constant 1.000000e+00 : f32
    %logistic3A_35 = vector.broadcast %logistic3A_34 : f32 to vector<10000x128xf32>
    %logistic3A_36 = arith.addf %logistic3A_35, %logistic3A_33 : vector<10000x128xf32>
    %logistic3A_37 = arith.divf %logistic3A_35, %logistic3A_36 : vector<10000x128xf32>
    %slice3A_38 = vector.extract_strided_slice %add3A_20 {offsets = [0, 128], sizes = [10000, 128], strides = [1, 1]} : vector<10000x384xf32> to vector<10000x128xf32>
    %slice3A_39 = vector.extract_strided_slice %add3A_30 {offsets = [0, 128], sizes = [10000, 128], strides = [1, 1]} : vector<10000x384xf32> to vector<10000x128xf32>
    %add3A_40 = arith.addf %slice3A_38, %slice3A_39 : vector<10000x128xf32>
    %logistic3A_41 = arith.negf %add3A_40 : vector<10000x128xf32>
    %logistic3A_42 = math.exp %logistic3A_41 : vector<10000x128xf32>
    %logistic3A_43 = arith.constant 1.000000e+00 : f32
    %logistic3A_44 = vector.broadcast %logistic3A_43 : f32 to vector<10000x128xf32>
    %logistic3A_45 = arith.addf %logistic3A_44, %logistic3A_42 : vector<10000x128xf32>
    %logistic3A_46 = arith.divf %logistic3A_44, %logistic3A_45 : vector<10000x128xf32>
    %slice3A_47 = vector.extract_strided_slice %add3A_20 {offsets = [0, 256], sizes = [10000, 128], strides = [1, 1]} : vector<10000x384xf32> to vector<10000x128xf32>
    %slice3A_48 = vector.extract_strided_slice %add3A_30 {offsets = [0, 256], sizes = [10000, 128], strides = [1, 1]} : vector<10000x384xf32> to vector<10000x128xf32>
    %mul3A = arith.mulf %logistic3A_37, %slice3A_48 : vector<10000x128xf32>
    %add3A_49 = arith.addf %slice3A_47, %mul3A : vector<10000x128xf32>
    %tanh3A = math.tanh %add3A_49 : vector<10000x128xf32>
    %sub3A = arith.constant 1.000000e+00 : f32
    %sub3A_50 = vector.broadcast %sub3A : f32 to vector<10000x128xf32>
    %sub3A_51 = arith.subf %sub3A_50, %logistic3A_46 : vector<10000x128xf32>
    %mul3A_52 = arith.mulf %sub3A_51, %tanh3A : vector<10000x128xf32>
    %mul3A_53 = arith.mulf %logistic3A_46, %get3A_11 : vector<10000x128xf32>
    %add3A_54 = arith.addf %mul3A_52, %mul3A_53 : vector<10000x128xf32>
    %gt3A = arith.constant 0.000000e+00 : f32
    %gt3A_55 = vector.broadcast %gt3A : f32 to vector<10000x128xf32>
    %gt3A_56 = arith.cmpf ogt, %add3A_54, %gt3A_55 : vector<10000x128xf32>
    %min3A = arith.constant 0.000000e+00 : f32
    %min3A_57 = vector.broadcast %min3A : f32 to vector<10000x128xf32>
    %min3A_58 = arith.minimumf %add3A_54, %min3A_57 : vector<10000x128xf32>
    %exp3A = math.exp %min3A_58 : vector<10000x128xf32>
    %sub3A_59 = arith.constant 1.000000e+00 : f32
    %sub3A_60 = vector.broadcast %sub3A_59 : f32 to vector<10000x128xf32>
    %sub3A_61 = arith.subf %exp3A, %sub3A_60 : vector<10000x128xf32>
    %select_n3A = arith.select %gt3A_56, %add3A_54, %sub3A_61 : vector<10000x128xi1>, vector<10000x128xf32>
    %swap3A = arith.constant 0 : index
    %swap3A_62 = arith.constant 0 : index
    %swap3A_63 = vector.load %arg8[%swap3A, %swap3A_62] : memref<10000x128xf32, #tpu.memory_space<vmem>>, vector<10000x128xf32>
    tpu.vector_store %arg8[%swap3A, %swap3A_62], %select_n3A {strides = array<i32>} : memref<10000x128xf32, #tpu.memory_space<vmem>>, vector<10000x128xf32>,
    %get3A_64 = arith.constant 0 : index
    %get3A_65 = arith.constant 0 : index
    %get3A_66 = vector.load %arg7[%get3A_64, %get3A_65] : memref<128x128xf32, #tpu.memory_space<vmem>>, vector<128x128xf32>
    %dot_general3A_67 = arith.constant dense<0.000000e+00> : vector<10000x128xf32>
    %dot_general3A_68 = tpu.matmul %select_n3A, %get3A_66, %dot_general3A_67 {dimension_numbers = #tpu.dot_dimension_numbers<[1], [0], [0], [1], [0, 0, 1, 1], [], []>, transpose_lhs_hint = false} : vector<10000x128xf32>, vector<128x128xf32>, vector<10000x128xf32> -> vector<10000x128xf32>
    %swap3A_69 = arith.constant 0 : index
    %swap3A_70 = arith.constant 0 : index
    %swap3A_71 = vector.load %arg9[%swap3A_69, %swap3A_70] : memref<10000x128xf32, #tpu.memory_space<vmem>>, vector<10000x128xf32>
    tpu.vector_store %arg9[%swap3A_69, %swap3A_70], %dot_general3A_68 {strides = array<i32>} : memref<10000x128xf32, #tpu.memory_space<vmem>>, vector<10000x128xf32>,
    return
  }
  func.func @transform_0(%arg0: i32) -> (i32, i32, i32) {
    %c0_i32 = arith.constant 0 : i32
    %c0_i32_0 = arith.constant 0 : i32
    %c0_i32_1 = arith.constant 0 : i32
    return %c0_i32, %arg0, %c0_i32_0 : i32, i32, i32
  }
  func.func @transform_1(%arg0: i32) -> (i32, i32) {
    %c0_i32 = arith.constant 0 : i32
    %c0_i32_0 = arith.constant 0 : i32
    return %arg0, %c0_i32 : i32, i32
  }
  func.func @transform_2(%arg0: i32) -> (i32, i32) {
    %c0_i32 = arith.constant 0 : i32
    %c0_i32_0 = arith.constant 0 : i32
    %c0_i32_1 = arith.constant 0 : i32
    return %c0_i32, %c0_i32_0 : i32, i32
  }
  func.func @transform_3(%arg0: i32) -> (i32, i32) {
    %c0_i32 = arith.constant 0 : i32
    %c0_i32_0 = arith.constant 0 : i32
    %c0_i32_1 = arith.constant 0 : i32
    return %c0_i32, %c0_i32_0 : i32, i32
  }
  func.func @transform_4(%arg0: i32) -> (i32, i32) {
    %c0_i32 = arith.constant 0 : i32
    %c0_i32_0 = arith.constant 0 : i32
    %c0_i32_1 = arith.constant 0 : i32
    return %c0_i32, %c0_i32_0 : i32, i32
  }
  func.func @transform_5(%arg0: i32) -> (i32, i32) {
    %c0_i32 = arith.constant 0 : i32
    %c0_i32_0 = arith.constant 0 : i32
    %c0_i32_1 = arith.constant 0 : i32
    return %c0_i32, %c0_i32_0 : i32, i32
  }
  func.func @transform_6(%arg0: i32) -> (i32, i32) {
    %c0_i32 = arith.constant 0 : i32
    %c0_i32_0 = arith.constant 0 : i32
    %c0_i32_1 = arith.constant 0 : i32
    return %c0_i32, %c0_i32_0 : i32, i32
  }
  func.func @transform_7(%arg0: i32) -> (i32, i32) {
    %c0_i32 = arith.constant 0 : i32
    %c0_i32_0 = arith.constant 0 : i32
    return %arg0, %c0_i32 : i32, i32
  }
  func.func @transform_8(%arg0: i32) -> (i32, i32) {
    %c0_i32 = arith.constant 0 : i32
    %c0_i32_0 = arith.constant 0 : i32
    return %arg0, %c0_i32 : i32, i32
  }
}

module attributes {stable_mosaic.version = 14 : i64} {
  func.func @_tc3_body(%arg0: i32, %arg1: memref<2x10000x128xf32, #tpu.memory_space<vmem>>, %arg2: memref<10000x128xf32, #tpu.memory_space<vmem>>, %arg3: memref<128x384xf32, #tpu.memory_space<vmem>>, %arg4: memref<128x384xf32, #tpu.memory_space<vmem>>, %arg5: memref<1x384xf32, #tpu.memory_space<vmem>>, %arg6: memref<1x384xf32, #tpu.memory_space<vmem>>, %arg7: memref<128x128xf32, #tpu.memory_space<vmem>>, %arg8: memref<1x128xf32, #tpu.memory_space<vmem>>, %arg9: memref<1x1x10000xi32, #tpu.memory_space<vmem>>, %arg10: memref<10000x128xf32, #tpu.memory_space<vmem>>, %arg11: memref<10000x128xf32, #tpu.memory_space<vmem>>, %arg12: memref<1x1xf32, #tpu.memory_space<vmem>>) attributes {dimension_semantics = [#tpu.dimension_semantics<arbitrary>], iteration_bounds = array<i64: 1>, scalar_prefetch = 0 : i64, scratch_operands = 0 : i64, tpu.core_type = #tpu.core_type<tc>, window_params = [{transform_indices = @transform_0, window_bounds = array<i64: 2, 10000, 128>}, {transform_indices = @transform_1, window_bounds = array<i64: 10000, 128>}, {pipeline_mode = #tpu.pipeline_mode<synchronous>, transform_indices = @transform_2, window_bounds = array<i64: 128, 384>}, {pipeline_mode = #tpu.pipeline_mode<synchronous>, transform_indices = @transform_3, window_bounds = array<i64: 128, 384>}, {pipeline_mode = #tpu.pipeline_mode<synchronous>, transform_indices = @transform_4, window_bounds = array<i64: 1, 384>}, {pipeline_mode = #tpu.pipeline_mode<synchronous>, transform_indices = @transform_5, window_bounds = array<i64: 1, 384>}, {pipeline_mode = #tpu.pipeline_mode<synchronous>, transform_indices = @transform_6, window_bounds = array<i64: 128, 128>}, {pipeline_mode = #tpu.pipeline_mode<synchronous>, transform_indices = @transform_7, window_bounds = array<i64: 1, 128>}, {transform_indices = @transform_8, window_bounds = array<i64: 1, 1, 10000>}, {transform_indices = @transform_9, window_bounds = array<i64: 10000, 128>}, {transform_indices = @transform_10, window_bounds = array<i64: 10000, 128>}, {pipeline_mode = #tpu.pipeline_mode<synchronous>, transform_indices = @transform_11, window_bounds = array<i64: 1, 1>}]} {
    %get3A = arith.constant 0 : index
    %get3A_0 = arith.constant 0 : index
    %get3A_1 = arith.constant 0 : index
    %get3A_2 = vector.load %arg1[%get3A, %get3A_0, %get3A_1] : memref<2x10000x128xf32, #tpu.memory_space<vmem>>, vector<1x10000x128xf32>
    %get3A_3 = vector.shape_cast %get3A_2 : vector<1x10000x128xf32> to vector<10000x128xf32>
    %get3A_4 = arith.constant 1 : index
    %get3A_5 = arith.constant 0 : index
    %get3A_6 = arith.constant 0 : index
    %get3A_7 = vector.load %arg1[%get3A_4, %get3A_5, %get3A_6] : memref<2x10000x128xf32, #tpu.memory_space<vmem>>, vector<1x10000x128xf32>
    %get3A_8 = vector.shape_cast %get3A_7 : vector<1x10000x128xf32> to vector<10000x128xf32>
    %add3A = arith.addf %get3A_3, %get3A_8 : vector<10000x128xf32>
    %get3A_9 = arith.constant 0 : index
    %get3A_10 = arith.constant 0 : index
    %get3A_11 = vector.load %arg2[%get3A_9, %get3A_10] : memref<10000x128xf32, #tpu.memory_space<vmem>>, vector<10000x128xf32>
    %get3A_12 = arith.constant 0 : index
    %get3A_13 = arith.constant 0 : index
    %get3A_14 = vector.load %arg3[%get3A_12, %get3A_13] : memref<128x384xf32, #tpu.memory_space<vmem>>, vector<128x384xf32>
    %dot_general3A = arith.constant dense<0.000000e+00> : vector<10000x384xf32>
    %dot_general3A_15 = tpu.matmul %add3A, %get3A_14, %dot_general3A {dimension_numbers = #tpu.dot_dimension_numbers<[1], [0], [0], [1], [0, 0, 1, 1], [], []>, transpose_lhs_hint = false} : vector<10000x128xf32>, vector<128x384xf32>, vector<10000x384xf32> -> vector<10000x384xf32>
    %get3A_16 = arith.constant 0 : index
    %get3A_17 = arith.constant 0 : index
    %get3A_18 = vector.load %arg5[%get3A_16, %get3A_17] : memref<1x384xf32, #tpu.memory_space<vmem>>, vector<1x384xf32>
    %add3A_19 = vector.broadcast %get3A_18 : vector<1x384xf32> to vector<10000x384xf32>
    %add3A_20 = arith.addf %dot_general3A_15, %add3A_19 : vector<10000x384xf32>
    %get3A_21 = arith.constant 0 : index
    %get3A_22 = arith.constant 0 : index
    %get3A_23 = vector.load %arg4[%get3A_21, %get3A_22] : memref<128x384xf32, #tpu.memory_space<vmem>>, vector<128x384xf32>
    %dot_general3A_24 = arith.constant dense<0.000000e+00> : vector<10000x384xf32>
    %dot_general3A_25 = tpu.matmul %get3A_11, %get3A_23, %dot_general3A_24 {dimension_numbers = #tpu.dot_dimension_numbers<[1], [0], [0], [1], [0, 0, 1, 1], [], []>, transpose_lhs_hint = false} : vector<10000x128xf32>, vector<128x384xf32>, vector<10000x384xf32> -> vector<10000x384xf32>
    %get3A_26 = arith.constant 0 : index
    %get3A_27 = arith.constant 0 : index
    %get3A_28 = vector.load %arg6[%get3A_26, %get3A_27] : memref<1x384xf32, #tpu.memory_space<vmem>>, vector<1x384xf32>
    %add3A_29 = vector.broadcast %get3A_28 : vector<1x384xf32> to vector<10000x384xf32>
    %add3A_30 = arith.addf %dot_general3A_25, %add3A_29 : vector<10000x384xf32>
    %slice3A = vector.extract_strided_slice %add3A_20 {offsets = [0, 0], sizes = [10000, 128], strides = [1, 1]} : vector<10000x384xf32> to vector<10000x128xf32>
    %slice3A_31 = vector.extract_strided_slice %add3A_30 {offsets = [0, 0], sizes = [10000, 128], strides = [1, 1]} : vector<10000x384xf32> to vector<10000x128xf32>
    %add3A_32 = arith.addf %slice3A, %slice3A_31 : vector<10000x128xf32>
    %logistic3A = arith.negf %add3A_32 : vector<10000x128xf32>
    %logistic3A_33 = math.exp %logistic3A : vector<10000x128xf32>
    %logistic3A_34 = arith.constant 1.000000e+00 : f32
    %logistic3A_35 = vector.broadcast %logistic3A_34 : f32 to vector<10000x128xf32>
    %logistic3A_36 = arith.addf %logistic3A_35, %logistic3A_33 : vector<10000x128xf32>
    %logistic3A_37 = arith.divf %logistic3A_35, %logistic3A_36 : vector<10000x128xf32>
    %slice3A_38 = vector.extract_strided_slice %add3A_20 {offsets = [0, 128], sizes = [10000, 128], strides = [1, 1]} : vector<10000x384xf32> to vector<10000x128xf32>
    %slice3A_39 = vector.extract_strided_slice %add3A_30 {offsets = [0, 128], sizes = [10000, 128], strides = [1, 1]} : vector<10000x384xf32> to vector<10000x128xf32>
    %add3A_40 = arith.addf %slice3A_38, %slice3A_39 : vector<10000x128xf32>
    %logistic3A_41 = arith.negf %add3A_40 : vector<10000x128xf32>
    %logistic3A_42 = math.exp %logistic3A_41 : vector<10000x128xf32>
    %logistic3A_43 = arith.constant 1.000000e+00 : f32
    %logistic3A_44 = vector.broadcast %logistic3A_43 : f32 to vector<10000x128xf32>
    %logistic3A_45 = arith.addf %logistic3A_44, %logistic3A_42 : vector<10000x128xf32>
    %logistic3A_46 = arith.divf %logistic3A_44, %logistic3A_45 : vector<10000x128xf32>
    %slice3A_47 = vector.extract_strided_slice %add3A_20 {offsets = [0, 256], sizes = [10000, 128], strides = [1, 1]} : vector<10000x384xf32> to vector<10000x128xf32>
    %slice3A_48 = vector.extract_strided_slice %add3A_30 {offsets = [0, 256], sizes = [10000, 128], strides = [1, 1]} : vector<10000x384xf32> to vector<10000x128xf32>
    %mul3A = arith.mulf %logistic3A_37, %slice3A_48 : vector<10000x128xf32>
    %add3A_49 = arith.addf %slice3A_47, %mul3A : vector<10000x128xf32>
    %tanh3A = math.tanh %add3A_49 : vector<10000x128xf32>
    %sub3A = arith.constant 1.000000e+00 : f32
    %sub3A_50 = vector.broadcast %sub3A : f32 to vector<10000x128xf32>
    %sub3A_51 = arith.subf %sub3A_50, %logistic3A_46 : vector<10000x128xf32>
    %mul3A_52 = arith.mulf %sub3A_51, %tanh3A : vector<10000x128xf32>
    %mul3A_53 = arith.mulf %logistic3A_46, %get3A_11 : vector<10000x128xf32>
    %add3A_54 = arith.addf %mul3A_52, %mul3A_53 : vector<10000x128xf32>
    %swap3A = arith.constant 0 : index
    %swap3A_55 = arith.constant 0 : index
    %swap3A_56 = vector.load %arg10[%swap3A, %swap3A_55] : memref<10000x128xf32, #tpu.memory_space<vmem>>, vector<10000x128xf32>
    tpu.vector_store %arg10[%swap3A, %swap3A_55], %add3A_54 {strides = array<i32>} : memref<10000x128xf32, #tpu.memory_space<vmem>>, vector<10000x128xf32>,
    %get3A_57 = arith.constant 0 : index
    %get3A_58 = arith.constant 0 : index
    %get3A_59 = vector.load %arg7[%get3A_57, %get3A_58] : memref<128x128xf32, #tpu.memory_space<vmem>>, vector<128x128xf32>
    %dot_general3A_60 = arith.constant dense<0.000000e+00> : vector<10000x128xf32>
    %dot_general3A_61 = tpu.matmul %add3A_54, %get3A_59, %dot_general3A_60 {dimension_numbers = #tpu.dot_dimension_numbers<[1], [0], [0], [1], [0, 0, 1, 1], [], []>, transpose_lhs_hint = false} : vector<10000x128xf32>, vector<128x128xf32>, vector<10000x128xf32> -> vector<10000x128xf32>
    %get3A_62 = arith.constant 0 : index
    %get3A_63 = arith.constant 0 : index
    %get3A_64 = vector.load %arg8[%get3A_62, %get3A_63] : memref<1x128xf32, #tpu.memory_space<vmem>>, vector<1x128xf32>
    %add3A_65 = vector.broadcast %get3A_64 : vector<1x128xf32> to vector<10000x128xf32>
    %add3A_66 = arith.addf %dot_general3A_61, %add3A_65 : vector<10000x128xf32>
    %swap3A_67 = arith.constant 0 : index
    %swap3A_68 = arith.constant 0 : index
    %swap3A_69 = vector.load %arg11[%swap3A_67, %swap3A_68] : memref<10000x128xf32, #tpu.memory_space<vmem>>, vector<10000x128xf32>
    tpu.vector_store %arg11[%swap3A_67, %swap3A_68], %add3A_66 {strides = array<i32>} : memref<10000x128xf32, #tpu.memory_space<vmem>>, vector<10000x128xf32>,
    %iota3A = tpu.iota {dimensions = array<i32: 1>} : vector<10000x128xi32>
    %lt3A = arith.constant 6 : i32
    %lt3A_70 = vector.broadcast %lt3A : i32 to vector<10000x128xi32>
    %lt3A_71 = arith.cmpi slt, %iota3A, %lt3A_70 : vector<10000x128xi32>
    %jit3A = arith.constant 0xFF800000 : f32
    %broadcast_in_dim3A = vector.broadcast %jit3A : f32 to vector<10000x128xf32>
    %select_n3A = arith.select %lt3A_71, %add3A_66, %broadcast_in_dim3A : vector<10000x128xi1>, vector<10000x128xf32>
    %reduce_max3A = arith.constant dense<0xFF800000> : vector<10000xf32>
    %reduce_max3A_72 = vector.multi_reduction <maximumf>, %select_n3A, %reduce_max3A [1] : vector<10000x128xf32> to vector<10000xf32>
    %broadcast_in_dim3A_73 = vector.shape_cast %reduce_max3A_72 : vector<10000xf32> to vector<10000x1xf32>
    %sub3A_74 = vector.broadcast %broadcast_in_dim3A_73 : vector<10000x1xf32> to vector<10000x128xf32>
    %sub3A_75 = arith.subf %select_n3A, %sub3A_74 : vector<10000x128xf32>
    %exp3A = math.exp %sub3A_75 : vector<10000x128xf32>
    %jit3A_76 = arith.constant 0.000000e+00 : f32
    %broadcast_in_dim3A_77 = vector.broadcast %jit3A_76 : f32 to vector<10000x128xf32>
    %select_n3A_78 = arith.select %lt3A_71, %exp3A, %broadcast_in_dim3A_77 : vector<10000x128xi1>, vector<10000x128xf32>
    %reduce_sum3A = arith.constant dense<0.000000e+00> : vector<10000xf32>
    %reduce_sum3A_79 = vector.multi_reduction <add>, %select_n3A_78, %reduce_sum3A [1] : vector<10000x128xf32> to vector<10000xf32>
    %broadcast_in_dim3A_80 = vector.shape_cast %reduce_sum3A_79 : vector<10000xf32> to vector<10000x1xf32>
    %log3A = math.log %broadcast_in_dim3A_80 : vector<10000x1xf32>
    %add3A_81 = arith.addf %log3A, %broadcast_in_dim3A_73 : vector<10000x1xf32>
    %get3A_82 = arith.constant 0 : index
    %get3A_83 = arith.constant 0 : index
    %get3A_84 = arith.constant 0 : index
    %get3A_85 = vector.load %arg9[%get3A_82, %get3A_83, %get3A_84] : memref<1x1x10000xi32, #tpu.memory_space<vmem>>, vector<1x1x10000xi32>
    %get3A_86 = vector.shape_cast %get3A_85 : vector<1x1x10000xi32> to vector<10000xi32>
    %broadcast_in_dim3A_87 = vector.shape_cast %get3A_86 : vector<10000xi32> to vector<10000x1xi32>
    %eq3A = vector.broadcast %broadcast_in_dim3A_87 : vector<10000x1xi32> to vector<10000x128xi32>
    %eq3A_88 = arith.cmpi eq, %iota3A, %eq3A : vector<10000x128xi32>
    %jit3A_89 = arith.constant 0.000000e+00 : f32
    %broadcast_in_dim3A_90 = vector.broadcast %jit3A_89 : f32 to vector<10000x128xf32>
    %select_n3A_91 = arith.select %eq3A_88, %add3A_66, %broadcast_in_dim3A_90 : vector<10000x128xi1>, vector<10000x128xf32>
    %reduce_sum3A_92 = arith.constant dense<0.000000e+00> : vector<10000xf32>
    %reduce_sum3A_93 = vector.multi_reduction <add>, %select_n3A_91, %reduce_sum3A_92 [1] : vector<10000x128xf32> to vector<10000xf32>
    %broadcast_in_dim3A_94 = vector.shape_cast %reduce_sum3A_93 : vector<10000xf32> to vector<10000x1xf32>
    %sub3A_95 = arith.subf %add3A_81, %broadcast_in_dim3A_94 : vector<10000x1xf32>
    %reduce_sum3A_96 = vector.shape_cast %sub3A_95 : vector<10000x1xf32> to vector<1x10000x1xf32>
    %reduce_sum3A_97 = arith.constant dense<0.000000e+00> : vector<1xf32>
    %reduce_sum3A_98 = vector.multi_reduction <add>, %reduce_sum3A_96, %reduce_sum3A_97 [1, 2] : vector<1x10000x1xf32> to vector<1xf32>
    %reduce_sum3A_99 = vector.shape_cast %reduce_sum3A_98 : vector<1xf32> to vector<1x1x1xf32>
    %reduce_sum3A_100 = vector.extract %reduce_sum3A_99[0, 0, 0] : f32 from vector<1x1x1xf32>
    %reshape3A = vector.broadcast %reduce_sum3A_100 : f32 to vector<1x1xf32>
    %eq3A_101 = arith.constant 0 : i32
    %eq3A_102 = arith.cmpi eq, %arg0, %eq3A_101 : i32
    %broadcast_in_dim3A_103 = arith.constant 0.000000e+00 : f32
    %broadcast_in_dim3A_104 = vector.broadcast %broadcast_in_dim3A_103 : f32 to vector<1x1xf32>
    %get3A_105 = arith.constant 0 : index
    %get3A_106 = arith.constant 0 : index
    %get3A_107 = vector.load %arg12[%get3A_105, %get3A_106] : memref<1x1xf32, #tpu.memory_space<vmem>>, vector<1x1xf32>
    %select_n3A_108 = arith.select %eq3A_102, %broadcast_in_dim3A_104, %get3A_107 : vector<1x1xf32>
    %add3A_109 = arith.addf %select_n3A_108, %reshape3A : vector<1x1xf32>
    %eq3A_110 = arith.constant 0 : i32
    %eq3A_111 = arith.cmpi eq, %arg0, %eq3A_110 : i32
    %div3A = arith.constant 1.000000e+04 : f32
    %div3A_112 = vector.broadcast %div3A : f32 to vector<1x1xf32>
    %div3A_113 = arith.divf %add3A_109, %div3A_112 : vector<1x1xf32>
    %select_n3A_114 = arith.select %eq3A_111, %div3A_113, %add3A_109 : vector<1x1xf32>
    %swap3A_115 = arith.constant 0 : index
    %swap3A_116 = arith.constant 0 : index
    %swap3A_117 = vector.load %arg12[%swap3A_115, %swap3A_116] : memref<1x1xf32, #tpu.memory_space<vmem>>, vector<1x1xf32>
    tpu.vector_store %arg12[%swap3A_115, %swap3A_116], %select_n3A_114 {strides = array<i32>} : memref<1x1xf32, #tpu.memory_space<vmem>>, vector<1x1xf32>,
    return
  }
  func.func @transform_0(%arg0: i32) -> (i32, i32, i32) {
    %c0_i32 = arith.constant 0 : i32
    %c0_i32_0 = arith.constant 0 : i32
    %c0_i32_1 = arith.constant 0 : i32
    return %c0_i32, %arg0, %c0_i32_0 : i32, i32, i32
  }
  func.func @transform_1(%arg0: i32) -> (i32, i32) {
    %c0_i32 = arith.constant 0 : i32
    %c0_i32_0 = arith.constant 0 : i32
    return %arg0, %c0_i32 : i32, i32
  }
  func.func @transform_2(%arg0: i32) -> (i32, i32) {
    %c0_i32 = arith.constant 0 : i32
    %c0_i32_0 = arith.constant 0 : i32
    %c0_i32_1 = arith.constant 0 : i32
    return %c0_i32, %c0_i32_0 : i32, i32
  }
  func.func @transform_3(%arg0: i32) -> (i32, i32) {
    %c0_i32 = arith.constant 0 : i32
    %c0_i32_0 = arith.constant 0 : i32
    %c0_i32_1 = arith.constant 0 : i32
    return %c0_i32, %c0_i32_0 : i32, i32
  }
  func.func @transform_4(%arg0: i32) -> (i32, i32) {
    %c0_i32 = arith.constant 0 : i32
    %c0_i32_0 = arith.constant 0 : i32
    %c0_i32_1 = arith.constant 0 : i32
    return %c0_i32, %c0_i32_0 : i32, i32
  }
  func.func @transform_5(%arg0: i32) -> (i32, i32) {
    %c0_i32 = arith.constant 0 : i32
    %c0_i32_0 = arith.constant 0 : i32
    %c0_i32_1 = arith.constant 0 : i32
    return %c0_i32, %c0_i32_0 : i32, i32
  }
  func.func @transform_6(%arg0: i32) -> (i32, i32) {
    %c0_i32 = arith.constant 0 : i32
    %c0_i32_0 = arith.constant 0 : i32
    %c0_i32_1 = arith.constant 0 : i32
    return %c0_i32, %c0_i32_0 : i32, i32
  }
  func.func @transform_7(%arg0: i32) -> (i32, i32) {
    %c0_i32 = arith.constant 0 : i32
    %c0_i32_0 = arith.constant 0 : i32
    %c0_i32_1 = arith.constant 0 : i32
    return %c0_i32, %c0_i32_0 : i32, i32
  }
  func.func @transform_8(%arg0: i32) -> (i32, i32, i32) {
    %c0_i32 = arith.constant 0 : i32
    %c0_i32_0 = arith.constant 0 : i32
    %c0_i32_1 = arith.constant 0 : i32
    return %arg0, %c0_i32, %c0_i32_0 : i32, i32, i32
  }
  func.func @transform_9(%arg0: i32) -> (i32, i32) {
    %c0_i32 = arith.constant 0 : i32
    %c0_i32_0 = arith.constant 0 : i32
    return %arg0, %c0_i32 : i32, i32
  }
  func.func @transform_10(%arg0: i32) -> (i32, i32) {
    %c0_i32 = arith.constant 0 : i32
    %c0_i32_0 = arith.constant 0 : i32
    return %arg0, %c0_i32 : i32, i32
  }
  func.func @transform_11(%arg0: i32) -> (i32, i32) {
    %c0_i32 = arith.constant 0 : i32
    %c0_i32_0 = arith.constant 0 : i32
    %c0_i32_1 = arith.constant 0 : i32
    return %c0_i32, %c0_i32_0 : i32, i32
  }
}

</mosaic_0001>

<sc_bundles>
// kernel: kernel.10.cloned.1.call-start
scs
__scs_entry_jumppad:
0x0: {  	(pc) =	sbr.rel $0x88, $3  }
0x1: {  	(tag) =	ssettag $0x0;
	lr =	simm.s32 $0x1  }
0x2: {  	[smem:$0x3F90] =	sst lr;
	_ =	strace $0xD0000000  }
0x3: {  	_ = 	snop  }
0x4: {  	_ = 	snop  }
0x5: {  	_ = 	snop  }
0x6: {  	_ = 	snop  }
0x7: {  	_ = 	snop  }
__scs_overlays_trampoline_lowered:
0x8: {  	[smem:$0x3F9F] =	sst s0  }
0x9: {  	[smem:$0x3FA0] =	sst s1  }
0xa: {  	[smem:$0x3FA1] =	sst s2  }
0xb: {  	[smem:$0x3FA2] =	sst s3  }
0xc: {  	[smem:$0x3FA3] =	sst s4  }
0xd: {  	[smem:$0x3FA4] =	sst s5  }
0xe: {  	[smem:$0x3FA5] =	sst s6  }
0xf: {  	[smem:$0x3FA6] =	sst s7  }
0x10: {  	[smem:$0x3FA7] =	sst s8  }
0x11: {  	[smem:$0x3FA8] =	sst s9;
	s0 =	simm.s32 @!p0 $0x0  }
0x12: {  	s1 =	sld [smem:$0x3F8E];
	s0 =	simm.s32 @p0 $0x1  }
0x13: {  	[smem:$0x3FA9] =	sst s0;
	s0 =	simm.s32 @!p1 $0x0  }
0x14: {  	s2 =	sld [smem:$0x3F8D];
	s0 =	simm.s32 @p1 $0x1  }
0x15: {  	[smem:$0x3FAA] =	sst s0;
	s0 =	simm.s32 @!p2 $0x0  }
0x16: {  	s3 =	sld [smem:$0x3FDB];
	s0 =	simm.s32 @p2 $0x1  }
0x17: {  	s4 =	simm.s32 $0x1BF5;
	[smem:$0x3FAC] =	sst s0  }
0x18: {  	s0 =	sld [smem:$0x3F8F];
	_ =	swait.ge [sflag:s4], $0x0  }
0x19: {  	s7 =	sld [smem:$0x3F90]  }
0x1a: {  	s8 =	sadd.s32 $0xFFFFE003, lr  }
0x1b: {  	s9 =	sadd.s32 $0xFFFFFEF7, lr;
	s5 =	simm.s32 $0xFFFFFFFF;
	p2 =	slt.u32 s8, $0xFFFFF086  }
0x1c: {  	p1 =	slt.u32 s9, $0xF7A;
	s5 =	simm.s32 @!p2 $0x0  }
0x1d: {  	s5 =	simm.s32 @p1 $0x1;
	p0 =	seq.s32 s7, s2  }
0x1e: {  	s7 =	smul.u32 @!p0 $0xF7A, s2;
	p2 =	seq.s32 @!p0 s5, $0x0  }
0x1f: {  	s9 =	smul.u32 $0xF7A, s1;
	s8 =	simm.s32 @!p0 $0x1BF5;
	p2 =	por !p2, p0  }
0x20: {  	[sflag:s8] =	ssyncset.s32 @!p0 $0xFFFFF086;
	s6 =	sadd.s32 @!p0 s3, s7;
	s7 =	simm.s32 @!p0 $0x108  }
0x21: {  	s3 =	sadd.s32 s3, s9;
	s6 =	sadd.s32 @!p0 $0x88, s6;
	s7 =	simm.s32 @p2 $0x1082  }
0x22: {  	[simem:s7], [sflag:s8] =	dma.local @!p0 [hbm:s6], $0xF7A  }
0x23: {  	s9 =	sor.u32 $0xD0000000, s2;
	s6 =	simm.s32 $0x108;
	_ =	swait.ge @!p0 [sflag:s8], $0x0  }
0x24: {  	s3 =	sadd.s32 $0x88, s3;
	s6 =	simm.s32 @!p1 $0x1082;
	[sflag:s4] =	ssyncset.s32 $0xFFFFF086  }
0x25: {  	[simem:s6], [sflag:s4] =	dma.local [hbm:s3], $0xF7A  }
0x26: {  	[smem:$0x3F90] =	sst s1;
	(tag) =	ssettag s2;
	_ =	strace s9  }
0x27: {  	s1 =	sld [smem:$0x3FA0]  }
0x28: {  	s2 =	sld [smem:$0x3FA1]  }
0x29: {  	s4 =	sld [smem:$0x3FA3]  }
0x2a: {  	p0 =	seq.s32 s5, $0x0;
	s5 =	sld [smem:$0x3FA4]  }
0x2b: {  	s6 =	sld [smem:$0x3FA5]  }
0x2c: {  	s7 =	sld [smem:$0x3FA6]  }
0x2d: {  	s3 =	simm.s32 $0x108;
	s8 =	sld [smem:$0x3FA7]  }
0x2e: {  	s3 =	simm.s32 @!p0 $0x1082;
	s9 =	sld [smem:$0x3FA8]  }
0x2f: {  	lr =	sadd.s32 s0, s3;
	s0 =	sld [smem:$0x3F9F]  }
0x30: {  	s3 =	sld [smem:$0x3FA2]  }
0x31: {  	[smem:$0x3FAB] =	sst s10  }
0x32: {  	s10 =	sld [smem:$0x3FA9];
	_ =	sdelay $0x3  }
0x33: {  	p0 =	seq.s32 s10, $0x1;
	s10 =	sld [smem:$0x3FAB];
	_ =	sdelay $0x3  }
0x34: {  	[smem:$0x3FAB] =	sst s10  }
0x35: {  	s10 =	sld [smem:$0x3FAA];
	_ =	sdelay $0x3  }
0x36: {  	p1 =	seq.s32 s10, $0x1;
	s10 =	sld [smem:$0x3FAB];
	_ =	sdelay $0x3  }
0x37: {  	[smem:$0x3FAB] =	sst s10  }
0x38: {  	s10 =	sld [smem:$0x3FAC]  }
0x39: {  	_ = 	snop;
	(pc) =	sbr.ind lr, $3  }
0x3a: {  	_ = 	snop  }
0x3b: {  	_ = 	snop  }
0x3c: {  	p2 =	seq.s32 s10, $0x1;
	s10 =	sld [smem:$0x3FAB]  }
0x3d: {  	_ =	shalt  }
0x3e: {  	_ =	shalt  }
0x3f: {  	_ =	shalt  }
0x40: {  	_ =	shalt  }
0x41: {  	_ =	shalt  }
0x42: {  	_ =	shalt  }
0x43: {  	_ =	shalt  }
0x44: {  	_ =	shalt  }
0x45: {  	_ =	shalt  }
0x46: {  	_ =	shalt  }
0x47: {  	_ =	shalt  }
0x48: {  	_ =	shalt  }
0x49: {  	_ =	shalt  }
0x4a: {  	_ =	shalt  }
0x4b: {  	_ =	shalt  }
0x4c: {  	_ =	shalt  }
0x4d: {  	_ =	shalt  }
0x4e: {  	_ =	shalt  }
0x4f: {  	_ =	shalt  }
0x50: {  	_ =	shalt  }
0x51: {  	_ =	shalt  }
0x52: {  	_ =	shalt  }
0x53: {  	_ =	shalt  }
0x54: {  	_ =	shalt  }
0x55: {  	_ =	shalt  }
0x56: {  	_ =	shalt  }
0x57: {  	_ =	shalt  }
0x58: {  	_ =	shalt  }
0x59: {  	_ =	shalt  }
0x5a: {  	_ =	shalt  }
0x5b: {  	_ =	shalt  }
0x5c: {  	_ =	shalt  }
0x5d: {  	_ =	shalt  }
0x5e: {  	_ =	shalt  }
0x5f: {  	_ =	shalt  }
0x60: {  	_ =	shalt  }
0x61: {  	_ =	shalt  }
0x62: {  	_ =	shalt  }
0x63: {  	_ =	shalt  }
0x64: {  	_ =	shalt  }
0x65: {  	_ =	shalt  }
0x66: {  	_ =	shalt  }
0x67: {  	_ =	shalt  }
0x68: {  	_ =	shalt  }
0x69: {  	_ =	shalt  }
0x6a: {  	_ =	shalt  }
0x6b: {  	_ =	shalt  }
0x6c: {  	_ =	shalt  }
0x6d: {  	_ =	shalt  }
0x6e: {  	_ =	shalt  }
0x6f: {  	_ =	shalt  }
0x70: {  	_ =	shalt  }
0x71: {  	_ =	shalt  }
0x72: {  	_ =	shalt  }
0x73: {  	_ =	shalt  }
0x74: {  	_ =	shalt  }
0x75: {  	_ =	shalt  }
0x76: {  	_ =	shalt  }
0x77: {  	_ =	shalt  }
0x78: {  	_ =	shalt  }
0x79: {  	_ =	shalt  }
0x7a: {  	_ =	shalt  }
0x7b: {  	_ =	shalt  }
0x7c: {  	_ =	shalt  }
0x7d: {  	_ =	shalt  }
0x7e: {  	_ =	shalt  }
0x7f: {  	_ =	shalt  }
0x80: {  	_ =	shalt  }
0x81: {  	_ =	shalt  }
0x82: {  	_ =	shalt  }
0x83: {  	_ =	shalt  }
0x84: {  	_ =	shalt  }
0x85: {  	_ =	shalt  }
0x86: {  	_ =	shalt  }
0x87: {  	_ =	shalt  }
.Lfunc_end0:
.L_simem_size_0:
called_computation.1_lowered:
.L_overlay_start_0:
0x88: {  	s2 =	sld [smem:$0x3FD9]  }
0x89: {  	s3 =	sld [smem:$0x3FFE];
	_ =	sdelay $0x1  }
0x8a: {  	s1 =	srdreg.scid  }
0x8b: {  	s0 =	sand.u32 $0x1, s1  }
0x8c: {  	s14 =	sshll.u32 s0, $0xA;
	s2 =	sadd.s32 s3, s2  }
0x8d: {  	s2 =	sadd.s32 s2, s14  }
0x8e: {  	[smem:$0x3FB7] =	sst s2  }
0x8f: {  	_ = 	snop  }
0x90: {  	s2 =	sld [smem:$0x3FD0];
	_ =	sdelay $0x2  }
0x91: {  	s15 =	simm.s32 $0xA;
	s4 =	simm.s32 $0x10  }
0x92: {  	[smem:s4], [sflag:s15] =	dma.local [hbm:s2], $0x1  }
0x93: {  	_ =	swait.eq [sflag:s15], $0x1  }
0x94: {  	[sflag:s15] =	ssyncset.done $0x0  }
0x95: {  	[sflag:s15] =	ssyncadd.s32 $0xFFFFFFFF  }
0x96: {  	s16 =	sld [smem:$0x12];
	(tm) =	ssettm $0x1  }
0x97: {  	s17 =	sld [smem:$0x3FFB];
	_ =	sdelay $0x3  }
0x98: {  	_ =	strace s17  }
0x99: {  	s3 =	sld [smem:$0x3FFC];
	_ =	sdelay $0x3  }
0x9a: {  	_ =	strace s3  }
0x9b: {  	s3 =	sld [smem:$0x3FFD];
	_ =	sdelay $0x3  }
0x9c: {  	_ =	strace s3  }
0x9d: {  	_ =	strace $0x8FFFFFFF  }
0x9e: {  	s18 =	sld [smem:$0x3FDB];
	_ =	sdelay $0x1  }
0x9f: {  	s19 =	simm.s32 $_scs_section_size  }
0xa0: {  	s5 =	simm.s32 $_size__tile_overlayer_lowered;
	s6 =	simm.s32 $_tile_overlayer_lowered  }
0xa1: {  	s22 =	simm.s32 $0x1BFF;
	s21 =	sshll.u32 s6, $0x1;
	s3 =	sadd.s32 s19, s18  }
0xa2: {  	s7 =	simm.s32 $0x0;
	s20 =	sshll.u32 s5, $0x1;
	s5 =	sadd.s32 s21, s3  }
0xa3: {  	[timem:s7], [sflag:s22] =	dma.local [hbm:s5], s20  }
0xa4: {  	_ =	swait.ge [sflag:s22], s20  }
0xa5: {  	s4 =	ssub.s32 $0x0, s20;
	[sflag:s22] =	ssyncset.done $0x0  }
0xa6: {  	[sflag:s22] =	ssyncadd.s32 s4;
	_ =	sdelay $0x1  }
0xa7: {  	s23 =	simm.s32 $0x1B8B  }
0xa8: {  	_ =	swait.ge [sflag:s23], $0x1  }
0xa9: {  	[sflag:s23] =	ssyncset.done $0x0  }
0xaa: {  	s25 =	simm.s32 $0x1B8E;
	s24 =	sld [smem:$0x3FFE];
	[sflag:s23] =	ssyncadd.s32 $0xFFFFFFFF  }
0xab: {  	s26 =	simm.s32 $execute0_lowered;
	[smem:$0x3FD2] =	sst s25  }
0xac: {  	s5 =	sshll.u32 s26, $0x1;
	_ =	strace $0x80000049;
	[dreg:$0x1] =	wrdreg $0xFFFFFFFF  }
0xad: {  	s28 =	simm.s32 $_size_execute0_lowered;
	s3 =	sadd.s32 s3, s5;
	[dreg:$0x0] =	wrdreg $0x0  }
0xae: {  	s5 =	sshll.u32 s28, $0x1;
	[dreg:$0x2] =	wrdreg s3  }
0xaf: {  	[dreg:$0x3] =	wrdreg s5  }
0xb0: {  	[dreg:$0x4] =	wrdreg $0xC0  }
0xb1: {  	_ =	task [dreg:s7], $0x5FFFF  }
0xb2: {  	[dreg:$0x1] =	wrdreg $0xFFFFFFFF  }
0xb3: {  	[dreg:$0x0] =	wrdreg $0x60  }
0xb4: {  	[dreg:$0x2] =	wrdreg s16  }
0xb5: {  	[dreg:$0x3] =	wrdreg s24  }
0xb6: {  	[dreg:$0x4] =	wrdreg $0xB0000  }
0xb7: {  	[dreg:$0x5] =	wrdreg $0x9  }
0xb8: {  	_ =	task.clear_ibuf [dreg:s7], $0x6FFFF;
	_ =	strace $0x90000049  }
0xb9: {  	s29 =	simm.s32 $0x9;
	_ =	strace $0x8000004B  }
0xba: {  	_ =	swait.ge [sflag:s29], $0x1  }
0xbb: {  	[sflag:s29] =	ssyncadd.s32 $0xFFFFFFFF  }
0xbc: {  	_ =	strace $0x9000004B  }
0xbd: {  	_ =	sfence  }
0xbe: {  	s30 =	sld [smem:$0x0];
	_ =	sdelay $0x2  }
0xbf: {  	s31 =	sshll.u32 s1, $0xD;
	s1 =	sshrl.u32 s1, $0x2  }
0xc0: {  	s3 =	sand.u32 $0x4000, s31;
	s1 =	sadd.s32 s1, s30  }
0xc1: {  	s0 =	sor.u32 s3, s0;
	s1 =	sshll.u32 s1, $0x11  }
0xc2: {  	s0 =	sor.u32 s1, s0  }
0xc3: {  	s0 =	sadd.s32 $0x8F2B, s0  }
0xc4: {  	[sflag:s0] =	ssyncadd.remote.s32 $0x1  }
0xc5: {  	_ =	sfence.sel $0xFFFF  }
0xc6: {  	[dreg:$0x0] =	wrdreg $0xFFFFFFFF;
	(pc) =	sbr.abs _section_cstart, $3  }
0xc7: {  	[dreg:$0x1] =	wrdreg $0xFFFFFFFF  }
0xc8: {  	_ =	task.clear_ibuf [dreg:s7], $0x2FFFF;
	_ =	strace $0x9FFFFFFF  }
0xc9: {  	(tm) =	ssettm $0x7FFFFFFF  }
tec
execute0_lowered:
.L_overlay_start_1:
0x0: {  	(tag) =	ssettag $0x1  }
0x1: {  	s1 =	rddreg [dreg:$0x0]  }
0x2: {  	s2 =	srdreg.scid;
	s6 =	rddreg [dreg:$0x1]  }
0x3: {  	s0 =	stileid.u32;
	s3 =	rddreg [dreg:$0x2];
	s4 =	simm.s32 $0x0  }
0x4: {  	s13 =	simm.s32 $0x2800;
	s14 =	simm.s32 $0x3000;
	s15 =	simm.s32 $0x2900  }
0x5: {  	s16 =	simm.s32 $0x7000;
	s17 =	simm.s32 $0x1;
	s18 =	simm.s32 $0x2880  }
0x6: {  	s19 =	simm.s32 $0x2;
	s20 =	simm.s32 $0x2980;
	s21 =	simm.s32 $0x0  }
0x7: {  	s5 =	sand.u32 $0x1, s2;
	s26 =	sshll.u32 s0, $0x1;
	s8 =	smul.u32 $0x14000, s0  }
0x8: {  	[smem:$0x7FF] =	sst s4;
	s28 =	smul.u32 $0x50000, s0;
	s31 =	sshll.u32 s0, $0x6  }
0x9: {  	s2 =	sor.u32 s5, s26;
	s9 =	smul.u32 $0x140000, s5;
	s5 =	ssub.s32 $0x2, s5  }
0xa: {  	s7 =	smul.u32 $0x500, s2;
	s2 =	rddreg [dreg:$0x3];
	_ =	strace $0x8000004A  }
0xb: {  	s10 =	sshrl.u32 s8, $0x3;
	s29 =	sshrl.u32 s5, $0x1;
	s30 =	sshrl.u32 s28, $0x2  }
0xc: {  	s8 =	sadd.s32 s8, s9;
	s10 =	sadd.s32 s10, s6;
	s11 =	ssub.s32 s5, s29  }
0xd: {  	s12 =	sadd.s32 s30, s3;
	s7 =	sadd.s32 s7, s6;
	s8 =	sshrl.u32 s8, $0x3  }
0xe: {  	s5 =	sadd.s32 $0xD400, s10;
	s9 =	smax.u32 s11, $0x1;
	s10 =	sshrl.u32 s12, $0x3  }
0xf: {  	s11 =	simm.s32 $0x3;
	s12 =	simm.s32 $0x80;
	s8 =	sadd.s32 s8, s6  }
0x10: {  	s6 =	sor.u32 $0x1C03, s31;
	s7 =	sadd.s32 $0x3400, s7;
	s8 =	sadd.s32 $0x35400, s8  }
.LBB2_1:
0x11: {  	[spmem:s10], [sflag:s6] =	dma.local [hbm:s5], $0x2800  }
0x12: {  	_ =	swait.ge [sflag:s11], $0x2800  }
0x13: {  	[sflag:s11] =	ssyncset.done $0x0  }
0x14: {  	[sflag:s11] =	ssyncadd.s32 $0xFFFFD800  }
0x15: {  	[tilespmem:s4], [sflag:$0x3] =	stream.linear.gather [hbm4b:s7+s4], $0x2800, $0x38;
	[tilespmem:$0x1F000] =	vst v63  }
0x16: {  	_ =	swait.ge [sflag:s11], $0x2800  }
0x17: {  	[sflag:s11] =	ssyncset.done $0x0  }
0x18: {  	[sflag:s11] =	ssyncadd.s32 $0xFFFFD800  }
0x19: {  	[bflag:$0x0] =	sbarrier.arrive $0xFFFF  }
0x1a: {  	v0 =	vld [tilespmem:$0x0];
	_ =	sdelay $0x1  }
0x1b: {  	v1 =	vld [tilespmem:$0x10];
	_ =	sdelay $0x1  }
0x1c: {  	v2 =	vld [tilespmem:$0x20]  }
0x1d: {  	v3 =	vand.u32 $0xFFFF, v0  }
0x1e: {  	v0 =	vshrl.u32 v0, $0x10;
	[tilespmem:$0x2800] =	vst v3;
	v3 =	vld [tilespmem:$0x30]  }
0x1f: {  	[tilespmem:$0x2880] =	vst v0;
	v0 =	vand.u32 $0xFFFF, v1  }
0x20: {  	[tilespmem:$0x2810] =	vst v0;
	v0 =	vshrl.u32 v1, $0x10;
	v1 =	vld [tilespmem:$0x40]  }
0x21: {  	[tilespmem:$0x2890] =	vst v0;
	v0 =	vand.u32 $0xFFFF, v2  }
0x22: {  	[tilespmem:$0x2820] =	vst v0;
	v0 =	vshrl.u32 v2, $0x10;
	v2 =	vld [tilespmem:$0x50]  }
0x23: {  	[tilespmem:$0x28A0] =	vst v0;
	v0 =	vand.u32 $0xFFFF, v3  }
0x24: {  	[tilespmem:$0x2830] =	vst v0;
	v0 =	vshrl.u32 v3, $0x10;
	v3 =	vld [tilespmem:$0x60]  }
0x25: {  	[tilespmem:$0x28B0] =	vst v0;
	v0 =	vand.u32 $0xFFFF, v1  }
0x26: {  	[tilespmem:$0x2840] =	vst v0;
	v0 =	vshrl.u32 v1, $0x10;
	v1 =	vld [tilespmem:$0x70]  }
0x27: {  	[tilespmem:$0x28C0] =	vst v0;
	v0 =	vand.u32 $0xFFFF, v2  }
0x28: {  	[tilespmem:$0x2850] =	vst v0;
	v0 =	vshrl.u32 v2, $0x10  }
0x29: {  	[tilespmem:$0x28D0] =	vst v0;
	v0 =	vand.u32 $0xFFFF, v3  }
0x2a: {  	[tilespmem:$0x2860] =	vst v0;
	v0 =	vshrl.u32 v3, $0x10  }
0x2b: {  	[tilespmem:$0x28E0] =	vst v0;
	v0 =	vand.u32 $0xFFFF, v1  }
0x2c: {  	[tilespmem:$0x2870] =	vst v0;
	v0 =	vshrl.u32 v1, $0x10  }
0x2d: {  	s22 =	simm.s32 $0x0;
	[tilespmem:$0x28F0] =	vst v0  }
0x2e: {  	[tilespmem:s14], [sflag:$0x1] =	stream.indirect.gather [hbm4b:s1+s12], $0x80, s13, s12, $0xb8;
	[tilespmem:$0x1F000] =	vst v63  }
0x2f: {  	v0 =	vld [tilespmem:s22+$0x80];
	_ =	sdelay $0x4  }
0x30: {  	v1 =	vand.u32 $0xFFFF, v0  }
0x31: {  	v0 =	vshrl.u32 v0, $0x10;
	[tilespmem:$0x2900] =	vst v1  }
0x32: {  	[tilespmem:$0x2980] =	vst v0  }
0x33: {  	v0 =	vld [tilespmem:s22+$0x90];
	_ =	sdelay $0x4  }
0x34: {  	v1 =	vand.u32 $0xFFFF, v0  }
0x35: {  	v0 =	vshrl.u32 v0, $0x10;
	[tilespmem:$0x2910] =	vst v1  }
0x36: {  	[tilespmem:$0x2990] =	vst v0  }
0x37: {  	v0 =	vld [tilespmem:s22+$0xA0];
	_ =	sdelay $0x4  }
0x38: {  	v1 =	vand.u32 $0xFFFF, v0  }
0x39: {  	v0 =	vshrl.u32 v0, $0x10;
	[tilespmem:$0x2920] =	vst v1  }
0x3a: {  	[tilespmem:$0x29A0] =	vst v0  }
0x3b: {  	v0 =	vld [tilespmem:s22+$0xB0];
	_ =	sdelay $0x4  }
0x3c: {  	v1 =	vand.u32 $0xFFFF, v0  }
0x3d: {  	v0 =	vshrl.u32 v0, $0x10;
	[tilespmem:$0x2930] =	vst v1  }
0x3e: {  	[tilespmem:$0x29B0] =	vst v0  }
0x3f: {  	v0 =	vld [tilespmem:s22+$0xC0];
	_ =	sdelay $0x4  }
0x40: {  	v1 =	vand.u32 $0xFFFF, v0  }
0x41: {  	v0 =	vshrl.u32 v0, $0x10;
	[tilespmem:$0x2940] =	vst v1  }
0x42: {  	[tilespmem:$0x29C0] =	vst v0  }
0x43: {  	v0 =	vld [tilespmem:s22+$0xD0];
	_ =	sdelay $0x4  }
0x44: {  	v1 =	vand.u32 $0xFFFF, v0  }
0x45: {  	v0 =	vshrl.u32 v0, $0x10;
	[tilespmem:$0x2950] =	vst v1  }
0x46: {  	[tilespmem:$0x29D0] =	vst v0  }
0x47: {  	v0 =	vld [tilespmem:s22+$0xE0];
	_ =	sdelay $0x4  }
0x48: {  	v1 =	vand.u32 $0xFFFF, v0  }
0x49: {  	v0 =	vshrl.u32 v0, $0x10;
	[tilespmem:$0x2960] =	vst v1  }
0x4a: {  	[tilespmem:$0x29E0] =	vst v0  }
0x4b: {  	v0 =	vld [tilespmem:s22+$0xF0];
	_ =	sdelay $0x4  }
0x4c: {  	v1 =	vand.u32 $0xFFFF, v0  }
0x4d: {  	v0 =	vshrl.u32 v0, $0x10;
	[tilespmem:$0x2970] =	vst v1  }
0x4e: {  	[tilespmem:$0x29F0] =	vst v0  }
0x4f: {  	[tilespmem:s16], [sflag:$0x2] =	stream.indirect.gather [hbm4b:s1+s12], $0x80, s15, s12, $0xb8;
	[tilespmem:$0x1F000] =	vst v63  }
0x50: {  	_ =	swait.ge [sflag:s17], $0x4000  }
0x51: {  	[sflag:s17] =	ssyncset.done $0x0  }
0x52: {  	[sflag:s17] =	ssyncadd.s32 $0xFFFFC000  }
0x53: {  	[spmem:s3] =	stream.indirect.scatter.add.f32 [tilespmem:s14], [sflag:$0x3], $0x80, s18, s12, $0xb8;
	[tilespmem:$0x1F000] =	vst v63  }
0x54: {  	_ =	swait.ge [sflag:s11], $0x4000  }
0x55: {  	[sflag:s11] =	ssyncset.done $0x0  }
0x56: {  	[sflag:s11] =	ssyncadd.s32 $0xFFFFC000  }
0x57: {  	v0 =	vld [tilespmem:s22+$0x100];
	_ =	sdelay $0x4  }
0x58: {  	v1 =	vand.u32 $0xFFFF, v0  }
0x59: {  	v0 =	vshrl.u32 v0, $0x10;
	[tilespmem:$0x2800] =	vst v1  }
0x5a: {  	[tilespmem:$0x2880] =	vst v0  }
0x5b: {  	v0 =	vld [tilespmem:s22+$0x110];
	_ =	sdelay $0x4  }
0x5c: {  	v1 =	vand.u32 $0xFFFF, v0  }
0x5d: {  	v0 =	vshrl.u32 v0, $0x10;
	[tilespmem:$0x2810] =	vst v1  }
0x5e: {  	[tilespmem:$0x2890] =	vst v0  }
0x5f: {  	v0 =	vld [tilespmem:s22+$0x120];
	_ =	sdelay $0x4  }
0x60: {  	v1 =	vand.u32 $0xFFFF, v0  }
0x61: {  	v0 =	vshrl.u32 v0, $0x10;
	[tilespmem:$0x2820] =	vst v1  }
0x62: {  	[tilespmem:$0x28A0] =	vst v0  }
0x63: {  	v0 =	vld [tilespmem:s22+$0x130];
	_ =	sdelay $0x4  }
0x64: {  	v1 =	vand.u32 $0xFFFF, v0  }
0x65: {  	v0 =	vshrl.u32 v0, $0x10;
	[tilespmem:$0x2830] =	vst v1  }
0x66: {  	[tilespmem:$0x28B0] =	vst v0  }
0x67: {  	v0 =	vld [tilespmem:s22+$0x140];
	_ =	sdelay $0x4  }
0x68: {  	v1 =	vand.u32 $0xFFFF, v0  }
0x69: {  	v0 =	vshrl.u32 v0, $0x10;
	[tilespmem:$0x2840] =	vst v1  }
0x6a: {  	[tilespmem:$0x28C0] =	vst v0  }
0x6b: {  	v0 =	vld [tilespmem:s22+$0x150];
	_ =	sdelay $0x4  }
0x6c: {  	v1 =	vand.u32 $0xFFFF, v0  }
0x6d: {  	v0 =	vshrl.u32 v0, $0x10;
	[tilespmem:$0x2850] =	vst v1  }
0x6e: {  	[tilespmem:$0x28D0] =	vst v0  }
0x6f: {  	v0 =	vld [tilespmem:s22+$0x160];
	_ =	sdelay $0x4  }
0x70: {  	v1 =	vand.u32 $0xFFFF, v0  }
0x71: {  	s23 =	simm.s32 $0x400;
	v0 =	vshrl.u32 v0, $0x10;
	[tilespmem:$0x2860] =	vst v1  }
.LBB2_2:
0x72: {  	p0 =	sne.s32 s23, $0x9800;
	[tilespmem:$0x28E0] =	vst v0;
	s24 =	smov.u32 s23;
	s23 =	sadd.s32 $0x400, s23  }
0x73: {  	v0 =	vld [tilespmem:s22+$0x170];
	_ =	sdelay $0x4  }
0x74: {  	v1 =	vand.u32 $0xFFFF, v0;
	v0 =	vshrl.u32 v0, $0x10  }
0x75: {  	[tilespmem:$0x2870] =	vst v1  }
0x76: {  	[tilespmem:$0x28F0] =	vst v0  }
0x77: {  	[tilespmem:s14], [sflag:$0x1] =	stream.indirect.gather [hbm4b:s1+s12], $0x80, s13, s12, $0xb8;
	[tilespmem:$0x1F000] =	vst v63  }
0x78: {  	_ =	swait.ge [sflag:s19], $0x4000  }
0x79: {  	[sflag:s19] =	ssyncset.done $0x0  }
0x7a: {  	[sflag:s19] =	ssyncadd.s32 $0xFFFFC000  }
0x7b: {  	[spmem:s3] =	stream.indirect.scatter.add.f32 [tilespmem:s16], [sflag:$0x3], $0x80, s20, s12, $0xb8;
	[tilespmem:$0x1F000] =	vst v63  }
0x7c: {  	_ =	swait.ge [sflag:s11], $0x4000  }
0x7d: {  	[sflag:s11] =	ssyncset.done $0x0  }
0x7e: {  	s22 =	sshra.s32 s24, $0x2;
	[sflag:s11] =	ssyncadd.s32 $0xFFFFC000  }
0x7f: {  	v0 =	vld [tilespmem:s22+$0x80];
	_ =	sdelay $0x4  }
0x80: {  	v1 =	vand.u32 $0xFFFF, v0;
	v0 =	vshrl.u32 v0, $0x10  }
0x81: {  	[tilespmem:$0x2900] =	vst v1  }
0x82: {  	[tilespmem:$0x2980] =	vst v0  }
0x83: {  	v0 =	vld [tilespmem:s22+$0x90];
	_ =	sdelay $0x4  }
0x84: {  	v1 =	vand.u32 $0xFFFF, v0;
	v0 =	vshrl.u32 v0, $0x10  }
0x85: {  	[tilespmem:$0x2910] =	vst v1  }
0x86: {  	[tilespmem:$0x2990] =	vst v0  }
0x87: {  	v0 =	vld [tilespmem:s22+$0xA0];
	_ =	sdelay $0x4  }
0x88: {  	v1 =	vand.u32 $0xFFFF, v0;
	v0 =	vshrl.u32 v0, $0x10  }
0x89: {  	[tilespmem:$0x2920] =	vst v1  }
0x8a: {  	[tilespmem:$0x29A0] =	vst v0  }
0x8b: {  	v0 =	vld [tilespmem:s22+$0xB0];
	_ =	sdelay $0x4  }
0x8c: {  	v1 =	vand.u32 $0xFFFF, v0;
	v0 =	vshrl.u32 v0, $0x10  }
0x8d: {  	[tilespmem:$0x2930] =	vst v1  }
0x8e: {  	[tilespmem:$0x29B0] =	vst v0  }
0x8f: {  	v0 =	vld [tilespmem:s22+$0xC0];
	_ =	sdelay $0x4  }
0x90: {  	v1 =	vand.u32 $0xFFFF, v0;
	v0 =	vshrl.u32 v0, $0x10  }
0x91: {  	[tilespmem:$0x2940] =	vst v1  }
0x92: {  	[tilespmem:$0x29C0] =	vst v0  }
0x93: {  	v0 =	vld [tilespmem:s22+$0xD0];
	_ =	sdelay $0x4  }
0x94: {  	v1 =	vand.u32 $0xFFFF, v0;
	v0 =	vshrl.u32 v0, $0x10  }
0x95: {  	[tilespmem:$0x2950] =	vst v1  }
0x96: {  	[tilespmem:$0x29D0] =	vst v0  }
0x97: {  	v0 =	vld [tilespmem:s22+$0xE0];
	_ =	sdelay $0x4  }
0x98: {  	v1 =	vand.u32 $0xFFFF, v0;
	v0 =	vshrl.u32 v0, $0x10  }
0x99: {  	[tilespmem:$0x2960] =	vst v1  }
0x9a: {  	[tilespmem:$0x29E0] =	vst v0  }
0x9b: {  	v0 =	vld [tilespmem:s22+$0xF0];
	_ =	sdelay $0x4  }
0x9c: {  	v1 =	vand.u32 $0xFFFF, v0;
	v0 =	vshrl.u32 v0, $0x10  }
0x9d: {  	[tilespmem:$0x2970] =	vst v1  }
0x9e: {  	[tilespmem:$0x29F0] =	vst v0  }
0x9f: {  	[tilespmem:s16], [sflag:$0x2] =	stream.indirect.gather [hbm4b:s1+s12], $0x80, s15, s12, $0xb8;
	[tilespmem:$0x1F000] =	vst v63  }
0xa0: {  	_ =	swait.ge [sflag:s17], $0x4000  }
0xa1: {  	[sflag:s17] =	ssyncset.done $0x0  }
0xa2: {  	[sflag:s17] =	ssyncadd.s32 $0xFFFFC000  }
0xa3: {  	[spmem:s3] =	stream.indirect.scatter.add.f32 [tilespmem:s14], [sflag:$0x3], $0x80, s18, s12, $0xb8;
	[tilespmem:$0x1F000] =	vst v63  }
0xa4: {  	_ =	swait.ge [sflag:s11], $0x4000  }
0xa5: {  	[sflag:s11] =	ssyncset.done $0x0  }
0xa6: {  	[sflag:s11] =	ssyncadd.s32 $0xFFFFC000  }
0xa7: {  	v0 =	vld [tilespmem:s22+$0x100];
	_ =	sdelay $0x4  }
0xa8: {  	v1 =	vand.u32 $0xFFFF, v0;
	v0 =	vshrl.u32 v0, $0x10  }
0xa9: {  	[tilespmem:$0x2800] =	vst v1  }
0xaa: {  	[tilespmem:$0x2880] =	vst v0  }
0xab: {  	v0 =	vld [tilespmem:s22+$0x110];
	_ =	sdelay $0x4  }
0xac: {  	v1 =	vand.u32 $0xFFFF, v0;
	v0 =	vshrl.u32 v0, $0x10  }
0xad: {  	[tilespmem:$0x2810] =	vst v1  }
0xae: {  	[tilespmem:$0x2890] =	vst v0  }
0xaf: {  	v0 =	vld [tilespmem:s22+$0x120];
	_ =	sdelay $0x4  }
0xb0: {  	v1 =	vand.u32 $0xFFFF, v0;
	v0 =	vshrl.u32 v0, $0x10  }
0xb1: {  	[tilespmem:$0x2820] =	vst v1  }
0xb2: {  	[tilespmem:$0x28A0] =	vst v0  }
0xb3: {  	v0 =	vld [tilespmem:s22+$0x130];
	_ =	sdelay $0x4  }
0xb4: {  	v1 =	vand.u32 $0xFFFF, v0;
	v0 =	vshrl.u32 v0, $0x10  }
0xb5: {  	[tilespmem:$0x2830] =	vst v1  }
0xb6: {  	[tilespmem:$0x28B0] =	vst v0  }
0xb7: {  	v0 =	vld [tilespmem:s22+$0x140];
	_ =	sdelay $0x4  }
0xb8: {  	v1 =	vand.u32 $0xFFFF, v0;
	v0 =	vshrl.u32 v0, $0x10  }
0xb9: {  	[tilespmem:$0x2840] =	vst v1  }
0xba: {  	[tilespmem:$0x28C0] =	vst v0  }
0xbb: {  	v0 =	vld [tilespmem:s22+$0x150];
	_ =	sdelay $0x4  }
0xbc: {  	v1 =	vand.u32 $0xFFFF, v0;
	v0 =	vshrl.u32 v0, $0x10  }
0xbd: {  	[tilespmem:$0x2850] =	vst v1  }
0xbe: {  	[tilespmem:$0x28D0] =	vst v0  }
0xbf: {  	v0 =	vld [tilespmem:s22+$0x160];
	_ =	sdelay $0x1  }
.Ltmp0:
0xc0: {  	(pc) =	sbr.rel @p0 .LBB2_2-.Ltmp0, $3  }
0xc1: {  	_ =	sdelay $0x1  }
0xc2: {  	v1 =	vand.u32 $0xFFFF, v0;
	v0 =	vshrl.u32 v0, $0x10  }
0xc3: {  	[tilespmem:$0x2860] =	vst v1  }
0xc4: {  	[tilespmem:$0x28E0] =	vst v0  }
0xc5: {  	v0 =	vld [tilespmem:s22+$0x170];
	_ =	sdelay $0x4  }
0xc6: {  	v1 =	vand.u32 $0xFFFF, v0  }
0xc7: {  	v0 =	vshrl.u32 v0, $0x10;
	[tilespmem:$0x2870] =	vst v1  }
0xc8: {  	[tilespmem:$0x28F0] =	vst v0  }
0xc9: {  	[tilespmem:s14], [sflag:$0x1] =	stream.indirect.gather [hbm4b:s1+s12], $0x80, s13, s12, $0xb8;
	[tilespmem:$0x1F000] =	vst v63  }
0xca: {  	_ =	swait.ge [sflag:s19], $0x4000  }
0xcb: {  	[sflag:s19] =	ssyncset.done $0x0  }
0xcc: {  	[sflag:s19] =	ssyncadd.s32 $0xFFFFC000  }
0xcd: {  	[spmem:s3] =	stream.indirect.scatter.add.f32 [tilespmem:s16], [sflag:$0x3], $0x80, s20, s12, $0xb8;
	[tilespmem:$0x1F000] =	vst v63  }
0xce: {  	_ =	swait.ge [sflag:s11], $0x4000  }
0xcf: {  	[sflag:s11] =	ssyncset.done $0x0  }
0xd0: {  	[sflag:s11] =	ssyncadd.s32 $0xFFFFC000  }
0xd1: {  	v43 =	vld [tilespmem:$0x2780];
	_ =	sdelay $0x1  }
0xd2: {  	v44 =	vld [tilespmem:$0x2790];
	_ =	sdelay $0x1  }
0xd3: {  	v2 =	vld [tilespmem:$0x27A0]  }
0xd4: {  	v3 =	vand.u32 $0xFFFF, v43  }
0xd5: {  	v45 =	vld [tilespmem:$0x27B0];
	v0 =	vshrl.u32 v43, $0x10;
	[tilespmem:$0x2900] =	vst v3  }
0xd6: {  	v46 =	vand.u32 $0xFFFF, v44;
	[tilespmem:$0x2980] =	vst v0  }
0xd7: {  	v48 =	vld [tilespmem:$0x27C0];
	v47 =	vshrl.u32 v44, $0x10;
	[tilespmem:$0x2910] =	vst v46  }
0xd8: {  	v49 =	vand.u32 $0xFFFF, v2;
	[tilespmem:$0x2990] =	vst v47  }
0xd9: {  	v51 =	vld [tilespmem:$0x27D0];
	v50 =	vshrl.u32 v2, $0x10;
	[tilespmem:$0x2920] =	vst v49  }
0xda: {  	v52 =	vand.u32 $0xFFFF, v45;
	[tilespmem:$0x29A0] =	vst v50  }
0xdb: {  	v54 =	vld [tilespmem:$0x27E0];
	v53 =	vshrl.u32 v45, $0x10;
	[tilespmem:$0x2930] =	vst v52  }
0xdc: {  	v55 =	vand.u32 $0xFFFF, v48;
	[tilespmem:$0x29B0] =	vst v53  }
0xdd: {  	v57 =	vld [tilespmem:$0x27F0];
	v56 =	vshrl.u32 v48, $0x10;
	[tilespmem:$0x2940] =	vst v55  }
0xde: {  	v58 =	vand.u32 $0xFFFF, v51;
	[tilespmem:$0x29C0] =	vst v56  }
0xdf: {  	v59 =	vshrl.u32 v51, $0x10;
	[tilespmem:$0x2950] =	vst v58  }
0xe0: {  	v60 =	vand.u32 $0xFFFF, v54;
	[tilespmem:$0x29D0] =	vst v59  }
0xe1: {  	v61 =	vshrl.u32 v54, $0x10;
	[tilespmem:$0x2960] =	vst v60  }
0xe2: {  	v62 =	vand.u32 $0xFFFF, v57;
	[tilespmem:$0x29E0] =	vst v61  }
0xe3: {  	v63 =	vshrl.u32 v57, $0x10;
	[tilespmem:$0x2970] =	vst v62  }
0xe4: {  	[tilespmem:$0x29F0] =	vst v63  }
0xe5: {  	[tilespmem:s16], [sflag:$0x2] =	stream.indirect.gather [hbm4b:s1+s12], $0x80, s15, s12, $0xb8;
	[tilespmem:$0x1F000] =	vst v63  }
0xe6: {  	_ =	swait.ge [sflag:s17], $0x4000  }
0xe7: {  	[sflag:s17] =	ssyncset.done $0x0  }
0xe8: {  	[sflag:s17] =	ssyncadd.s32 $0xFFFFC000  }
0xe9: {  	[spmem:s3] =	stream.indirect.scatter.add.f32 [tilespmem:s14], [sflag:$0x3], $0x80, s18, s12, $0xb8;
	[tilespmem:$0x1F000] =	vst v63  }
0xea: {  	_ =	swait.ge [sflag:s11], $0x4000  }
0xeb: {  	[sflag:s11] =	ssyncset.done $0x0  }
0xec: {  	[sflag:s11] =	ssyncadd.s32 $0xFFFFC000  }
0xed: {  	_ =	swait.ge [sflag:s19], $0x4000  }
0xee: {  	[sflag:s19] =	ssyncset.done $0x0  }
0xef: {  	[sflag:s19] =	ssyncadd.s32 $0xFFFFC000  }
0xf0: {  	[spmem:s3] =	stream.indirect.scatter.add.f32 [tilespmem:s16], [sflag:$0x3], $0x80, s20, s12, $0xb8;
	[tilespmem:$0x1F000] =	vst v63  }
0xf1: {  	_ =	swait.ge [sflag:s11], $0x4000  }
0xf2: {  	s21 =	sadd.s32 $0x1, s21;
	[sflag:s11] =	ssyncset.done $0x0  }
0xf3: {  	p0 =	sne.s32 s21, s9;
	[sflag:s11] =	ssyncadd.s32 $0xFFFFC000  }
.Ltmp1:
0xf4: {  	[bflag:$0x0] =	sbarrier.arrive $0xFFFF;
	(pc) =	sbr.rel @p0 .LBB2_1-.Ltmp1, $4  }
0xf5: {  	[hbm:s8], [sflag:s6] =	dma.local [spmem:s10], $0x2800  }
0xf6: {  	_ =	swait.ge [sflag:s11], $0x2800  }
0xf7: {  	[sflag:s11] =	ssyncset.done $0x0  }
0xf8: {  	[sflag:s11] =	ssyncadd.s32 $0xFFFFD800  }
0xf9: {  	_ =	sfence.sel $0x180000  }
0xfa: {  	[bflag:$0x0] =	sbarrier.arrive $0xFFFF  }
0xfb: {  	p0 =	sne.s32 s0, $0x0;
	_ =	strace $0x9000004A  }
0xfc: {  	s0 =	sadd.s32 @!p0 $0x100000, s2;
	[bflag:$0x2] =	sbarrier.arrive $0xFFFF  }
0xfd: {  	[sflag:s0] =	ssyncadd.tile.s32 @!p0 $0x1;
	_ =	shalt  }
.Lfunc_end2:
_tile_overlayer_lowered:
.L_overlay_start_2:
0xfe: {  	(tag) =	ssettag $0x2  }
0xff: {  	s0 =	rddreg [dreg:$0x0];
	s2 =	stileid.u32  }
0x100: {  	s1 =	rddreg [dreg:$0x1];
	p0 =	sne.s32 s2, $0x0  }
0x101: {  	s3 =	rddreg [dreg:$0x2];
	[bflag:$0x3] =	sbarrier.arrive $0xFFFF;
	s2 =	simm.s32 @!p0 $0x1C03  }
0x102: {  	[timem:s3], [sflag:s2] =	dma.local @!p0 [hbm:s0], s1  }
0x103: {  	s0 =	simm.s32 @!p0 $0x3  }
0x104: {  	_ =	swait.ge @!p0 [sflag:s0], s1  }
0x105: {  	s1 =	ssub.s32 @!p0 $0x0, s1;
	[sflag:s0] =	ssyncset.done @!p0 $0x0  }
0x106: {  	[sflag:s0] =	ssyncadd.s32 @!p0 s1  }
0x107: {  	[bflag:$0x3] =	sbarrier.arrive $0xFFFF  }
0x108: {  	_ =	shalt  }

// kernel: kernel.7.cloned.1.call-start
scs
__scs_entry_jumppad:
0x0: {  	(pc) =	sbr.rel $0x88, $3  }
0x1: {  	(tag) =	ssettag $0x0;
	lr =	simm.s32 $0x1  }
0x2: {  	[smem:$0x3F90] =	sst lr;
	_ =	strace $0xD0000000  }
0x3: {  	_ = 	snop  }
0x4: {  	_ = 	snop  }
0x5: {  	_ = 	snop  }
0x6: {  	_ = 	snop  }
0x7: {  	_ = 	snop  }
__scs_overlays_trampoline_lowered:
0x8: {  	[smem:$0x3F9F] =	sst s0  }
0x9: {  	[smem:$0x3FA0] =	sst s1  }
0xa: {  	[smem:$0x3FA1] =	sst s2  }
0xb: {  	[smem:$0x3FA2] =	sst s3  }
0xc: {  	[smem:$0x3FA3] =	sst s4  }
0xd: {  	[smem:$0x3FA4] =	sst s5  }
0xe: {  	[smem:$0x3FA5] =	sst s6  }
0xf: {  	[smem:$0x3FA6] =	sst s7  }
0x10: {  	[smem:$0x3FA7] =	sst s8  }
0x11: {  	[smem:$0x3FA8] =	sst s9;
	s0 =	simm.s32 @!p0 $0x0  }
0x12: {  	s1 =	sld [smem:$0x3F8E];
	s0 =	simm.s32 @p0 $0x1  }
0x13: {  	[smem:$0x3FA9] =	sst s0;
	s0 =	simm.s32 @!p1 $0x0  }
0x14: {  	s2 =	sld [smem:$0x3F8D];
	s0 =	simm.s32 @p1 $0x1  }
0x15: {  	[smem:$0x3FAA] =	sst s0;
	s0 =	simm.s32 @!p2 $0x0  }
0x16: {  	s3 =	sld [smem:$0x3FDB];
	s0 =	simm.s32 @p2 $0x1  }
0x17: {  	s4 =	simm.s32 $0x1BF5;
	[smem:$0x3FAC] =	sst s0  }
0x18: {  	s0 =	sld [smem:$0x3F8F];
	_ =	swait.ge [sflag:s4], $0x0  }
0x19: {  	s7 =	sld [smem:$0x3F90]  }
0x1a: {  	s8 =	sadd.s32 $0xFFFFE003, lr  }
0x1b: {  	s9 =	sadd.s32 $0xFFFFFEF7, lr;
	s5 =	simm.s32 $0xFFFFFFFF;
	p2 =	slt.u32 s8, $0xFFFFF086  }
0x1c: {  	p1 =	slt.u32 s9, $0xF7A;
	s5 =	simm.s32 @!p2 $0x0  }
0x1d: {  	s5 =	simm.s32 @p1 $0x1;
	p0 =	seq.s32 s7, s2  }
0x1e: {  	s7 =	smul.u32 @!p0 $0xF7A, s2;
	p2 =	seq.s32 @!p0 s5, $0x0  }
0x1f: {  	s9 =	smul.u32 $0xF7A, s1;
	s8 =	simm.s32 @!p0 $0x1BF5;
	p2 =	por !p2, p0  }
0x20: {  	[sflag:s8] =	ssyncset.s32 @!p0 $0xFFFFF086;
	s6 =	sadd.s32 @!p0 s3, s7;
	s7 =	simm.s32 @!p0 $0x108  }
0x21: {  	s3 =	sadd.s32 s3, s9;
	s6 =	sadd.s32 @!p0 $0x88, s6;
	s7 =	simm.s32 @p2 $0x1082  }
0x22: {  	[simem:s7], [sflag:s8] =	dma.local @!p0 [hbm:s6], $0xF7A  }
0x23: {  	s9 =	sor.u32 $0xD0000000, s2;
	s6 =	simm.s32 $0x108;
	_ =	swait.ge @!p0 [sflag:s8], $0x0  }
0x24: {  	s3 =	sadd.s32 $0x88, s3;
	s6 =	simm.s32 @!p1 $0x1082;
	[sflag:s4] =	ssyncset.s32 $0xFFFFF086  }
0x25: {  	[simem:s6], [sflag:s4] =	dma.local [hbm:s3], $0xF7A  }
0x26: {  	[smem:$0x3F90] =	sst s1;
	(tag) =	ssettag s2;
	_ =	strace s9  }
0x27: {  	s1 =	sld [smem:$0x3FA0]  }
0x28: {  	s2 =	sld [smem:$0x3FA1]  }
0x29: {  	s4 =	sld [smem:$0x3FA3]  }
0x2a: {  	p0 =	seq.s32 s5, $0x0;
	s5 =	sld [smem:$0x3FA4]  }
0x2b: {  	s6 =	sld [smem:$0x3FA5]  }
0x2c: {  	s7 =	sld [smem:$0x3FA6]  }
0x2d: {  	s3 =	simm.s32 $0x108;
	s8 =	sld [smem:$0x3FA7]  }
0x2e: {  	s3 =	simm.s32 @!p0 $0x1082;
	s9 =	sld [smem:$0x3FA8]  }
0x2f: {  	lr =	sadd.s32 s0, s3;
	s0 =	sld [smem:$0x3F9F]  }
0x30: {  	s3 =	sld [smem:$0x3FA2]  }
0x31: {  	[smem:$0x3FAB] =	sst s10  }
0x32: {  	s10 =	sld [smem:$0x3FA9];
	_ =	sdelay $0x3  }
0x33: {  	p0 =	seq.s32 s10, $0x1;
	s10 =	sld [smem:$0x3FAB];
	_ =	sdelay $0x3  }
0x34: {  	[smem:$0x3FAB] =	sst s10  }
0x35: {  	s10 =	sld [smem:$0x3FAA];
	_ =	sdelay $0x3  }
0x36: {  	p1 =	seq.s32 s10, $0x1;
	s10 =	sld [smem:$0x3FAB];
	_ =	sdelay $0x3  }
0x37: {  	[smem:$0x3FAB] =	sst s10  }
0x38: {  	s10 =	sld [smem:$0x3FAC]  }
0x39: {  	_ = 	snop;
	(pc) =	sbr.ind lr, $3  }
0x3a: {  	_ = 	snop  }
0x3b: {  	_ = 	snop  }
0x3c: {  	p2 =	seq.s32 s10, $0x1;
	s10 =	sld [smem:$0x3FAB]  }
0x3d: {  	_ =	shalt  }
0x3e: {  	_ =	shalt  }
0x3f: {  	_ =	shalt  }
0x40: {  	_ =	shalt  }
0x41: {  	_ =	shalt  }
0x42: {  	_ =	shalt  }
0x43: {  	_ =	shalt  }
0x44: {  	_ =	shalt  }
0x45: {  	_ =	shalt  }
0x46: {  	_ =	shalt  }
0x47: {  	_ =	shalt  }
0x48: {  	_ =	shalt  }
0x49: {  	_ =	shalt  }
0x4a: {  	_ =	shalt  }
0x4b: {  	_ =	shalt  }
0x4c: {  	_ =	shalt  }
0x4d: {  	_ =	shalt  }
0x4e: {  	_ =	shalt  }
0x4f: {  	_ =	shalt  }
0x50: {  	_ =	shalt  }
0x51: {  	_ =	shalt  }
0x52: {  	_ =	shalt  }
0x53: {  	_ =	shalt  }
0x54: {  	_ =	shalt  }
0x55: {  	_ =	shalt  }
0x56: {  	_ =	shalt  }
0x57: {  	_ =	shalt  }
0x58: {  	_ =	shalt  }
0x59: {  	_ =	shalt  }
0x5a: {  	_ =	shalt  }
0x5b: {  	_ =	shalt  }
0x5c: {  	_ =	shalt  }
0x5d: {  	_ =	shalt  }
0x5e: {  	_ =	shalt  }
0x5f: {  	_ =	shalt  }
0x60: {  	_ =	shalt  }
0x61: {  	_ =	shalt  }
0x62: {  	_ =	shalt  }
0x63: {  	_ =	shalt  }
0x64: {  	_ =	shalt  }
0x65: {  	_ =	shalt  }
0x66: {  	_ =	shalt  }
0x67: {  	_ =	shalt  }
0x68: {  	_ =	shalt  }
0x69: {  	_ =	shalt  }
0x6a: {  	_ =	shalt  }
0x6b: {  	_ =	shalt  }
0x6c: {  	_ =	shalt  }
0x6d: {  	_ =	shalt  }
0x6e: {  	_ =	shalt  }
0x6f: {  	_ =	shalt  }
0x70: {  	_ =	shalt  }
0x71: {  	_ =	shalt  }
0x72: {  	_ =	shalt  }
0x73: {  	_ =	shalt  }
0x74: {  	_ =	shalt  }
0x75: {  	_ =	shalt  }
0x76: {  	_ =	shalt  }
0x77: {  	_ =	shalt  }
0x78: {  	_ =	shalt  }
0x79: {  	_ =	shalt  }
0x7a: {  	_ =	shalt  }
0x7b: {  	_ =	shalt  }
0x7c: {  	_ =	shalt  }
0x7d: {  	_ =	shalt  }
0x7e: {  	_ =	shalt  }
0x7f: {  	_ =	shalt  }
0x80: {  	_ =	shalt  }
0x81: {  	_ =	shalt  }
0x82: {  	_ =	shalt  }
0x83: {  	_ =	shalt  }
0x84: {  	_ =	shalt  }
0x85: {  	_ =	shalt  }
0x86: {  	_ =	shalt  }
0x87: {  	_ =	shalt  }
.Lfunc_end0:
.L_simem_size_0:
called_computation_lowered:
.L_overlay_start_0:
0x88: {  	s2 =	sld [smem:$0x3FD9]  }
0x89: {  	s3 =	sld [smem:$0x3FFE];
	_ =	sdelay $0x1  }
0x8a: {  	s1 =	srdreg.scid  }
0x8b: {  	s0 =	sand.u32 $0x1, s1  }
0x8c: {  	s14 =	sshll.u32 s0, $0xA;
	s2 =	sadd.s32 s3, s2  }
0x8d: {  	s2 =	sadd.s32 s2, s14  }
0x8e: {  	[smem:$0x3FB7] =	sst s2  }
0x8f: {  	_ = 	snop  }
0x90: {  	s2 =	sld [smem:$0x3FD0];
	_ =	sdelay $0x2  }
0x91: {  	s15 =	simm.s32 $0xA;
	s4 =	simm.s32 $0x10  }
0x92: {  	[smem:s4], [sflag:s15] =	dma.local [hbm:s2], $0x1  }
0x93: {  	_ =	swait.eq [sflag:s15], $0x1  }
0x94: {  	[sflag:s15] =	ssyncset.done $0x0  }
0x95: {  	[sflag:s15] =	ssyncadd.s32 $0xFFFFFFFF  }
0x96: {  	s16 =	sld [smem:$0x12];
	(tm) =	ssettm $0x1  }
0x97: {  	s17 =	sld [smem:$0x3FFB];
	_ =	sdelay $0x3  }
0x98: {  	_ =	strace s17  }
0x99: {  	s3 =	sld [smem:$0x3FFC];
	_ =	sdelay $0x3  }
0x9a: {  	_ =	strace s3  }
0x9b: {  	s3 =	sld [smem:$0x3FFD];
	_ =	sdelay $0x3  }
0x9c: {  	_ =	strace s3  }
0x9d: {  	_ =	strace $0x8FFFFFFF  }
0x9e: {  	s18 =	sld [smem:$0x3FDB];
	_ =	sdelay $0x1  }
0x9f: {  	s19 =	simm.s32 $_scs_section_size  }
0xa0: {  	s5 =	simm.s32 $_size__tile_overlayer_lowered;
	s6 =	simm.s32 $_tile_overlayer_lowered  }
0xa1: {  	s22 =	simm.s32 $0x1BFF;
	s21 =	sshll.u32 s6, $0x1;
	s3 =	sadd.s32 s19, s18  }
0xa2: {  	s7 =	simm.s32 $0x0;
	s20 =	sshll.u32 s5, $0x1;
	s5 =	sadd.s32 s21, s3  }
0xa3: {  	[timem:s7], [sflag:s22] =	dma.local [hbm:s5], s20  }
0xa4: {  	_ =	swait.ge [sflag:s22], s20  }
0xa5: {  	s4 =	ssub.s32 $0x0, s20;
	[sflag:s22] =	ssyncset.done $0x0  }
0xa6: {  	[sflag:s22] =	ssyncadd.s32 s4;
	_ =	sdelay $0x1  }
0xa7: {  	s23 =	simm.s32 $0x1B8B  }
0xa8: {  	_ =	swait.ge [sflag:s23], $0x1  }
0xa9: {  	[sflag:s23] =	ssyncset.done $0x0  }
0xaa: {  	s25 =	simm.s32 $0x1B8E;
	s24 =	sld [smem:$0x3FFE];
	[sflag:s23] =	ssyncadd.s32 $0xFFFFFFFF  }
0xab: {  	s26 =	simm.s32 $execute0_lowered;
	[smem:$0x3FD2] =	sst s25  }
0xac: {  	s5 =	sshll.u32 s26, $0x1;
	_ =	strace $0x80000046;
	[dreg:$0x1] =	wrdreg $0xFFFFFFFF  }
0xad: {  	s28 =	simm.s32 $_size_execute0_lowered;
	s3 =	sadd.s32 s3, s5;
	[dreg:$0x0] =	wrdreg $0x0  }
0xae: {  	s5 =	sshll.u32 s28, $0x1;
	[dreg:$0x2] =	wrdreg s3  }
0xaf: {  	[dreg:$0x3] =	wrdreg s5  }
0xb0: {  	[dreg:$0x4] =	wrdreg $0xC0  }
0xb1: {  	_ =	task [dreg:s7], $0x5FFFF  }
0xb2: {  	[dreg:$0x1] =	wrdreg $0xFFFFFFFF  }
0xb3: {  	[dreg:$0x0] =	wrdreg $0x60  }
0xb4: {  	[dreg:$0x2] =	wrdreg s16  }
0xb5: {  	[dreg:$0x3] =	wrdreg s24  }
0xb6: {  	[dreg:$0x4] =	wrdreg $0xB0000  }
0xb7: {  	[dreg:$0x5] =	wrdreg $0x9  }
0xb8: {  	_ =	task.clear_ibuf [dreg:s7], $0x6FFFF;
	_ =	strace $0x90000046  }
0xb9: {  	s29 =	simm.s32 $0x9;
	_ =	strace $0x80000048  }
0xba: {  	_ =	swait.ge [sflag:s29], $0x1  }
0xbb: {  	[sflag:s29] =	ssyncadd.s32 $0xFFFFFFFF  }
0xbc: {  	_ =	strace $0x90000048  }
0xbd: {  	_ =	sfence  }
0xbe: {  	s30 =	sld [smem:$0x0];
	_ =	sdelay $0x2  }
0xbf: {  	s31 =	sshll.u32 s1, $0xD;
	s1 =	sshrl.u32 s1, $0x2  }
0xc0: {  	s3 =	sand.u32 $0x4000, s31;
	s1 =	sadd.s32 s1, s30  }
0xc1: {  	s0 =	sor.u32 s3, s0;
	s1 =	sshll.u32 s1, $0x11  }
0xc2: {  	s0 =	sor.u32 s1, s0  }
0xc3: {  	s0 =	sadd.s32 $0x8F2B, s0  }
0xc4: {  	[sflag:s0] =	ssyncadd.remote.s32 $0x1  }
0xc5: {  	_ =	sfence.sel $0xFFFF  }
0xc6: {  	[dreg:$0x0] =	wrdreg $0xFFFFFFFF;
	(pc) =	sbr.abs _section_cstart, $3  }
0xc7: {  	[dreg:$0x1] =	wrdreg $0xFFFFFFFF  }
0xc8: {  	_ =	task.clear_ibuf [dreg:s7], $0x2FFFF;
	_ =	strace $0x9FFFFFFF  }
0xc9: {  	(tm) =	ssettm $0x7FFFFFFF  }
tec
execute0_lowered:
.L_overlay_start_1:
0x0: {  	(tag) =	ssettag $0x1  }
0x1: {  	s1 =	rddreg [dreg:$0x0]  }
0x2: {  	s2 =	srdreg.scid;
	s6 =	rddreg [dreg:$0x1]  }
0x3: {  	s0 =	stileid.u32;
	s3 =	rddreg [dreg:$0x2];
	s4 =	simm.s32 $0x0  }
0x4: {  	s13 =	simm.s32 $0x2800;
	s14 =	simm.s32 $0x3000;
	s15 =	simm.s32 $0x2900  }
0x5: {  	s16 =	simm.s32 $0x7000;
	s17 =	simm.s32 $0x1;
	s18 =	simm.s32 $0x2880  }
0x6: {  	s19 =	simm.s32 $0x2;
	s20 =	simm.s32 $0x2980;
	s21 =	simm.s32 $0x0  }
0x7: {  	s5 =	sand.u32 $0x1, s2;
	s26 =	sshll.u32 s0, $0x1;
	s8 =	smul.u32 $0x14000, s0  }
0x8: {  	[smem:$0x7FF] =	sst s4;
	s28 =	smul.u32 $0x50000, s0;
	s31 =	sshll.u32 s0, $0x6  }
0x9: {  	s2 =	sor.u32 s5, s26;
	s9 =	smul.u32 $0x140000, s5;
	s5 =	ssub.s32 $0x2, s5  }
0xa: {  	s7 =	smul.u32 $0x500, s2;
	s2 =	rddreg [dreg:$0x3];
	_ =	strace $0x80000047  }
0xb: {  	s10 =	sshrl.u32 s8, $0x3;
	s29 =	sshrl.u32 s5, $0x1;
	s30 =	sshrl.u32 s28, $0x2  }
0xc: {  	s8 =	sadd.s32 s8, s9;
	s10 =	sadd.s32 s10, s6;
	s11 =	ssub.s32 s5, s29  }
0xd: {  	s12 =	sadd.s32 s30, s3;
	s7 =	sadd.s32 s7, s6;
	s8 =	sshrl.u32 s8, $0x3  }
0xe: {  	s5 =	sadd.s32 $0xD400, s10;
	s9 =	smax.u32 s11, $0x1;
	s10 =	sshrl.u32 s12, $0x3  }
0xf: {  	s11 =	simm.s32 $0x3;
	s12 =	simm.s32 $0x80;
	s8 =	sadd.s32 s8, s6  }
0x10: {  	s6 =	sor.u32 $0x1C03, s31;
	s7 =	sadd.s32 $0x3400, s7;
	s8 =	sadd.s32 $0x35400, s8  }
.LBB2_1:
0x11: {  	[spmem:s10], [sflag:s6] =	dma.local [hbm:s5], $0x2800  }
0x12: {  	_ =	swait.ge [sflag:s11], $0x2800  }
0x13: {  	[sflag:s11] =	ssyncset.done $0x0  }
0x14: {  	[sflag:s11] =	ssyncadd.s32 $0xFFFFD800  }
0x15: {  	[tilespmem:s4], [sflag:$0x3] =	stream.linear.gather [hbm4b:s7+s4], $0x2800, $0x38;
	[tilespmem:$0x1F000] =	vst v63  }
0x16: {  	_ =	swait.ge [sflag:s11], $0x2800  }
0x17: {  	[sflag:s11] =	ssyncset.done $0x0  }
0x18: {  	[sflag:s11] =	ssyncadd.s32 $0xFFFFD800  }
0x19: {  	[bflag:$0x0] =	sbarrier.arrive $0xFFFF  }
0x1a: {  	v0 =	vld [tilespmem:$0x0];
	_ =	sdelay $0x1  }
0x1b: {  	v1 =	vld [tilespmem:$0x10];
	_ =	sdelay $0x1  }
0x1c: {  	v2 =	vld [tilespmem:$0x20]  }
0x1d: {  	v3 =	vand.u32 $0xFFFF, v0  }
0x1e: {  	v0 =	vshrl.u32 v0, $0x10;
	[tilespmem:$0x2800] =	vst v3;
	v3 =	vld [tilespmem:$0x30]  }
0x1f: {  	[tilespmem:$0x2880] =	vst v0;
	v0 =	vand.u32 $0xFFFF, v1  }
0x20: {  	[tilespmem:$0x2810] =	vst v0;
	v0 =	vshrl.u32 v1, $0x10;
	v1 =	vld [tilespmem:$0x40]  }
0x21: {  	[tilespmem:$0x2890] =	vst v0;
	v0 =	vand.u32 $0xFFFF, v2  }
0x22: {  	[tilespmem:$0x2820] =	vst v0;
	v0 =	vshrl.u32 v2, $0x10;
	v2 =	vld [tilespmem:$0x50]  }
0x23: {  	[tilespmem:$0x28A0] =	vst v0;
	v0 =	vand.u32 $0xFFFF, v3  }
0x24: {  	[tilespmem:$0x2830] =	vst v0;
	v0 =	vshrl.u32 v3, $0x10;
	v3 =	vld [tilespmem:$0x60]  }
0x25: {  	[tilespmem:$0x28B0] =	vst v0;
	v0 =	vand.u32 $0xFFFF, v1  }
0x26: {  	[tilespmem:$0x2840] =	vst v0;
	v0 =	vshrl.u32 v1, $0x10;
	v1 =	vld [tilespmem:$0x70]  }
0x27: {  	[tilespmem:$0x28C0] =	vst v0;
	v0 =	vand.u32 $0xFFFF, v2  }
0x28: {  	[tilespmem:$0x2850] =	vst v0;
	v0 =	vshrl.u32 v2, $0x10  }
0x29: {  	[tilespmem:$0x28D0] =	vst v0;
	v0 =	vand.u32 $0xFFFF, v3  }
0x2a: {  	[tilespmem:$0x2860] =	vst v0;
	v0 =	vshrl.u32 v3, $0x10  }
0x2b: {  	[tilespmem:$0x28E0] =	vst v0;
	v0 =	vand.u32 $0xFFFF, v1  }
0x2c: {  	[tilespmem:$0x2870] =	vst v0;
	v0 =	vshrl.u32 v1, $0x10  }
0x2d: {  	s22 =	simm.s32 $0x0;
	[tilespmem:$0x28F0] =	vst v0  }
0x2e: {  	[tilespmem:s14], [sflag:$0x1] =	stream.indirect.gather [hbm4b:s1+s12], $0x80, s13, s12, $0xb8;
	[tilespmem:$0x1F000] =	vst v63  }
0x2f: {  	v0 =	vld [tilespmem:s22+$0x80];
	_ =	sdelay $0x4  }
0x30: {  	v1 =	vand.u32 $0xFFFF, v0  }
0x31: {  	v0 =	vshrl.u32 v0, $0x10;
	[tilespmem:$0x2900] =	vst v1  }
0x32: {  	[tilespmem:$0x2980] =	vst v0  }
0x33: {  	v0 =	vld [tilespmem:s22+$0x90];
	_ =	sdelay $0x4  }
0x34: {  	v1 =	vand.u32 $0xFFFF, v0  }
0x35: {  	v0 =	vshrl.u32 v0, $0x10;
	[tilespmem:$0x2910] =	vst v1  }
0x36: {  	[tilespmem:$0x2990] =	vst v0  }
0x37: {  	v0 =	vld [tilespmem:s22+$0xA0];
	_ =	sdelay $0x4  }
0x38: {  	v1 =	vand.u32 $0xFFFF, v0  }
0x39: {  	v0 =	vshrl.u32 v0, $0x10;
	[tilespmem:$0x2920] =	vst v1  }
0x3a: {  	[tilespmem:$0x29A0] =	vst v0  }
0x3b: {  	v0 =	vld [tilespmem:s22+$0xB0];
	_ =	sdelay $0x4  }
0x3c: {  	v1 =	vand.u32 $0xFFFF, v0  }
0x3d: {  	v0 =	vshrl.u32 v0, $0x10;
	[tilespmem:$0x2930] =	vst v1  }
0x3e: {  	[tilespmem:$0x29B0] =	vst v0  }
0x3f: {  	v0 =	vld [tilespmem:s22+$0xC0];
	_ =	sdelay $0x4  }
0x40: {  	v1 =	vand.u32 $0xFFFF, v0  }
0x41: {  	v0 =	vshrl.u32 v0, $0x10;
	[tilespmem:$0x2940] =	vst v1  }
0x42: {  	[tilespmem:$0x29C0] =	vst v0  }
0x43: {  	v0 =	vld [tilespmem:s22+$0xD0];
	_ =	sdelay $0x4  }
0x44: {  	v1 =	vand.u32 $0xFFFF, v0  }
0x45: {  	v0 =	vshrl.u32 v0, $0x10;
	[tilespmem:$0x2950] =	vst v1  }
0x46: {  	[tilespmem:$0x29D0] =	vst v0  }
0x47: {  	v0 =	vld [tilespmem:s22+$0xE0];
	_ =	sdelay $0x4  }
0x48: {  	v1 =	vand.u32 $0xFFFF, v0  }
0x49: {  	v0 =	vshrl.u32 v0, $0x10;
	[tilespmem:$0x2960] =	vst v1  }
0x4a: {  	[tilespmem:$0x29E0] =	vst v0  }
0x4b: {  	v0 =	vld [tilespmem:s22+$0xF0];
	_ =	sdelay $0x4  }
0x4c: {  	v1 =	vand.u32 $0xFFFF, v0  }
0x4d: {  	v0 =	vshrl.u32 v0, $0x10;
	[tilespmem:$0x2970] =	vst v1  }
0x4e: {  	[tilespmem:$0x29F0] =	vst v0  }
0x4f: {  	[tilespmem:s16], [sflag:$0x2] =	stream.indirect.gather [hbm4b:s1+s12], $0x80, s15, s12, $0xb8;
	[tilespmem:$0x1F000] =	vst v63  }
0x50: {  	_ =	swait.ge [sflag:s17], $0x4000  }
0x51: {  	[sflag:s17] =	ssyncset.done $0x0  }
0x52: {  	[sflag:s17] =	ssyncadd.s32 $0xFFFFC000  }
0x53: {  	[spmem:s3] =	stream.indirect.scatter.add.f32 [tilespmem:s14], [sflag:$0x3], $0x80, s18, s12, $0xb8;
	[tilespmem:$0x1F000] =	vst v63  }
0x54: {  	_ =	swait.ge [sflag:s11], $0x4000  }
0x55: {  	[sflag:s11] =	ssyncset.done $0x0  }
0x56: {  	[sflag:s11] =	ssyncadd.s32 $0xFFFFC000  }
0x57: {  	v0 =	vld [tilespmem:s22+$0x100];
	_ =	sdelay $0x4  }
0x58: {  	v1 =	vand.u32 $0xFFFF, v0  }
0x59: {  	v0 =	vshrl.u32 v0, $0x10;
	[tilespmem:$0x2800] =	vst v1  }
0x5a: {  	[tilespmem:$0x2880] =	vst v0  }
0x5b: {  	v0 =	vld [tilespmem:s22+$0x110];
	_ =	sdelay $0x4  }
0x5c: {  	v1 =	vand.u32 $0xFFFF, v0  }
0x5d: {  	v0 =	vshrl.u32 v0, $0x10;
	[tilespmem:$0x2810] =	vst v1  }
0x5e: {  	[tilespmem:$0x2890] =	vst v0  }
0x5f: {  	v0 =	vld [tilespmem:s22+$0x120];
	_ =	sdelay $0x4  }
0x60: {  	v1 =	vand.u32 $0xFFFF, v0  }
0x61: {  	v0 =	vshrl.u32 v0, $0x10;
	[tilespmem:$0x2820] =	vst v1  }
0x62: {  	[tilespmem:$0x28A0] =	vst v0  }
0x63: {  	v0 =	vld [tilespmem:s22+$0x130];
	_ =	sdelay $0x4  }
0x64: {  	v1 =	vand.u32 $0xFFFF, v0  }
0x65: {  	v0 =	vshrl.u32 v0, $0x10;
	[tilespmem:$0x2830] =	vst v1  }
0x66: {  	[tilespmem:$0x28B0] =	vst v0  }
0x67: {  	v0 =	vld [tilespmem:s22+$0x140];
	_ =	sdelay $0x4  }
0x68: {  	v1 =	vand.u32 $0xFFFF, v0  }
0x69: {  	v0 =	vshrl.u32 v0, $0x10;
	[tilespmem:$0x2840] =	vst v1  }
0x6a: {  	[tilespmem:$0x28C0] =	vst v0  }
0x6b: {  	v0 =	vld [tilespmem:s22+$0x150];
	_ =	sdelay $0x4  }
0x6c: {  	v1 =	vand.u32 $0xFFFF, v0  }
0x6d: {  	v0 =	vshrl.u32 v0, $0x10;
	[tilespmem:$0x2850] =	vst v1  }
0x6e: {  	[tilespmem:$0x28D0] =	vst v0  }
0x6f: {  	v0 =	vld [tilespmem:s22+$0x160];
	_ =	sdelay $0x4  }
0x70: {  	v1 =	vand.u32 $0xFFFF, v0  }
0x71: {  	s23 =	simm.s32 $0x400;
	v0 =	vshrl.u32 v0, $0x10;
	[tilespmem:$0x2860] =	vst v1  }
.LBB2_2:
0x72: {  	p0 =	sne.s32 s23, $0x9800;
	[tilespmem:$0x28E0] =	vst v0;
	s24 =	smov.u32 s23;
	s23 =	sadd.s32 $0x400, s23  }
0x73: {  	v0 =	vld [tilespmem:s22+$0x170];
	_ =	sdelay $0x4  }
0x74: {  	v1 =	vand.u32 $0xFFFF, v0;
	v0 =	vshrl.u32 v0, $0x10  }
0x75: {  	[tilespmem:$0x2870] =	vst v1  }
0x76: {  	[tilespmem:$0x28F0] =	vst v0  }
0x77: {  	[tilespmem:s14], [sflag:$0x1] =	stream.indirect.gather [hbm4b:s1+s12], $0x80, s13, s12, $0xb8;
	[tilespmem:$0x1F000] =	vst v63  }
0x78: {  	_ =	swait.ge [sflag:s19], $0x4000  }
0x79: {  	[sflag:s19] =	ssyncset.done $0x0  }
0x7a: {  	[sflag:s19] =	ssyncadd.s32 $0xFFFFC000  }
0x7b: {  	[spmem:s3] =	stream.indirect.scatter.add.f32 [tilespmem:s16], [sflag:$0x3], $0x80, s20, s12, $0xb8;
	[tilespmem:$0x1F000] =	vst v63  }
0x7c: {  	_ =	swait.ge [sflag:s11], $0x4000  }
0x7d: {  	[sflag:s11] =	ssyncset.done $0x0  }
0x7e: {  	s22 =	sshra.s32 s24, $0x2;
	[sflag:s11] =	ssyncadd.s32 $0xFFFFC000  }
0x7f: {  	v0 =	vld [tilespmem:s22+$0x80];
	_ =	sdelay $0x4  }
0x80: {  	v1 =	vand.u32 $0xFFFF, v0;
	v0 =	vshrl.u32 v0, $0x10  }
0x81: {  	[tilespmem:$0x2900] =	vst v1  }
0x82: {  	[tilespmem:$0x2980] =	vst v0  }
0x83: {  	v0 =	vld [tilespmem:s22+$0x90];
	_ =	sdelay $0x4  }
0x84: {  	v1 =	vand.u32 $0xFFFF, v0;
	v0 =	vshrl.u32 v0, $0x10  }
0x85: {  	[tilespmem:$0x2910] =	vst v1  }
0x86: {  	[tilespmem:$0x2990] =	vst v0  }
0x87: {  	v0 =	vld [tilespmem:s22+$0xA0];
	_ =	sdelay $0x4  }
0x88: {  	v1 =	vand.u32 $0xFFFF, v0;
	v0 =	vshrl.u32 v0, $0x10  }
0x89: {  	[tilespmem:$0x2920] =	vst v1  }
0x8a: {  	[tilespmem:$0x29A0] =	vst v0  }
0x8b: {  	v0 =	vld [tilespmem:s22+$0xB0];
	_ =	sdelay $0x4  }
0x8c: {  	v1 =	vand.u32 $0xFFFF, v0;
	v0 =	vshrl.u32 v0, $0x10  }
0x8d: {  	[tilespmem:$0x2930] =	vst v1  }
0x8e: {  	[tilespmem:$0x29B0] =	vst v0  }
0x8f: {  	v0 =	vld [tilespmem:s22+$0xC0];
	_ =	sdelay $0x4  }
0x90: {  	v1 =	vand.u32 $0xFFFF, v0;
	v0 =	vshrl.u32 v0, $0x10  }
0x91: {  	[tilespmem:$0x2940] =	vst v1  }
0x92: {  	[tilespmem:$0x29C0] =	vst v0  }
0x93: {  	v0 =	vld [tilespmem:s22+$0xD0];
	_ =	sdelay $0x4  }
0x94: {  	v1 =	vand.u32 $0xFFFF, v0;
	v0 =	vshrl.u32 v0, $0x10  }
0x95: {  	[tilespmem:$0x2950] =	vst v1  }
0x96: {  	[tilespmem:$0x29D0] =	vst v0  }
0x97: {  	v0 =	vld [tilespmem:s22+$0xE0];
	_ =	sdelay $0x4  }
0x98: {  	v1 =	vand.u32 $0xFFFF, v0;
	v0 =	vshrl.u32 v0, $0x10  }
0x99: {  	[tilespmem:$0x2960] =	vst v1  }
0x9a: {  	[tilespmem:$0x29E0] =	vst v0  }
0x9b: {  	v0 =	vld [tilespmem:s22+$0xF0];
	_ =	sdelay $0x4  }
0x9c: {  	v1 =	vand.u32 $0xFFFF, v0;
	v0 =	vshrl.u32 v0, $0x10  }
0x9d: {  	[tilespmem:$0x2970] =	vst v1  }
0x9e: {  	[tilespmem:$0x29F0] =	vst v0  }
0x9f: {  	[tilespmem:s16], [sflag:$0x2] =	stream.indirect.gather [hbm4b:s1+s12], $0x80, s15, s12, $0xb8;
	[tilespmem:$0x1F000] =	vst v63  }
0xa0: {  	_ =	swait.ge [sflag:s17], $0x4000  }
0xa1: {  	[sflag:s17] =	ssyncset.done $0x0  }
0xa2: {  	[sflag:s17] =	ssyncadd.s32 $0xFFFFC000  }
0xa3: {  	[spmem:s3] =	stream.indirect.scatter.add.f32 [tilespmem:s14], [sflag:$0x3], $0x80, s18, s12, $0xb8;
	[tilespmem:$0x1F000] =	vst v63  }
0xa4: {  	_ =	swait.ge [sflag:s11], $0x4000  }
0xa5: {  	[sflag:s11] =	ssyncset.done $0x0  }
0xa6: {  	[sflag:s11] =	ssyncadd.s32 $0xFFFFC000  }
0xa7: {  	v0 =	vld [tilespmem:s22+$0x100];
	_ =	sdelay $0x4  }
0xa8: {  	v1 =	vand.u32 $0xFFFF, v0;
	v0 =	vshrl.u32 v0, $0x10  }
0xa9: {  	[tilespmem:$0x2800] =	vst v1  }
0xaa: {  	[tilespmem:$0x2880] =	vst v0  }
0xab: {  	v0 =	vld [tilespmem:s22+$0x110];
	_ =	sdelay $0x4  }
0xac: {  	v1 =	vand.u32 $0xFFFF, v0;
	v0 =	vshrl.u32 v0, $0x10  }
0xad: {  	[tilespmem:$0x2810] =	vst v1  }
0xae: {  	[tilespmem:$0x2890] =	vst v0  }
0xaf: {  	v0 =	vld [tilespmem:s22+$0x120];
	_ =	sdelay $0x4  }
0xb0: {  	v1 =	vand.u32 $0xFFFF, v0;
	v0 =	vshrl.u32 v0, $0x10  }
0xb1: {  	[tilespmem:$0x2820] =	vst v1  }
0xb2: {  	[tilespmem:$0x28A0] =	vst v0  }
0xb3: {  	v0 =	vld [tilespmem:s22+$0x130];
	_ =	sdelay $0x4  }
0xb4: {  	v1 =	vand.u32 $0xFFFF, v0;
	v0 =	vshrl.u32 v0, $0x10  }
0xb5: {  	[tilespmem:$0x2830] =	vst v1  }
0xb6: {  	[tilespmem:$0x28B0] =	vst v0  }
0xb7: {  	v0 =	vld [tilespmem:s22+$0x140];
	_ =	sdelay $0x4  }
0xb8: {  	v1 =	vand.u32 $0xFFFF, v0;
	v0 =	vshrl.u32 v0, $0x10  }
0xb9: {  	[tilespmem:$0x2840] =	vst v1  }
0xba: {  	[tilespmem:$0x28C0] =	vst v0  }
0xbb: {  	v0 =	vld [tilespmem:s22+$0x150];
	_ =	sdelay $0x4  }
0xbc: {  	v1 =	vand.u32 $0xFFFF, v0;
	v0 =	vshrl.u32 v0, $0x10  }
0xbd: {  	[tilespmem:$0x2850] =	vst v1  }
0xbe: {  	[tilespmem:$0x28D0] =	vst v0  }
0xbf: {  	v0 =	vld [tilespmem:s22+$0x160];
	_ =	sdelay $0x1  }
.Ltmp0:
0xc0: {  	(pc) =	sbr.rel @p0 .LBB2_2-.Ltmp0, $3  }
0xc1: {  	_ =	sdelay $0x1  }
0xc2: {  	v1 =	vand.u32 $0xFFFF, v0;
	v0 =	vshrl.u32 v0, $0x10  }
0xc3: {  	[tilespmem:$0x2860] =	vst v1  }
0xc4: {  	[tilespmem:$0x28E0] =	vst v0  }
0xc5: {  	v0 =	vld [tilespmem:s22+$0x170];
	_ =	sdelay $0x4  }
0xc6: {  	v1 =	vand.u32 $0xFFFF, v0  }
0xc7: {  	v0 =	vshrl.u32 v0, $0x10;
	[tilespmem:$0x2870] =	vst v1  }
0xc8: {  	[tilespmem:$0x28F0] =	vst v0  }
0xc9: {  	[tilespmem:s14], [sflag:$0x1] =	stream.indirect.gather [hbm4b:s1+s12], $0x80, s13, s12, $0xb8;
	[tilespmem:$0x1F000] =	vst v63  }
0xca: {  	_ =	swait.ge [sflag:s19], $0x4000  }
0xcb: {  	[sflag:s19] =	ssyncset.done $0x0  }
0xcc: {  	[sflag:s19] =	ssyncadd.s32 $0xFFFFC000  }
0xcd: {  	[spmem:s3] =	stream.indirect.scatter.add.f32 [tilespmem:s16], [sflag:$0x3], $0x80, s20, s12, $0xb8;
	[tilespmem:$0x1F000] =	vst v63  }
0xce: {  	_ =	swait.ge [sflag:s11], $0x4000  }
0xcf: {  	[sflag:s11] =	ssyncset.done $0x0  }
0xd0: {  	[sflag:s11] =	ssyncadd.s32 $0xFFFFC000  }
0xd1: {  	v43 =	vld [tilespmem:$0x2780];
	_ =	sdelay $0x1  }
0xd2: {  	v44 =	vld [tilespmem:$0x2790];
	_ =	sdelay $0x1  }
0xd3: {  	v2 =	vld [tilespmem:$0x27A0]  }
0xd4: {  	v3 =	vand.u32 $0xFFFF, v43  }
0xd5: {  	v45 =	vld [tilespmem:$0x27B0];
	v0 =	vshrl.u32 v43, $0x10;
	[tilespmem:$0x2900] =	vst v3  }
0xd6: {  	v46 =	vand.u32 $0xFFFF, v44;
	[tilespmem:$0x2980] =	vst v0  }
0xd7: {  	v48 =	vld [tilespmem:$0x27C0];
	v47 =	vshrl.u32 v44, $0x10;
	[tilespmem:$0x2910] =	vst v46  }
0xd8: {  	v49 =	vand.u32 $0xFFFF, v2;
	[tilespmem:$0x2990] =	vst v47  }
0xd9: {  	v51 =	vld [tilespmem:$0x27D0];
	v50 =	vshrl.u32 v2, $0x10;
	[tilespmem:$0x2920] =	vst v49  }
0xda: {  	v52 =	vand.u32 $0xFFFF, v45;
	[tilespmem:$0x29A0] =	vst v50  }
0xdb: {  	v54 =	vld [tilespmem:$0x27E0];
	v53 =	vshrl.u32 v45, $0x10;
	[tilespmem:$0x2930] =	vst v52  }
0xdc: {  	v55 =	vand.u32 $0xFFFF, v48;
	[tilespmem:$0x29B0] =	vst v53  }
0xdd: {  	v57 =	vld [tilespmem:$0x27F0];
	v56 =	vshrl.u32 v48, $0x10;
	[tilespmem:$0x2940] =	vst v55  }
0xde: {  	v58 =	vand.u32 $0xFFFF, v51;
	[tilespmem:$0x29C0] =	vst v56  }
0xdf: {  	v59 =	vshrl.u32 v51, $0x10;
	[tilespmem:$0x2950] =	vst v58  }
0xe0: {  	v60 =	vand.u32 $0xFFFF, v54;
	[tilespmem:$0x29D0] =	vst v59  }
0xe1: {  	v61 =	vshrl.u32 v54, $0x10;
	[tilespmem:$0x2960] =	vst v60  }
0xe2: {  	v62 =	vand.u32 $0xFFFF, v57;
	[tilespmem:$0x29E0] =	vst v61  }
0xe3: {  	v63 =	vshrl.u32 v57, $0x10;
	[tilespmem:$0x2970] =	vst v62  }
0xe4: {  	[tilespmem:$0x29F0] =	vst v63  }
0xe5: {  	[tilespmem:s16], [sflag:$0x2] =	stream.indirect.gather [hbm4b:s1+s12], $0x80, s15, s12, $0xb8;
	[tilespmem:$0x1F000] =	vst v63  }
0xe6: {  	_ =	swait.ge [sflag:s17], $0x4000  }
0xe7: {  	[sflag:s17] =	ssyncset.done $0x0  }
0xe8: {  	[sflag:s17] =	ssyncadd.s32 $0xFFFFC000  }
0xe9: {  	[spmem:s3] =	stream.indirect.scatter.add.f32 [tilespmem:s14], [sflag:$0x3], $0x80, s18, s12, $0xb8;
	[tilespmem:$0x1F000] =	vst v63  }
0xea: {  	_ =	swait.ge [sflag:s11], $0x4000  }
0xeb: {  	[sflag:s11] =	ssyncset.done $0x0  }
0xec: {  	[sflag:s11] =	ssyncadd.s32 $0xFFFFC000  }
0xed: {  	_ =	swait.ge [sflag:s19], $0x4000  }
0xee: {  	[sflag:s19] =	ssyncset.done $0x0  }
0xef: {  	[sflag:s19] =	ssyncadd.s32 $0xFFFFC000  }
0xf0: {  	[spmem:s3] =	stream.indirect.scatter.add.f32 [tilespmem:s16], [sflag:$0x3], $0x80, s20, s12, $0xb8;
	[tilespmem:$0x1F000] =	vst v63  }
0xf1: {  	_ =	swait.ge [sflag:s11], $0x4000  }
0xf2: {  	s21 =	sadd.s32 $0x1, s21;
	[sflag:s11] =	ssyncset.done $0x0  }
0xf3: {  	p0 =	sne.s32 s21, s9;
	[sflag:s11] =	ssyncadd.s32 $0xFFFFC000  }
.Ltmp1:
0xf4: {  	[bflag:$0x0] =	sbarrier.arrive $0xFFFF;
	(pc) =	sbr.rel @p0 .LBB2_1-.Ltmp1, $4  }
0xf5: {  	[hbm:s8], [sflag:s6] =	dma.local [spmem:s10], $0x2800  }
0xf6: {  	_ =	swait.ge [sflag:s11], $0x2800  }
0xf7: {  	[sflag:s11] =	ssyncset.done $0x0  }
0xf8: {  	[sflag:s11] =	ssyncadd.s32 $0xFFFFD800  }
0xf9: {  	_ =	sfence.sel $0x180000  }
0xfa: {  	[bflag:$0x0] =	sbarrier.arrive $0xFFFF  }
0xfb: {  	p0 =	sne.s32 s0, $0x0;
	_ =	strace $0x90000047  }
0xfc: {  	s0 =	sadd.s32 @!p0 $0x100000, s2;
	[bflag:$0x2] =	sbarrier.arrive $0xFFFF  }
0xfd: {  	[sflag:s0] =	ssyncadd.tile.s32 @!p0 $0x1;
	_ =	shalt  }
.Lfunc_end2:
_tile_overlayer_lowered:
.L_overlay_start_2:
0xfe: {  	(tag) =	ssettag $0x2  }
0xff: {  	s0 =	rddreg [dreg:$0x0];
	s2 =	stileid.u32  }
0x100: {  	s1 =	rddreg [dreg:$0x1];
	p0 =	sne.s32 s2, $0x0  }
0x101: {  	s3 =	rddreg [dreg:$0x2];
	[bflag:$0x3] =	sbarrier.arrive $0xFFFF;
	s2 =	simm.s32 @!p0 $0x1C03  }
0x102: {  	[timem:s3], [sflag:s2] =	dma.local @!p0 [hbm:s0], s1  }
0x103: {  	s0 =	simm.s32 @!p0 $0x3  }
0x104: {  	_ =	swait.ge @!p0 [sflag:s0], s1  }
0x105: {  	s1 =	ssub.s32 @!p0 $0x0, s1;
	[sflag:s0] =	ssyncset.done @!p0 $0x0  }
0x106: {  	[sflag:s0] =	ssyncadd.s32 @!p0 s1  }
0x107: {  	[bflag:$0x3] =	sbarrier.arrive $0xFFFF  }
0x108: {  	_ =	shalt  }

</sc_bundles>
